<compile_context>
chip_gen: v7x
topology: tpu7x:2x2x1
jax: 0.10.2.dev20260603
libtpu: 0.0.44.dev20260713+nightly
codegen_flags: <defaults>
</compile_context>

<pallas_src>
import functools

import jax
import jax.numpy as jnp
from jax import lax
from jax.experimental import pallas as pl
from jax.experimental.pallas import tpu as pltpu
from jax.experimental.pallas import tpu_sc as plsc

N = 4096
D = 1024
E = 8
K = 2

BR = 512
BT = 256
BTS = 8
P = N * K + E * BT
NB = P // BT
NBP = 48

NC = 2
NS = 16
NW = NC * NS
PAIRS = N * K
PPW = PAIRS // NW
CH = 32
NCH = PPW // CH
NBUF = 3
TW = N // NW


def _router_body(x_ref, wn_ref, bnr_ref, code_ref, gate_ref,
                 cnt_ref, acc_ref):
    i = pl.program_id(0)
    x = x_ref[...]
    nl = lax.dot_general(x, wn_ref[...], (((1,), (1,)), ((), ())),
                         preferred_element_type=jnp.float32) + bnr_ref[...]
    col = lax.broadcasted_iota(jnp.int32, nl.shape, 1)
    v1 = jnp.max(nl, axis=1, keepdims=True)
    i1 = jnp.min(jnp.where(nl == v1, col, E), axis=1, keepdims=True)
    nl2 = jnp.where(col == i1, -jnp.inf, nl)
    v2 = jnp.max(nl2, axis=1, keepdims=True)
    i2 = jnp.min(jnp.where(nl2 == v2, col, E), axis=1, keepdims=True)
    e2 = jnp.exp(v2 - v1)
    denom = 1.0 + e2
    gate_ref[...] = jnp.concatenate([1.0 / denom, e2 / denom], axis=1)

    oh1 = (col == i1).astype(jnp.float32)
    oh2 = (col == i2).astype(jnp.float32)
    oh = oh1 + oh2

    @pl.when(i == 0)
    def _():
        acc_ref[...] = jnp.zeros_like(acc_ref)

    row = lax.broadcasted_iota(jnp.int32, (BR, BR), 0)
    colr = lax.broadcasted_iota(jnp.int32, (BR, BR), 1)
    tril = (row > colr).astype(jnp.float32)
    cum = lax.dot_general(tril, oh, (((1,), (0,)), ((), ())),
                          preferred_element_type=jnp.float32) + acc_ref[...]
    r1 = jnp.sum(cum * oh1, axis=1, keepdims=True).astype(jnp.int32)
    r2 = jnp.sum(cum * oh2, axis=1, keepdims=True).astype(jnp.int32)
    c1 = i1 + lax.shift_left(r1, 3)
    c2 = i2 + lax.shift_left(r2, 3)
    code_ref[...] = jnp.concatenate([c1, c2], axis=1)
    acc_ref[...] += jnp.sum(oh, axis=0, keepdims=True)
    cnt_ref[...] = jnp.concatenate(
        [acc_ref[...].astype(jnp.int32),
         jnp.zeros((1, 16 - E), jnp.int32)], axis=1)


def _router(x, Wn, bnr):
    return pl.pallas_call(
        _router_body,
        grid=(N // BR,),
        in_specs=[
            pl.BlockSpec((BR, D), lambda i: (i, 0)),
            pl.BlockSpec((E, D), lambda i: (0, 0)),
            pl.BlockSpec((1, E), lambda i: (0, 0)),
        ],
        out_specs=[
            pl.BlockSpec((BR, K), lambda i: (i, 0)),
            pl.BlockSpec((BR, K), lambda i: (i, 0)),
            pl.BlockSpec((1, 16), lambda i: (0, 0)),
        ],
        out_shape=[
            jax.ShapeDtypeStruct((N, K), jnp.int32),
            jax.ShapeDtypeStruct((N, K), jnp.float32),
            jax.ShapeDtypeStruct((1, 16), jnp.int32),
        ],
        scratch_shapes=[pltpu.VMEM((1, E), jnp.float32)],
    )(x, Wn, bnr)


@functools.cache
def _get_sc_plan():
    mesh = plsc.VectorSubcoreMesh(
        core_axis_name="c", subcore_axis_name="s",
        num_cores=NC, num_subcores=NS)
    return functools.partial(
        pl.kernel,
        out_type=jax.ShapeDtypeStruct((NW, PPW), jnp.int32),
        mesh=mesh,
        compiler_params=pltpu.CompilerParams(needs_layout_passes=False),
        scratch_types=[
            pltpu.VMEM((PPW,), jnp.int32),
            pltpu.VMEM((16,), jnp.int32),
            pltpu.VMEM((16,), jnp.int32),
            pltpu.VMEM((PPW,), jnp.int32),
        ],
    )(_sc_plan_body)


def _sc_plan_body(code_hbm, cnt_hbm, pos_hbm, code_v, cnt_v, ps_v, pos_v):
    wid = lax.axis_index("s") * NC + lax.axis_index("c")
    base_p = wid * PPW
    pltpu.sync_copy(code_hbm.at[pl.ds(base_p, PPW)], code_v)
    pltpu.sync_copy(cnt_hbm, cnt_v)

    iota = lax.iota(jnp.int32, 16)
    c16 = cnt_v[...]
    padded = jnp.bitwise_and(c16 + (BT - 1), -BT)
    padded = jnp.where(iota < E, padded, 0)
    incl = plsc.cumsum(padded)
    ps_v[...] = incl - padded

    for m in range(PPW // 16):
        s16 = pl.ds(m * 16, 16)
        code = code_v[s16]
        e = jnp.bitwise_and(code, E - 1)
        r = jnp.right_shift(code, 3)
        ps = plsc.load_gather(ps_v, [e])
        pos_v[s16] = ps + r
    pltpu.sync_copy(pos_v, pos_hbm.at[wid])


@functools.cache
def _get_sc_move():
    mesh = plsc.VectorSubcoreMesh(
        core_axis_name="c", subcore_axis_name="s",
        num_cores=NC, num_subcores=NS)
    return functools.partial(
        pl.kernel,
        out_type=jax.ShapeDtypeStruct((P, D), jnp.float32),
        mesh=mesh,
        scratch_types=(
            [pltpu.VMEM((NCH, CH), jnp.int32),
             pltpu.VMEM((NCH, CH), jnp.int32)]
            + [pltpu.VMEM((CH, D), jnp.float32) for _ in range(NBUF)]
            + [pltpu.SemaphoreType.DMA for _ in range(2 * NBUF)]
        ),
    )(_sc_move_body)


def _sc_move_body(tok_hbm, pos_hbm, x_hbm, out_hbm, tok_v, pos_v, *rest):
    bufs = rest[:NBUF]
    gsems = rest[NBUF:2 * NBUF]
    osems = rest[2 * NBUF:3 * NBUF]
    wid = lax.axis_index("s") * NC + lax.axis_index("c")
    pltpu.sync_copy(tok_hbm.at[wid], tok_v)
    pltpu.sync_copy(pos_hbm.at[wid], pos_v)
    gcp = [None] * NBUF
    ocp = [None] * NBUF
    for g in range(min(NBUF - 1, NCH)):
        gcp[g % NBUF] = pltpu.async_copy(
            x_hbm.at[tok_v.at[g]], bufs[g % NBUF], gsems[g % NBUF])
    for c in range(NCH):
        g = c + NBUF - 1
        if g < NCH:
            b2 = g % NBUF
            if ocp[b2] is not None:
                ocp[b2].wait()
                ocp[b2] = None
            gcp[b2] = pltpu.async_copy(
                x_hbm.at[tok_v.at[g]], bufs[b2], gsems[b2])
        b = c % NBUF
        gcp[b].wait()
        ocp[b] = pltpu.async_copy(
            bufs[b], out_hbm.at[pos_v.at[c]], osems[b])
    for b in range(NBUF):
        if ocp[b] is not None:
            ocp[b].wait()


def _mm_body(me_ref, mx_ref, xg_ref, w1_ref, b1_ref, w2_ref, b2_ref, out_ref):
    i = pl.program_id(0)

    @pl.when(mx_ref[i] == i)
    def _():
        xg = xg_ref[...].astype(jnp.bfloat16)
        w1 = w1_ref[0].astype(jnp.bfloat16)
        h = jnp.maximum(
            lax.dot_general(xg, w1, (((1,), (1,)), ((), ())),
                            preferred_element_type=jnp.float32) + b1_ref[0],
            0.0)
        eo = jnp.sum(h * w2_ref[0], axis=1, keepdims=True) + b2_ref[0, 0, 0]
        out_ref[...] = eo


def _block_mm(me, mx, xg, W1, b1r, w2r, b2r):
    grid_spec = pltpu.PrefetchScalarGridSpec(
        num_scalar_prefetch=2,
        grid=(NB,),
        in_specs=[
            pl.BlockSpec((BT, D), lambda i, me, mx: (mx[i], 0)),
            pl.BlockSpec((1, D, D), lambda i, me, mx: (me[i], 0, 0)),
            pl.BlockSpec((1, 1, D), lambda i, me, mx: (me[i], 0, 0)),
            pl.BlockSpec((1, 1, D), lambda i, me, mx: (me[i], 0, 0)),
            pl.BlockSpec((1, 1, 1), lambda i, me, mx: (me[i], 0, 0)),
        ],
        out_specs=pl.BlockSpec((BT, 1), lambda i, me, mx: (i, 0)),
    )
    return pl.pallas_call(
        _mm_body,
        grid_spec=grid_spec,
        out_shape=jax.ShapeDtypeStruct((P, 1), jnp.float32),
    )(me, mx, xg, W1, b1r, w2r, b2r)


@functools.cache
def _get_sc_combine():
    mesh = plsc.VectorSubcoreMesh(
        core_axis_name="c", subcore_axis_name="s",
        num_cores=NC, num_subcores=NS)
    return functools.partial(
        pl.kernel,
        out_type=jax.ShapeDtypeStruct((N,), jnp.float32),
        mesh=mesh,
        compiler_params=pltpu.CompilerParams(needs_layout_passes=False),
        scratch_types=[
            pltpu.VMEM((P,), jnp.float32),
            pltpu.VMEM((PPW,), jnp.int32),
            pltpu.VMEM((PPW,), jnp.float32),
            pltpu.VMEM((TW,), jnp.float32),
        ],
    )(_sc_combine_body)


def _sc_combine_body(contrib_hbm, pos3_hbm, gate_hbm, out_hbm,
                     c_v, p_v, g_v, o_v):
    wid = lax.axis_index("s") * NC + lax.axis_index("c")
    base_t = wid * TW
    base_p = wid * PPW
    pltpu.sync_copy(contrib_hbm, c_v)
    pltpu.sync_copy(pos3_hbm.at[wid], p_v)
    pltpu.sync_copy(gate_hbm.at[pl.ds(base_p, PPW)], g_v)
    iota = lax.iota(jnp.int32, 16)
    for m in range(TW // 16):
        j0 = lax.shift_left(m * 16 + iota, 1)
        j1 = j0 + 1
        p0 = plsc.load_gather(p_v, [j0])
        p1 = plsc.load_gather(p_v, [j1])
        g0 = plsc.load_gather(g_v, [j0])
        g1 = plsc.load_gather(g_v, [j1])
        a = plsc.load_gather(c_v, [p0])
        b = plsc.load_gather(c_v, [p1])
        o_v[pl.ds(m * 16, 16)] = a * g0 + b * g1
    pltpu.sync_copy(o_v, out_hbm.at[pl.ds(base_t, TW)])


def kernel(x, Wr, br, Wn, bn, W1, b1, W2, b2):
    del Wr, br
    bnr = bn.reshape(1, E)
    b1r = b1.reshape(E, 1, D)
    w2r = W2.reshape(E, 1, D)
    b2r = b2.reshape(E, 1, 1)

    code, gate, cnt = _router(x, Wn, bnr)
    code1 = code.reshape(PAIRS)
    gate1 = gate.reshape(PAIRS)
    pos = _get_sc_plan()(code1, cnt.reshape(16))
    counts = cnt.reshape(16)[:E]
    padded = ((counts + BT - 1) // BT) * BT
    pend = jnp.cumsum(padded)
    bi = jnp.arange(NBP, dtype=jnp.int32)
    me_raw = jnp.minimum(
        jnp.searchsorted(pend, bi * BT, side="right"), E - 1).astype(jnp.int32)
    nb_used = pend[-1] // BT
    me = jnp.where(bi < nb_used, me_raw, me_raw[nb_used - 1])
    mx = jnp.where(bi < nb_used, bi, nb_used - 1).astype(jnp.int32)
    tok3 = jnp.repeat(jnp.arange(N, dtype=jnp.int32), K).reshape(NW, NCH, CH)
    xg = _get_sc_move()(tok3, pos.reshape(NW, NCH, CH), x)
    contrib = _block_mm(me, mx, xg, W1, b1r, w2r, b2r)
    return _get_sc_combine()(contrib.reshape(P), pos, gate1).reshape(N, 1)

# --- scband reference (transcript-rebuilt; emitter-appended) ---
"""Pipeline reference for scband-sparse-mo-e-11029476016645 (READ-ONLY COPY).

The authoritative reference and input builder live on the scoring server;
editing this copy changes nothing except your own understanding.
"""

import jax, jax.numpy as jnp
import numpy as np

N = 4096
D = 1024
E = 8
K = 2

def setup_inputs(seed: int = 0) -> dict:
    key = jax.random.key(seed)
    ks = jax.random.split(key, 10)
    s = 1.0 / np.sqrt(D)
    x = jax.random.normal(ks[0], (N, D), dtype=jnp.float32)
    Wr = jax.random.normal(ks[1], (E, D), dtype=jnp.float32) * s
    br = jnp.zeros((E,), dtype=jnp.float32)
    Wn = jax.random.normal(ks[2], (E, D), dtype=jnp.float32) * s
    bn = jnp.zeros((E,), dtype=jnp.float32)
    W1 = jax.random.normal(ks[3], (E, D, D), dtype=jnp.float32) * s
    b1 = jnp.zeros((E, D), dtype=jnp.float32)
    W2 = jax.random.normal(ks[4], (E, D), dtype=jnp.float32) * s
    b2 = jnp.zeros((E,), dtype=jnp.float32)
    return {"x": x, "Wr": Wr, "br": br, "Wn": Wn, "bn": bn, "W1": W1, "b1": b1, "W2": W2, "b2": b2}

def reference(x, Wr, br, Wn, bn, W1, b1, W2, b2):
    # NoisyTopKRouter
    logits = x @ Wr.T + br
    noise_logits = x @ Wn.T + bn
    noise = jax.random.normal(jax.random.key(42), logits.shape, dtype=logits.dtype) * jax.nn.softplus(noise_logits)
    noisy_logits = logits + noise  # computed but (faithfully to the original) unused downstream
    # NOTE: the original module takes top-k of noise_logits (not noisy_logits) and scatters
    # those values into a -inf tensor; we replicate that exactly.
    top_vals, top_idx = jax.lax.top_k(noise_logits, K)
    sparse = jnp.full(noisy_logits.shape, -jnp.inf, dtype=noisy_logits.dtype)
    rows = jnp.arange(noisy_logits.shape[0])[:, None]
    sparse = sparse.at[rows, top_idx].set(top_vals)
    gating = jax.nn.softmax(sparse, axis=-1)
    # SparseMoE: dense loop over experts, weighted accumulate
    final = jnp.zeros((x.shape[0], 1), dtype=x.dtype)
    for i in range(E):
        h = jax.nn.relu(x @ W1[i].T + b1[i])
        eo = h @ W2[i] + b2[i]
        final = final + eo[:, None] * gating[:, i][:, None]
    return final

if __name__ == "__main__":
    import jax
    _d = setup_inputs()
    print(jax.jit(kernel)(*tuple(_d.values())))

</pallas_src>

<mosaic_0001>
#map = affine_map<(d0, d1) -> (0, 0, 0)>
#map1 = affine_map<(d0, d1) -> (0, 0)>
module attributes {stable_mosaic.version = 14 : i64} {
  func.func @_sc_move_body(%arg0: i32, %arg1: i32, %arg2: memref<32x8x32xi32, #tpu.memory_space<hbm>>, %arg3: memref<32x8x32xi32, #tpu.memory_space<hbm>>, %arg4: memref<4096x1024xf32, #tpu.memory_space<hbm>>, %arg5: memref<10240x1024xf32, #tpu.memory_space<hbm>>, %arg6: memref<8x32xi32, #tpu.memory_space<vmem>>, %arg7: memref<8x32xi32, #tpu.memory_space<vmem>>, %arg8: memref<32x1024xf32, #tpu.memory_space<vmem>>, %arg9: memref<32x1024xf32, #tpu.memory_space<vmem>>, %arg10: memref<32x1024xf32, #tpu.memory_space<vmem>>, %arg11: memref<!tpu.dma_semaphore, #tpu.memory_space<semaphore_mem>>, %arg12: memref<!tpu.dma_semaphore, #tpu.memory_space<semaphore_mem>>, %arg13: memref<!tpu.dma_semaphore, #tpu.memory_space<semaphore_mem>>, %arg14: memref<!tpu.dma_semaphore, #tpu.memory_space<semaphore_mem>>, %arg15: memref<!tpu.dma_semaphore, #tpu.memory_space<semaphore_mem>>, %arg16: memref<!tpu.dma_semaphore, #tpu.memory_space<semaphore_mem>>) attributes {dimension_semantics = [#tpu.dimension_semantics<core_parallel>, #tpu.dimension_semantics<subcore_parallel>], iteration_bounds = array<i64: 2, 16>, scalar_prefetch = 0 : i64, scratch_operands = 11 : i64, tpu.core_type = #tpu.core_type<sc_vector_subcore>, window_params = [{transform_indices = #map}, {transform_indices = #map}, {transform_indices = #map1}, {transform_indices = #map1}]} {
    %mul3A = arith.constant 2 : i32
    %mul3A_0 = arith.muli %arg1, %mul3A : i32
    %add3A = arith.addi %mul3A_0, %arg0 : i32
    "tpu.region"() ({
      %run_scoped3A = tpu.sem_alloc : memref<!tpu.dma_semaphore, #tpu.memory_space<semaphore_mem>>
      %dma_start3A_223 = arith.constant 0 : i32
      %dma_start3A_224 = arith.constant 0 : i32
      %dma_start3A_225 = tpu.memref_slice %arg2[%add3A, %dma_start3A_223, %dma_start3A_224] : memref<32x8x32xi32, #tpu.memory_space<hbm>> -> memref<1x8x32xi32, #tpu.memory_space<hbm>>
      %dma_start3A_226 = tpu.memref_squeeze %dma_start3A_225 : memref<1x8x32xi32, #tpu.memory_space<hbm>> -> memref<8x32xi32, #tpu.memory_space<hbm>>
      %dma_start3A_227 = arith.constant 0 : i32
      %dma_start3A_228 = arith.constant 0 : i32
      %dma_start3A_229 = tpu.memref_slice %arg2[%add3A, %dma_start3A_227, %dma_start3A_228] : memref<32x8x32xi32, #tpu.memory_space<hbm>> -> memref<1x8x32xi32, #tpu.memory_space<hbm>>
      %dma_start3A_230 = tpu.memref_squeeze %dma_start3A_229 : memref<1x8x32xi32, #tpu.memory_space<hbm>> -> memref<8x32xi32, #tpu.memory_space<hbm>>
      tpu.enqueue_dma source(%dma_start3A_230 : memref<8x32xi32, #tpu.memory_space<hbm>>) target(%arg6 : memref<8x32xi32, #tpu.memory_space<vmem>>) target_semaphore(%run_scoped3A : memref<!tpu.dma_semaphore, #tpu.memory_space<semaphore_mem>>)
      %dma_wait3A_231 = arith.constant 0 : i32
      %dma_wait3A_232 = arith.constant 0 : i32
      %dma_wait3A_233 = tpu.memref_slice %arg2[%add3A, %dma_wait3A_231, %dma_wait3A_232] : memref<32x8x32xi32, #tpu.memory_space<hbm>> -> memref<1x8x32xi32, #tpu.memory_space<hbm>>
      %dma_wait3A_234 = tpu.memref_squeeze %dma_wait3A_233 : memref<1x8x32xi32, #tpu.memory_space<hbm>> -> memref<8x32xi32, #tpu.memory_space<hbm>>
      %dma_wait3A_235 = arith.constant 0 : i32
      %dma_wait3A_236 = arith.constant 0 : i32
      %dma_wait3A_237 = tpu.memref_slice %arg2[%add3A, %dma_wait3A_235, %dma_wait3A_236] : memref<32x8x32xi32, #tpu.memory_space<hbm>> -> memref<1x8x32xi32, #tpu.memory_space<hbm>>
      %dma_wait3A_238 = tpu.memref_squeeze %dma_wait3A_237 : memref<1x8x32xi32, #tpu.memory_space<hbm>> -> memref<8x32xi32, #tpu.memory_space<hbm>>
      tpu.wait_dma2 semaphore(%run_scoped3A : memref<!tpu.dma_semaphore, #tpu.memory_space<semaphore_mem>>) src(%dma_wait3A_238 : memref<8x32xi32, #tpu.memory_space<hbm>>) dst(%arg6 : memref<8x32xi32, #tpu.memory_space<vmem>>)
      tpu.yield
    }) : () -> ()
    "tpu.region"() ({
      %run_scoped3A = tpu.sem_alloc : memref<!tpu.dma_semaphore, #tpu.memory_space<semaphore_mem>>
      %dma_start3A_223 = arith.constant 0 : i32
      %dma_start3A_224 = arith.constant 0 : i32
      %dma_start3A_225 = tpu.memref_slice %arg3[%add3A, %dma_start3A_223, %dma_start3A_224] : memref<32x8x32xi32, #tpu.memory_space<hbm>> -> memref<1x8x32xi32, #tpu.memory_space<hbm>>
      %dma_start3A_226 = tpu.memref_squeeze %dma_start3A_225 : memref<1x8x32xi32, #tpu.memory_space<hbm>> -> memref<8x32xi32, #tpu.memory_space<hbm>>
      %dma_start3A_227 = arith.constant 0 : i32
      %dma_start3A_228 = arith.constant 0 : i32
      %dma_start3A_229 = tpu.memref_slice %arg3[%add3A, %dma_start3A_227, %dma_start3A_228] : memref<32x8x32xi32, #tpu.memory_space<hbm>> -> memref<1x8x32xi32, #tpu.memory_space<hbm>>
      %dma_start3A_230 = tpu.memref_squeeze %dma_start3A_229 : memref<1x8x32xi32, #tpu.memory_space<hbm>> -> memref<8x32xi32, #tpu.memory_space<hbm>>
      tpu.enqueue_dma source(%dma_start3A_230 : memref<8x32xi32, #tpu.memory_space<hbm>>) target(%arg7 : memref<8x32xi32, #tpu.memory_space<vmem>>) target_semaphore(%run_scoped3A : memref<!tpu.dma_semaphore, #tpu.memory_space<semaphore_mem>>)
      %dma_wait3A_231 = arith.constant 0 : i32
      %dma_wait3A_232 = arith.constant 0 : i32
      %dma_wait3A_233 = tpu.memref_slice %arg3[%add3A, %dma_wait3A_231, %dma_wait3A_232] : memref<32x8x32xi32, #tpu.memory_space<hbm>> -> memref<1x8x32xi32, #tpu.memory_space<hbm>>
      %dma_wait3A_234 = tpu.memref_squeeze %dma_wait3A_233 : memref<1x8x32xi32, #tpu.memory_space<hbm>> -> memref<8x32xi32, #tpu.memory_space<hbm>>
      %dma_wait3A_235 = arith.constant 0 : i32
      %dma_wait3A_236 = arith.constant 0 : i32
      %dma_wait3A_237 = tpu.memref_slice %arg3[%add3A, %dma_wait3A_235, %dma_wait3A_236] : memref<32x8x32xi32, #tpu.memory_space<hbm>> -> memref<1x8x32xi32, #tpu.memory_space<hbm>>
      %dma_wait3A_238 = tpu.memref_squeeze %dma_wait3A_237 : memref<1x8x32xi32, #tpu.memory_space<hbm>> -> memref<8x32xi32, #tpu.memory_space<hbm>>
      tpu.wait_dma2 semaphore(%run_scoped3A : memref<!tpu.dma_semaphore, #tpu.memory_space<semaphore_mem>>) src(%dma_wait3A_238 : memref<8x32xi32, #tpu.memory_space<hbm>>) dst(%arg7 : memref<8x32xi32, #tpu.memory_space<vmem>>)
      tpu.yield
    }) : () -> ()
    %dma_start3A = arith.constant 0 : i32
    %dma_start3A_1 = arith.constant 0 : i32
    %dma_start3A_2 = tpu.memref_slice %arg6[%dma_start3A, %dma_start3A_1] : memref<8x32xi32, #tpu.memory_space<vmem>> -> memref<1x32xi32, #tpu.memory_space<vmem>>
    %dma_start3A_3 = tpu.memref_squeeze %dma_start3A_2 : memref<1x32xi32, #tpu.memory_space<vmem>> -> memref<32xi32, #tpu.memory_space<vmem>>
    %dma_start3A_4 = arith.constant 0 : i32
    %dma_start3A_5 = arith.constant 0 : i32
    %dma_start3A_6 = tpu.memref_slice %arg4[%dma_start3A_4, %dma_start3A_5] : memref<4096x1024xf32, #tpu.memory_space<hbm>> -> memref<4096x1024xf32, #tpu.memory_space<hbm>>
    tpu.enqueue_indirect_dma source(%dma_start3A_6 : memref<4096x1024xf32, #tpu.memory_space<hbm>>) target(%arg8 : memref<32x1024xf32, #tpu.memory_space<vmem>>) offsets(%dma_start3A_3 : memref<32xi32, #tpu.memory_space<vmem>>) semaphore(%arg11 : memref<!tpu.dma_semaphore, #tpu.memory_space<semaphore_mem>>)
    %dma_start3A_7 = arith.constant 1 : i32
    %dma_start3A_8 = arith.constant 0 : i32
    %dma_start3A_9 = tpu.memref_slice %arg6[%dma_start3A_7, %dma_start3A_8] : memref<8x32xi32, #tpu.memory_space<vmem>> -> memref<1x32xi32, #tpu.memory_space<vmem>>
    %dma_start3A_10 = tpu.memref_squeeze %dma_start3A_9 : memref<1x32xi32, #tpu.memory_space<vmem>> -> memref<32xi32, #tpu.memory_space<vmem>>
    %dma_start3A_11 = arith.constant 0 : i32
    %dma_start3A_12 = arith.constant 0 : i32
    %dma_start3A_13 = tpu.memref_slice %arg4[%dma_start3A_11, %dma_start3A_12] : memref<4096x1024xf32, #tpu.memory_space<hbm>> -> memref<4096x1024xf32, #tpu.memory_space<hbm>>
    tpu.enqueue_indirect_dma source(%dma_start3A_13 : memref<4096x1024xf32, #tpu.memory_space<hbm>>) target(%arg9 : memref<32x1024xf32, #tpu.memory_space<vmem>>) offsets(%dma_start3A_10 : memref<32xi32, #tpu.memory_space<vmem>>) semaphore(%arg12 : memref<!tpu.dma_semaphore, #tpu.memory_space<semaphore_mem>>)
    %dma_start3A_14 = arith.constant 2 : i32
    %dma_start3A_15 = arith.constant 0 : i32
    %dma_start3A_16 = tpu.memref_slice %arg6[%dma_start3A_14, %dma_start3A_15] : memref<8x32xi32, #tpu.memory_space<vmem>> -> memref<1x32xi32, #tpu.memory_space<vmem>>
    %dma_start3A_17 = tpu.memref_squeeze %dma_start3A_16 : memref<1x32xi32, #tpu.memory_space<vmem>> -> memref<32xi32, #tpu.memory_space<vmem>>
    %dma_start3A_18 = arith.constant 0 : i32
    %dma_start3A_19 = arith.constant 0 : i32
    %dma_start3A_20 = tpu.memref_slice %arg4[%dma_start3A_18, %dma_start3A_19] : memref<4096x1024xf32, #tpu.memory_space<hbm>> -> memref<4096x1024xf32, #tpu.memory_space<hbm>>
    tpu.enqueue_indirect_dma source(%dma_start3A_20 : memref<4096x1024xf32, #tpu.memory_space<hbm>>) target(%arg10 : memref<32x1024xf32, #tpu.memory_space<vmem>>) offsets(%dma_start3A_17 : memref<32xi32, #tpu.memory_space<vmem>>) semaphore(%arg13 : memref<!tpu.dma_semaphore, #tpu.memory_space<semaphore_mem>>)
    %dma_wait3A = arith.constant 0 : i32
    %dma_wait3A_21 = arith.constant 0 : i32
    %dma_wait3A_22 = tpu.memref_slice %arg6[%dma_wait3A, %dma_wait3A_21] : memref<8x32xi32, #tpu.memory_space<vmem>> -> memref<1x32xi32, #tpu.memory_space<vmem>>
    %dma_wait3A_23 = tpu.memref_squeeze %dma_wait3A_22 : memref<1x32xi32, #tpu.memory_space<vmem>> -> memref<32xi32, #tpu.memory_space<vmem>>
    %dma_wait3A_24 = arith.constant 0 : i32
    %dma_wait3A_25 = arith.constant 0 : i32
    %dma_wait3A_26 = tpu.memref_slice %arg4[%dma_wait3A_24, %dma_wait3A_25] : memref<4096x1024xf32, #tpu.memory_space<hbm>> -> memref<4096x1024xf32, #tpu.memory_space<hbm>>
    tpu.wait_indirect_dma semaphore(%arg11 : memref<!tpu.dma_semaphore, #tpu.memory_space<semaphore_mem>>) src(%dma_wait3A_26 : memref<4096x1024xf32, #tpu.memory_space<hbm>>) dst(%arg8 : memref<32x1024xf32, #tpu.memory_space<vmem>>)
    %dma_start3A_27 = arith.constant 0 : i32
    %dma_start3A_28 = arith.constant 0 : i32
    %dma_start3A_29 = tpu.memref_slice %arg7[%dma_start3A_27, %dma_start3A_28] : memref<8x32xi32, #tpu.memory_space<vmem>> -> memref<1x32xi32, #tpu.memory_space<vmem>>
    %dma_start3A_30 = tpu.memref_squeeze %dma_start3A_29 : memref<1x32xi32, #tpu.memory_space<vmem>> -> memref<32xi32, #tpu.memory_space<vmem>>
    %dma_start3A_31 = arith.constant 0 : i32
    %dma_start3A_32 = arith.constant 0 : i32
    %dma_start3A_33 = tpu.memref_slice %arg5[%dma_start3A_31, %dma_start3A_32] : memref<10240x1024xf32, #tpu.memory_space<hbm>> -> memref<10240x1024xf32, #tpu.memory_space<hbm>>
    tpu.enqueue_indirect_dma source(%arg8 : memref<32x1024xf32, #tpu.memory_space<vmem>>) target(%dma_start3A_33 : memref<10240x1024xf32, #tpu.memory_space<hbm>>) offsets(%dma_start3A_30 : memref<32xi32, #tpu.memory_space<vmem>>) semaphore(%arg14 : memref<!tpu.dma_semaphore, #tpu.memory_space<semaphore_mem>>)
    %dma_wait3A_34 = arith.constant 0 : i32
    %dma_wait3A_35 = arith.constant 0 : i32
    %dma_wait3A_36 = tpu.memref_slice %arg7[%dma_wait3A_34, %dma_wait3A_35] : memref<8x32xi32, #tpu.memory_space<vmem>> -> memref<1x32xi32, #tpu.memory_space<vmem>>
    %dma_wait3A_37 = tpu.memref_squeeze %dma_wait3A_36 : memref<1x32xi32, #tpu.memory_space<vmem>> -> memref<32xi32, #tpu.memory_space<vmem>>
    %dma_wait3A_38 = arith.constant 0 : i32
    %dma_wait3A_39 = arith.constant 0 : i32
    %dma_wait3A_40 = tpu.memref_slice %arg5[%dma_wait3A_38, %dma_wait3A_39] : memref<10240x1024xf32, #tpu.memory_space<hbm>> -> memref<10240x1024xf32, #tpu.memory_space<hbm>>
    tpu.wait_indirect_dma semaphore(%arg14 : memref<!tpu.dma_semaphore, #tpu.memory_space<semaphore_mem>>) src(%arg8 : memref<32x1024xf32, #tpu.memory_space<vmem>>) dst(%dma_wait3A_40 : memref<10240x1024xf32, #tpu.memory_space<hbm>>)
    %dma_start3A_41 = arith.constant 3 : i32
    %dma_start3A_42 = arith.constant 0 : i32
    %dma_start3A_43 = tpu.memref_slice %arg6[%dma_start3A_41, %dma_start3A_42] : memref<8x32xi32, #tpu.memory_space<vmem>> -> memref<1x32xi32, #tpu.memory_space<vmem>>
    %dma_start3A_44 = tpu.memref_squeeze %dma_start3A_43 : memref<1x32xi32, #tpu.memory_space<vmem>> -> memref<32xi32, #tpu.memory_space<vmem>>
    %dma_start3A_45 = arith.constant 0 : i32
    %dma_start3A_46 = arith.constant 0 : i32
    %dma_start3A_47 = tpu.memref_slice %arg4[%dma_start3A_45, %dma_start3A_46] : memref<4096x1024xf32, #tpu.memory_space<hbm>> -> memref<4096x1024xf32, #tpu.memory_space<hbm>>
    tpu.enqueue_indirect_dma source(%dma_start3A_47 : memref<4096x1024xf32, #tpu.memory_space<hbm>>) target(%arg8 : memref<32x1024xf32, #tpu.memory_space<vmem>>) offsets(%dma_start3A_44 : memref<32xi32, #tpu.memory_space<vmem>>) semaphore(%arg11 : memref<!tpu.dma_semaphore, #tpu.memory_space<semaphore_mem>>)
    %dma_wait3A_48 = arith.constant 1 : i32
    %dma_wait3A_49 = arith.constant 0 : i32
    %dma_wait3A_50 = tpu.memref_slice %arg6[%dma_wait3A_48, %dma_wait3A_49] : memref<8x32xi32, #tpu.memory_space<vmem>> -> memref<1x32xi32, #tpu.memory_space<vmem>>
    %dma_wait3A_51 = tpu.memref_squeeze %dma_wait3A_50 : memref<1x32xi32, #tpu.memory_space<vmem>> -> memref<32xi32, #tpu.memory_space<vmem>>
    %dma_wait3A_52 = arith.constant 0 : i32
    %dma_wait3A_53 = arith.constant 0 : i32
    %dma_wait3A_54 = tpu.memref_slice %arg4[%dma_wait3A_52, %dma_wait3A_53] : memref<4096x1024xf32, #tpu.memory_space<hbm>> -> memref<4096x1024xf32, #tpu.memory_space<hbm>>
    tpu.wait_indirect_dma semaphore(%arg12 : memref<!tpu.dma_semaphore, #tpu.memory_space<semaphore_mem>>) src(%dma_wait3A_54 : memref<4096x1024xf32, #tpu.memory_space<hbm>>) dst(%arg9 : memref<32x1024xf32, #tpu.memory_space<vmem>>)
    %dma_start3A_55 = arith.constant 1 : i32
    %dma_start3A_56 = arith.constant 0 : i32
    %dma_start3A_57 = tpu.memref_slice %arg7[%dma_start3A_55, %dma_start3A_56] : memref<8x32xi32, #tpu.memory_space<vmem>> -> memref<1x32xi32, #tpu.memory_space<vmem>>
    %dma_start3A_58 = tpu.memref_squeeze %dma_start3A_57 : memref<1x32xi32, #tpu.memory_space<vmem>> -> memref<32xi32, #tpu.memory_space<vmem>>
    %dma_start3A_59 = arith.constant 0 : i32
    %dma_start3A_60 = arith.constant 0 : i32
    %dma_start3A_61 = tpu.memref_slice %arg5[%dma_start3A_59, %dma_start3A_60] : memref<10240x1024xf32, #tpu.memory_space<hbm>> -> memref<10240x1024xf32, #tpu.memory_space<hbm>>
    tpu.enqueue_indirect_dma source(%arg9 : memref<32x1024xf32, #tpu.memory_space<vmem>>) target(%dma_start3A_61 : memref<10240x1024xf32, #tpu.memory_space<hbm>>) offsets(%dma_start3A_58 : memref<32xi32, #tpu.memory_space<vmem>>) semaphore(%arg15 : memref<!tpu.dma_semaphore, #tpu.memory_space<semaphore_mem>>)
    %dma_wait3A_62 = arith.constant 1 : i32
    %dma_wait3A_63 = arith.constant 0 : i32
    %dma_wait3A_64 = tpu.memref_slice %arg7[%dma_wait3A_62, %dma_wait3A_63] : memref<8x32xi32, #tpu.memory_space<vmem>> -> memref<1x32xi32, #tpu.memory_space<vmem>>
    %dma_wait3A_65 = tpu.memref_squeeze %dma_wait3A_64 : memref<1x32xi32, #tpu.memory_space<vmem>> -> memref<32xi32, #tpu.memory_space<vmem>>
    %dma_wait3A_66 = arith.constant 0 : i32
    %dma_wait3A_67 = arith.constant 0 : i32
    %dma_wait3A_68 = tpu.memref_slice %arg5[%dma_wait3A_66, %dma_wait3A_67] : memref<10240x1024xf32, #tpu.memory_space<hbm>> -> memref<10240x1024xf32, #tpu.memory_space<hbm>>
    tpu.wait_indirect_dma semaphore(%arg15 : memref<!tpu.dma_semaphore, #tpu.memory_space<semaphore_mem>>) src(%arg9 : memref<32x1024xf32, #tpu.memory_space<vmem>>) dst(%dma_wait3A_68 : memref<10240x1024xf32, #tpu.memory_space<hbm>>)
    %dma_start3A_69 = arith.constant 4 : i32
    %dma_start3A_70 = arith.constant 0 : i32
    %dma_start3A_71 = tpu.memref_slice %arg6[%dma_start3A_69, %dma_start3A_70] : memref<8x32xi32, #tpu.memory_space<vmem>> -> memref<1x32xi32, #tpu.memory_space<vmem>>
    %dma_start3A_72 = tpu.memref_squeeze %dma_start3A_71 : memref<1x32xi32, #tpu.memory_space<vmem>> -> memref<32xi32, #tpu.memory_space<vmem>>
    %dma_start3A_73 = arith.constant 0 : i32
    %dma_start3A_74 = arith.constant 0 : i32
    %dma_start3A_75 = tpu.memref_slice %arg4[%dma_start3A_73, %dma_start3A_74] : memref<4096x1024xf32, #tpu.memory_space<hbm>> -> memref<4096x1024xf32, #tpu.memory_space<hbm>>
    tpu.enqueue_indirect_dma source(%dma_start3A_75 : memref<4096x1024xf32, #tpu.memory_space<hbm>>) target(%arg9 : memref<32x1024xf32, #tpu.memory_space<vmem>>) offsets(%dma_start3A_72 : memref<32xi32, #tpu.memory_space<vmem>>) semaphore(%arg12 : memref<!tpu.dma_semaphore, #tpu.memory_space<semaphore_mem>>)
    %dma_wait3A_76 = arith.constant 2 : i32
    %dma_wait3A_77 = arith.constant 0 : i32
    %dma_wait3A_78 = tpu.memref_slice %arg6[%dma_wait3A_76, %dma_wait3A_77] : memref<8x32xi32, #tpu.memory_space<vmem>> -> memref<1x32xi32, #tpu.memory_space<vmem>>
    %dma_wait3A_79 = tpu.memref_squeeze %dma_wait3A_78 : memref<1x32xi32, #tpu.memory_space<vmem>> -> memref<32xi32, #tpu.memory_space<vmem>>
    %dma_wait3A_80 = arith.constant 0 : i32
    %dma_wait3A_81 = arith.constant 0 : i32
    %dma_wait3A_82 = tpu.memref_slice %arg4[%dma_wait3A_80, %dma_wait3A_81] : memref<4096x1024xf32, #tpu.memory_space<hbm>> -> memref<4096x1024xf32, #tpu.memory_space<hbm>>
    tpu.wait_indirect_dma semaphore(%arg13 : memref<!tpu.dma_semaphore, #tpu.memory_space<semaphore_mem>>) src(%dma_wait3A_82 : memref<4096x1024xf32, #tpu.memory_space<hbm>>) dst(%arg10 : memref<32x1024xf32, #tpu.memory_space<vmem>>)
    %dma_start3A_83 = arith.constant 2 : i32
    %dma_start3A_84 = arith.constant 0 : i32
    %dma_start3A_85 = tpu.memref_slice %arg7[%dma_start3A_83, %dma_start3A_84] : memref<8x32xi32, #tpu.memory_space<vmem>> -> memref<1x32xi32, #tpu.memory_space<vmem>>
    %dma_start3A_86 = tpu.memref_squeeze %dma_start3A_85 : memref<1x32xi32, #tpu.memory_space<vmem>> -> memref<32xi32, #tpu.memory_space<vmem>>
    %dma_start3A_87 = arith.constant 0 : i32
    %dma_start3A_88 = arith.constant 0 : i32
    %dma_start3A_89 = tpu.memref_slice %arg5[%dma_start3A_87, %dma_start3A_88] : memref<10240x1024xf32, #tpu.memory_space<hbm>> -> memref<10240x1024xf32, #tpu.memory_space<hbm>>
    tpu.enqueue_indirect_dma source(%arg10 : memref<32x1024xf32, #tpu.memory_space<vmem>>) target(%dma_start3A_89 : memref<10240x1024xf32, #tpu.memory_space<hbm>>) offsets(%dma_start3A_86 : memref<32xi32, #tpu.memory_space<vmem>>) semaphore(%arg16 : memref<!tpu.dma_semaphore, #tpu.memory_space<semaphore_mem>>)
    %dma_wait3A_90 = arith.constant 2 : i32
    %dma_wait3A_91 = arith.constant 0 : i32
    %dma_wait3A_92 = tpu.memref_slice %arg7[%dma_wait3A_90, %dma_wait3A_91] : memref<8x32xi32, #tpu.memory_space<vmem>> -> memref<1x32xi32, #tpu.memory_space<vmem>>
    %dma_wait3A_93 = tpu.memref_squeeze %dma_wait3A_92 : memref<1x32xi32, #tpu.memory_space<vmem>> -> memref<32xi32, #tpu.memory_space<vmem>>
    %dma_wait3A_94 = arith.constant 0 : i32
    %dma_wait3A_95 = arith.constant 0 : i32
    %dma_wait3A_96 = tpu.memref_slice %arg5[%dma_wait3A_94, %dma_wait3A_95] : memref<10240x1024xf32, #tpu.memory_space<hbm>> -> memref<10240x1024xf32, #tpu.memory_space<hbm>>
    tpu.wait_indirect_dma semaphore(%arg16 : memref<!tpu.dma_semaphore, #tpu.memory_space<semaphore_mem>>) src(%arg10 : memref<32x1024xf32, #tpu.memory_space<vmem>>) dst(%dma_wait3A_96 : memref<10240x1024xf32, #tpu.memory_space<hbm>>)
    %dma_start3A_97 = arith.constant 5 : i32
    %dma_start3A_98 = arith.constant 0 : i32
    %dma_start3A_99 = tpu.memref_slice %arg6[%dma_start3A_97, %dma_start3A_98] : memref<8x32xi32, #tpu.memory_space<vmem>> -> memref<1x32xi32, #tpu.memory_space<vmem>>
    %dma_start3A_100 = tpu.memref_squeeze %dma_start3A_99 : memref<1x32xi32, #tpu.memory_space<vmem>> -> memref<32xi32, #tpu.memory_space<vmem>>
    %dma_start3A_101 = arith.constant 0 : i32
    %dma_start3A_102 = arith.constant 0 : i32
    %dma_start3A_103 = tpu.memref_slice %arg4[%dma_start3A_101, %dma_start3A_102] : memref<4096x1024xf32, #tpu.memory_space<hbm>> -> memref<4096x1024xf32, #tpu.memory_space<hbm>>
    tpu.enqueue_indirect_dma source(%dma_start3A_103 : memref<4096x1024xf32, #tpu.memory_space<hbm>>) target(%arg10 : memref<32x1024xf32, #tpu.memory_space<vmem>>) offsets(%dma_start3A_100 : memref<32xi32, #tpu.memory_space<vmem>>) semaphore(%arg13 : memref<!tpu.dma_semaphore, #tpu.memory_space<semaphore_mem>>)
    %dma_wait3A_104 = arith.constant 3 : i32
    %dma_wait3A_105 = arith.constant 0 : i32
    %dma_wait3A_106 = tpu.memref_slice %arg6[%dma_wait3A_104, %dma_wait3A_105] : memref<8x32xi32, #tpu.memory_space<vmem>> -> memref<1x32xi32, #tpu.memory_space<vmem>>
    %dma_wait3A_107 = tpu.memref_squeeze %dma_wait3A_106 : memref<1x32xi32, #tpu.memory_space<vmem>> -> memref<32xi32, #tpu.memory_space<vmem>>
    %dma_wait3A_108 = arith.constant 0 : i32
    %dma_wait3A_109 = arith.constant 0 : i32
    %dma_wait3A_110 = tpu.memref_slice %arg4[%dma_wait3A_108, %dma_wait3A_109] : memref<4096x1024xf32, #tpu.memory_space<hbm>> -> memref<4096x1024xf32, #tpu.memory_space<hbm>>
    tpu.wait_indirect_dma semaphore(%arg11 : memref<!tpu.dma_semaphore, #tpu.memory_space<semaphore_mem>>) src(%dma_wait3A_110 : memref<4096x1024xf32, #tpu.memory_space<hbm>>) dst(%arg8 : memref<32x1024xf32, #tpu.memory_space<vmem>>)
    %dma_start3A_111 = arith.constant 3 : i32
    %dma_start3A_112 = arith.constant 0 : i32
    %dma_start3A_113 = tpu.memref_slice %arg7[%dma_start3A_111, %dma_start3A_112] : memref<8x32xi32, #tpu.memory_space<vmem>> -> memref<1x32xi32, #tpu.memory_space<vmem>>
    %dma_start3A_114 = tpu.memref_squeeze %dma_start3A_113 : memref<1x32xi32, #tpu.memory_space<vmem>> -> memref<32xi32, #tpu.memory_space<vmem>>
    %dma_start3A_115 = arith.constant 0 : i32
    %dma_start3A_116 = arith.constant 0 : i32
    %dma_start3A_117 = tpu.memref_slice %arg5[%dma_start3A_115, %dma_start3A_116] : memref<10240x1024xf32, #tpu.memory_space<hbm>> -> memref<10240x1024xf32, #tpu.memory_space<hbm>>
    tpu.enqueue_indirect_dma source(%arg8 : memref<32x1024xf32, #tpu.memory_space<vmem>>) target(%dma_start3A_117 : memref<10240x1024xf32, #tpu.memory_space<hbm>>) offsets(%dma_start3A_114 : memref<32xi32, #tpu.memory_space<vmem>>) semaphore(%arg14 : memref<!tpu.dma_semaphore, #tpu.memory_space<semaphore_mem>>)
    %dma_wait3A_118 = arith.constant 3 : i32
    %dma_wait3A_119 = arith.constant 0 : i32
    %dma_wait3A_120 = tpu.memref_slice %arg7[%dma_wait3A_118, %dma_wait3A_119] : memref<8x32xi32, #tpu.memory_space<vmem>> -> memref<1x32xi32, #tpu.memory_space<vmem>>
    %dma_wait3A_121 = tpu.memref_squeeze %dma_wait3A_120 : memref<1x32xi32, #tpu.memory_space<vmem>> -> memref<32xi32, #tpu.memory_space<vmem>>
    %dma_wait3A_122 = arith.constant 0 : i32
    %dma_wait3A_123 = arith.constant 0 : i32
    %dma_wait3A_124 = tpu.memref_slice %arg5[%dma_wait3A_122, %dma_wait3A_123] : memref<10240x1024xf32, #tpu.memory_space<hbm>> -> memref<10240x1024xf32, #tpu.memory_space<hbm>>
    tpu.wait_indirect_dma semaphore(%arg14 : memref<!tpu.dma_semaphore, #tpu.memory_space<semaphore_mem>>) src(%arg8 : memref<32x1024xf32, #tpu.memory_space<vmem>>) dst(%dma_wait3A_124 : memref<10240x1024xf32, #tpu.memory_space<hbm>>)
    %dma_start3A_125 = arith.constant 6 : i32
    %dma_start3A_126 = arith.constant 0 : i32
    %dma_start3A_127 = tpu.memref_slice %arg6[%dma_start3A_125, %dma_start3A_126] : memref<8x32xi32, #tpu.memory_space<vmem>> -> memref<1x32xi32, #tpu.memory_space<vmem>>
    %dma_start3A_128 = tpu.memref_squeeze %dma_start3A_127 : memref<1x32xi32, #tpu.memory_space<vmem>> -> memref<32xi32, #tpu.memory_space<vmem>>
    %dma_start3A_129 = arith.constant 0 : i32
    %dma_start3A_130 = arith.constant 0 : i32
    %dma_start3A_131 = tpu.memref_slice %arg4[%dma_start3A_129, %dma_start3A_130] : memref<4096x1024xf32, #tpu.memory_space<hbm>> -> memref<4096x1024xf32, #tpu.memory_space<hbm>>
    tpu.enqueue_indirect_dma source(%dma_start3A_131 : memref<4096x1024xf32, #tpu.memory_space<hbm>>) target(%arg8 : memref<32x1024xf32, #tpu.memory_space<vmem>>) offsets(%dma_start3A_128 : memref<32xi32, #tpu.memory_space<vmem>>) semaphore(%arg11 : memref<!tpu.dma_semaphore, #tpu.memory_space<semaphore_mem>>)
    %dma_wait3A_132 = arith.constant 4 : i32
    %dma_wait3A_133 = arith.constant 0 : i32
    %dma_wait3A_134 = tpu.memref_slice %arg6[%dma_wait3A_132, %dma_wait3A_133] : memref<8x32xi32, #tpu.memory_space<vmem>> -> memref<1x32xi32, #tpu.memory_space<vmem>>
    %dma_wait3A_135 = tpu.memref_squeeze %dma_wait3A_134 : memref<1x32xi32, #tpu.memory_space<vmem>> -> memref<32xi32, #tpu.memory_space<vmem>>
    %dma_wait3A_136 = arith.constant 0 : i32
    %dma_wait3A_137 = arith.constant 0 : i32
    %dma_wait3A_138 = tpu.memref_slice %arg4[%dma_wait3A_136, %dma_wait3A_137] : memref<4096x1024xf32, #tpu.memory_space<hbm>> -> memref<4096x1024xf32, #tpu.memory_space<hbm>>
    tpu.wait_indirect_dma semaphore(%arg12 : memref<!tpu.dma_semaphore, #tpu.memory_space<semaphore_mem>>) src(%dma_wait3A_138 : memref<4096x1024xf32, #tpu.memory_space<hbm>>) dst(%arg9 : memref<32x1024xf32, #tpu.memory_space<vmem>>)
    %dma_start3A_139 = arith.constant 4 : i32
    %dma_start3A_140 = arith.constant 0 : i32
    %dma_start3A_141 = tpu.memref_slice %arg7[%dma_start3A_139, %dma_start3A_140] : memref<8x32xi32, #tpu.memory_space<vmem>> -> memref<1x32xi32, #tpu.memory_space<vmem>>
    %dma_start3A_142 = tpu.memref_squeeze %dma_start3A_141 : memref<1x32xi32, #tpu.memory_space<vmem>> -> memref<32xi32, #tpu.memory_space<vmem>>
    %dma_start3A_143 = arith.constant 0 : i32
    %dma_start3A_144 = arith.constant 0 : i32
    %dma_start3A_145 = tpu.memref_slice %arg5[%dma_start3A_143, %dma_start3A_144] : memref<10240x1024xf32, #tpu.memory_space<hbm>> -> memref<10240x1024xf32, #tpu.memory_space<hbm>>
    tpu.enqueue_indirect_dma source(%arg9 : memref<32x1024xf32, #tpu.memory_space<vmem>>) target(%dma_start3A_145 : memref<10240x1024xf32, #tpu.memory_space<hbm>>) offsets(%dma_start3A_142 : memref<32xi32, #tpu.memory_space<vmem>>) semaphore(%arg15 : memref<!tpu.dma_semaphore, #tpu.memory_space<semaphore_mem>>)
    %dma_wait3A_146 = arith.constant 4 : i32
    %dma_wait3A_147 = arith.constant 0 : i32
    %dma_wait3A_148 = tpu.memref_slice %arg7[%dma_wait3A_146, %dma_wait3A_147] : memref<8x32xi32, #tpu.memory_space<vmem>> -> memref<1x32xi32, #tpu.memory_space<vmem>>
    %dma_wait3A_149 = tpu.memref_squeeze %dma_wait3A_148 : memref<1x32xi32, #tpu.memory_space<vmem>> -> memref<32xi32, #tpu.memory_space<vmem>>
    %dma_wait3A_150 = arith.constant 0 : i32
    %dma_wait3A_151 = arith.constant 0 : i32
    %dma_wait3A_152 = tpu.memref_slice %arg5[%dma_wait3A_150, %dma_wait3A_151] : memref<10240x1024xf32, #tpu.memory_space<hbm>> -> memref<10240x1024xf32, #tpu.memory_space<hbm>>
    tpu.wait_indirect_dma semaphore(%arg15 : memref<!tpu.dma_semaphore, #tpu.memory_space<semaphore_mem>>) src(%arg9 : memref<32x1024xf32, #tpu.memory_space<vmem>>) dst(%dma_wait3A_152 : memref<10240x1024xf32, #tpu.memory_space<hbm>>)
    %dma_start3A_153 = arith.constant 7 : i32
    %dma_start3A_154 = arith.constant 0 : i32
    %dma_start3A_155 = tpu.memref_slice %arg6[%dma_start3A_153, %dma_start3A_154] : memref<8x32xi32, #tpu.memory_space<vmem>> -> memref<1x32xi32, #tpu.memory_space<vmem>>
    %dma_start3A_156 = tpu.memref_squeeze %dma_start3A_155 : memref<1x32xi32, #tpu.memory_space<vmem>> -> memref<32xi32, #tpu.memory_space<vmem>>
    %dma_start3A_157 = arith.constant 0 : i32
    %dma_start3A_158 = arith.constant 0 : i32
    %dma_start3A_159 = tpu.memref_slice %arg4[%dma_start3A_157, %dma_start3A_158] : memref<4096x1024xf32, #tpu.memory_space<hbm>> -> memref<4096x1024xf32, #tpu.memory_space<hbm>>
    tpu.enqueue_indirect_dma source(%dma_start3A_159 : memref<4096x1024xf32, #tpu.memory_space<hbm>>) target(%arg9 : memref<32x1024xf32, #tpu.memory_space<vmem>>) offsets(%dma_start3A_156 : memref<32xi32, #tpu.memory_space<vmem>>) semaphore(%arg12 : memref<!tpu.dma_semaphore, #tpu.memory_space<semaphore_mem>>)
    %dma_wait3A_160 = arith.constant 5 : i32
    %dma_wait3A_161 = arith.constant 0 : i32
    %dma_wait3A_162 = tpu.memref_slice %arg6[%dma_wait3A_160, %dma_wait3A_161] : memref<8x32xi32, #tpu.memory_space<vmem>> -> memref<1x32xi32, #tpu.memory_space<vmem>>
    %dma_wait3A_163 = tpu.memref_squeeze %dma_wait3A_162 : memref<1x32xi32, #tpu.memory_space<vmem>> -> memref<32xi32, #tpu.memory_space<vmem>>
    %dma_wait3A_164 = arith.constant 0 : i32
    %dma_wait3A_165 = arith.constant 0 : i32
    %dma_wait3A_166 = tpu.memref_slice %arg4[%dma_wait3A_164, %dma_wait3A_165] : memref<4096x1024xf32, #tpu.memory_space<hbm>> -> memref<4096x1024xf32, #tpu.memory_space<hbm>>
    tpu.wait_indirect_dma semaphore(%arg13 : memref<!tpu.dma_semaphore, #tpu.memory_space<semaphore_mem>>) src(%dma_wait3A_166 : memref<4096x1024xf32, #tpu.memory_space<hbm>>) dst(%arg10 : memref<32x1024xf32, #tpu.memory_space<vmem>>)
    %dma_start3A_167 = arith.constant 5 : i32
    %dma_start3A_168 = arith.constant 0 : i32
    %dma_start3A_169 = tpu.memref_slice %arg7[%dma_start3A_167, %dma_start3A_168] : memref<8x32xi32, #tpu.memory_space<vmem>> -> memref<1x32xi32, #tpu.memory_space<vmem>>
    %dma_start3A_170 = tpu.memref_squeeze %dma_start3A_169 : memref<1x32xi32, #tpu.memory_space<vmem>> -> memref<32xi32, #tpu.memory_space<vmem>>
    %dma_start3A_171 = arith.constant 0 : i32
    %dma_start3A_172 = arith.constant 0 : i32
    %dma_start3A_173 = tpu.memref_slice %arg5[%dma_start3A_171, %dma_start3A_172] : memref<10240x1024xf32, #tpu.memory_space<hbm>> -> memref<10240x1024xf32, #tpu.memory_space<hbm>>
    tpu.enqueue_indirect_dma source(%arg10 : memref<32x1024xf32, #tpu.memory_space<vmem>>) target(%dma_start3A_173 : memref<10240x1024xf32, #tpu.memory_space<hbm>>) offsets(%dma_start3A_170 : memref<32xi32, #tpu.memory_space<vmem>>) semaphore(%arg16 : memref<!tpu.dma_semaphore, #tpu.memory_space<semaphore_mem>>)
    %dma_wait3A_174 = arith.constant 6 : i32
    %dma_wait3A_175 = arith.constant 0 : i32
    %dma_wait3A_176 = tpu.memref_slice %arg6[%dma_wait3A_174, %dma_wait3A_175] : memref<8x32xi32, #tpu.memory_space<vmem>> -> memref<1x32xi32, #tpu.memory_space<vmem>>
    %dma_wait3A_177 = tpu.memref_squeeze %dma_wait3A_176 : memref<1x32xi32, #tpu.memory_space<vmem>> -> memref<32xi32, #tpu.memory_space<vmem>>
    %dma_wait3A_178 = arith.constant 0 : i32
    %dma_wait3A_179 = arith.constant 0 : i32
    %dma_wait3A_180 = tpu.memref_slice %arg4[%dma_wait3A_178, %dma_wait3A_179] : memref<4096x1024xf32, #tpu.memory_space<hbm>> -> memref<4096x1024xf32, #tpu.memory_space<hbm>>
    tpu.wait_indirect_dma semaphore(%arg11 : memref<!tpu.dma_semaphore, #tpu.memory_space<semaphore_mem>>) src(%dma_wait3A_180 : memref<4096x1024xf32, #tpu.memory_space<hbm>>) dst(%arg8 : memref<32x1024xf32, #tpu.memory_space<vmem>>)
    %dma_start3A_181 = arith.constant 6 : i32
    %dma_start3A_182 = arith.constant 0 : i32
    %dma_start3A_183 = tpu.memref_slice %arg7[%dma_start3A_181, %dma_start3A_182] : memref<8x32xi32, #tpu.memory_space<vmem>> -> memref<1x32xi32, #tpu.memory_space<vmem>>
    %dma_start3A_184 = tpu.memref_squeeze %dma_start3A_183 : memref<1x32xi32, #tpu.memory_space<vmem>> -> memref<32xi32, #tpu.memory_space<vmem>>
    %dma_start3A_185 = arith.constant 0 : i32
    %dma_start3A_186 = arith.constant 0 : i32
    %dma_start3A_187 = tpu.memref_slice %arg5[%dma_start3A_185, %dma_start3A_186] : memref<10240x1024xf32, #tpu.memory_space<hbm>> -> memref<10240x1024xf32, #tpu.memory_space<hbm>>
    tpu.enqueue_indirect_dma source(%arg8 : memref<32x1024xf32, #tpu.memory_space<vmem>>) target(%dma_start3A_187 : memref<10240x1024xf32, #tpu.memory_space<hbm>>) offsets(%dma_start3A_184 : memref<32xi32, #tpu.memory_space<vmem>>) semaphore(%arg14 : memref<!tpu.dma_semaphore, #tpu.memory_space<semaphore_mem>>)
    %dma_wait3A_188 = arith.constant 7 : i32
    %dma_wait3A_189 = arith.constant 0 : i32
    %dma_wait3A_190 = tpu.memref_slice %arg6[%dma_wait3A_188, %dma_wait3A_189] : memref<8x32xi32, #tpu.memory_space<vmem>> -> memref<1x32xi32, #tpu.memory_space<vmem>>
    %dma_wait3A_191 = tpu.memref_squeeze %dma_wait3A_190 : memref<1x32xi32, #tpu.memory_space<vmem>> -> memref<32xi32, #tpu.memory_space<vmem>>
    %dma_wait3A_192 = arith.constant 0 : i32
    %dma_wait3A_193 = arith.constant 0 : i32
    %dma_wait3A_194 = tpu.memref_slice %arg4[%dma_wait3A_192, %dma_wait3A_193] : memref<4096x1024xf32, #tpu.memory_space<hbm>> -> memref<4096x1024xf32, #tpu.memory_space<hbm>>
    tpu.wait_indirect_dma semaphore(%arg12 : memref<!tpu.dma_semaphore, #tpu.memory_space<semaphore_mem>>) src(%dma_wait3A_194 : memref<4096x1024xf32, #tpu.memory_space<hbm>>) dst(%arg9 : memref<32x1024xf32, #tpu.memory_space<vmem>>)
    %dma_start3A_195 = arith.constant 7 : i32
    %dma_start3A_196 = arith.constant 0 : i32
    %dma_start3A_197 = tpu.memref_slice %arg7[%dma_start3A_195, %dma_start3A_196] : memref<8x32xi32, #tpu.memory_space<vmem>> -> memref<1x32xi32, #tpu.memory_space<vmem>>
    %dma_start3A_198 = tpu.memref_squeeze %dma_start3A_197 : memref<1x32xi32, #tpu.memory_space<vmem>> -> memref<32xi32, #tpu.memory_space<vmem>>
    %dma_start3A_199 = arith.constant 0 : i32
    %dma_start3A_200 = arith.constant 0 : i32
    %dma_start3A_201 = tpu.memref_slice %arg5[%dma_start3A_199, %dma_start3A_200] : memref<10240x1024xf32, #tpu.memory_space<hbm>> -> memref<10240x1024xf32, #tpu.memory_space<hbm>>
    tpu.enqueue_indirect_dma source(%arg9 : memref<32x1024xf32, #tpu.memory_space<vmem>>) target(%dma_start3A_201 : memref<10240x1024xf32, #tpu.memory_space<hbm>>) offsets(%dma_start3A_198 : memref<32xi32, #tpu.memory_space<vmem>>) semaphore(%arg15 : memref<!tpu.dma_semaphore, #tpu.memory_space<semaphore_mem>>)
    %dma_wait3A_202 = arith.constant 6 : i32
    %dma_wait3A_203 = arith.constant 0 : i32
    %dma_wait3A_204 = tpu.memref_slice %arg7[%dma_wait3A_202, %dma_wait3A_203] : memref<8x32xi32, #tpu.memory_space<vmem>> -> memref<1x32xi32, #tpu.memory_space<vmem>>
    %dma_wait3A_205 = tpu.memref_squeeze %dma_wait3A_204 : memref<1x32xi32, #tpu.memory_space<vmem>> -> memref<32xi32, #tpu.memory_space<vmem>>
    %dma_wait3A_206 = arith.constant 0 : i32
    %dma_wait3A_207 = arith.constant 0 : i32
    %dma_wait3A_208 = tpu.memref_slice %arg5[%dma_wait3A_206, %dma_wait3A_207] : memref<10240x1024xf32, #tpu.memory_space<hbm>> -> memref<10240x1024xf32, #tpu.memory_space<hbm>>
    tpu.wait_indirect_dma semaphore(%arg14 : memref<!tpu.dma_semaphore, #tpu.memory_space<semaphore_mem>>) src(%arg8 : memref<32x1024xf32, #tpu.memory_space<vmem>>) dst(%dma_wait3A_208 : memref<10240x1024xf32, #tpu.memory_space<hbm>>)
    %dma_wait3A_209 = arith.constant 7 : i32
    %dma_wait3A_210 = arith.constant 0 : i32
    %dma_wait3A_211 = tpu.memref_slice %arg7[%dma_wait3A_209, %dma_wait3A_210] : memref<8x32xi32, #tpu.memory_space<vmem>> -> memref<1x32xi32, #tpu.memory_space<vmem>>
    %dma_wait3A_212 = tpu.memref_squeeze %dma_wait3A_211 : memref<1x32xi32, #tpu.memory_space<vmem>> -> memref<32xi32, #tpu.memory_space<vmem>>
    %dma_wait3A_213 = arith.constant 0 : i32
    %dma_wait3A_214 = arith.constant 0 : i32
    %dma_wait3A_215 = tpu.memref_slice %arg5[%dma_wait3A_213, %dma_wait3A_214] : memref<10240x1024xf32, #tpu.memory_space<hbm>> -> memref<10240x1024xf32, #tpu.memory_space<hbm>>
    tpu.wait_indirect_dma semaphore(%arg15 : memref<!tpu.dma_semaphore, #tpu.memory_space<semaphore_mem>>) src(%arg9 : memref<32x1024xf32, #tpu.memory_space<vmem>>) dst(%dma_wait3A_215 : memref<10240x1024xf32, #tpu.memory_space<hbm>>)
    %dma_wait3A_216 = arith.constant 5 : i32
    %dma_wait3A_217 = arith.constant 0 : i32
    %dma_wait3A_218 = tpu.memref_slice %arg7[%dma_wait3A_216, %dma_wait3A_217] : memref<8x32xi32, #tpu.memory_space<vmem>> -> memref<1x32xi32, #tpu.memory_space<vmem>>
    %dma_wait3A_219 = tpu.memref_squeeze %dma_wait3A_218 : memref<1x32xi32, #tpu.memory_space<vmem>> -> memref<32xi32, #tpu.memory_space<vmem>>
    %dma_wait3A_220 = arith.constant 0 : i32
    %dma_wait3A_221 = arith.constant 0 : i32
    %dma_wait3A_222 = tpu.memref_slice %arg5[%dma_wait3A_220, %dma_wait3A_221] : memref<10240x1024xf32, #tpu.memory_space<hbm>> -> memref<10240x1024xf32, #tpu.memory_space<hbm>>
    tpu.wait_indirect_dma semaphore(%arg16 : memref<!tpu.dma_semaphore, #tpu.memory_space<semaphore_mem>>) src(%arg10 : memref<32x1024xf32, #tpu.memory_space<vmem>>) dst(%dma_wait3A_222 : memref<10240x1024xf32, #tpu.memory_space<hbm>>)
    return
  }
}

#map = affine_map<(d0, d1) -> (0)>
#map1 = affine_map<(d0, d1) -> (0, 0)>
module attributes {stable_mosaic.version = 14 : i64} {
  func.func @_sc_combine_body(%arg0: i32, %arg1: i32, %arg2: memref<10240xf32, #tpu.memory_space<hbm>>, %arg3: memref<32x256xi32, #tpu.memory_space<hbm>>, %arg4: memref<8192xf32, #tpu.memory_space<hbm>>, %arg5: memref<4096xf32, #tpu.memory_space<hbm>>, %arg6: memref<10240xf32, #tpu.memory_space<vmem>>, %arg7: memref<256xi32, #tpu.memory_space<vmem>>, %arg8: memref<256xf32, #tpu.memory_space<vmem>>, %arg9: memref<128xf32, #tpu.memory_space<vmem>>) attributes {dimension_semantics = [#tpu.dimension_semantics<core_parallel>, #tpu.dimension_semantics<subcore_parallel>], iteration_bounds = array<i64: 2, 16>, scalar_prefetch = 0 : i64, scratch_operands = 4 : i64, tpu.core_type = #tpu.core_type<sc_vector_subcore>, window_params = [{transform_indices = #map}, {transform_indices = #map1}, {transform_indices = #map}, {transform_indices = #map}]} {
    %mul3A = arith.constant 2 : i32
    %mul3A_0 = arith.muli %arg1, %mul3A : i32
    %add3A = arith.addi %mul3A_0, %arg0 : i32
    %mul3A_1 = arith.constant 128 : i32
    %mul3A_2 = arith.muli %add3A, %mul3A_1 : i32
    %mul3A_3 = arith.constant 256 : i32
    %mul3A_4 = arith.muli %add3A, %mul3A_3 : i32
    "tpu.region"() ({
      %run_scoped3A = tpu.sem_alloc : memref<!tpu.dma_semaphore, #tpu.memory_space<semaphore_mem>>
      tpu.enqueue_dma source(%arg2 : memref<10240xf32, #tpu.memory_space<hbm>>) target(%arg6 : memref<10240xf32, #tpu.memory_space<vmem>>) target_semaphore(%run_scoped3A : memref<!tpu.dma_semaphore, #tpu.memory_space<semaphore_mem>>)
      tpu.wait_dma2 semaphore(%run_scoped3A : memref<!tpu.dma_semaphore, #tpu.memory_space<semaphore_mem>>) src(%arg2 : memref<10240xf32, #tpu.memory_space<hbm>>) dst(%arg6 : memref<10240xf32, #tpu.memory_space<vmem>>)
      tpu.yield
    }) : () -> ()
    "tpu.region"() ({
      %run_scoped3A = tpu.sem_alloc : memref<!tpu.dma_semaphore, #tpu.memory_space<semaphore_mem>>
      %dma_start3A = arith.constant 0 : i32
      %dma_start3A_162 = tpu.memref_slice %arg3[%add3A, %dma_start3A] : memref<32x256xi32, #tpu.memory_space<hbm>> -> memref<1x256xi32, #tpu.memory_space<hbm>>
      %dma_start3A_163 = tpu.memref_squeeze %dma_start3A_162 : memref<1x256xi32, #tpu.memory_space<hbm>> -> memref<256xi32, #tpu.memory_space<hbm>>
      %dma_start3A_164 = arith.constant 0 : i32
      %dma_start3A_165 = tpu.memref_slice %arg3[%add3A, %dma_start3A_164] : memref<32x256xi32, #tpu.memory_space<hbm>> -> memref<1x256xi32, #tpu.memory_space<hbm>>
      %dma_start3A_166 = tpu.memref_squeeze %dma_start3A_165 : memref<1x256xi32, #tpu.memory_space<hbm>> -> memref<256xi32, #tpu.memory_space<hbm>>
      tpu.enqueue_dma source(%dma_start3A_166 : memref<256xi32, #tpu.memory_space<hbm>>) target(%arg7 : memref<256xi32, #tpu.memory_space<vmem>>) target_semaphore(%run_scoped3A : memref<!tpu.dma_semaphore, #tpu.memory_space<semaphore_mem>>)
      %dma_wait3A = arith.constant 0 : i32
      %dma_wait3A_167 = tpu.memref_slice %arg3[%add3A, %dma_wait3A] : memref<32x256xi32, #tpu.memory_space<hbm>> -> memref<1x256xi32, #tpu.memory_space<hbm>>
      %dma_wait3A_168 = tpu.memref_squeeze %dma_wait3A_167 : memref<1x256xi32, #tpu.memory_space<hbm>> -> memref<256xi32, #tpu.memory_space<hbm>>
      %dma_wait3A_169 = arith.constant 0 : i32
      %dma_wait3A_170 = tpu.memref_slice %arg3[%add3A, %dma_wait3A_169] : memref<32x256xi32, #tpu.memory_space<hbm>> -> memref<1x256xi32, #tpu.memory_space<hbm>>
      %dma_wait3A_171 = tpu.memref_squeeze %dma_wait3A_170 : memref<1x256xi32, #tpu.memory_space<hbm>> -> memref<256xi32, #tpu.memory_space<hbm>>
      tpu.wait_dma2 semaphore(%run_scoped3A : memref<!tpu.dma_semaphore, #tpu.memory_space<semaphore_mem>>) src(%dma_wait3A_171 : memref<256xi32, #tpu.memory_space<hbm>>) dst(%arg7 : memref<256xi32, #tpu.memory_space<vmem>>)
      tpu.yield
    }) : () -> ()
    "tpu.region"() ({
      %run_scoped3A = tpu.sem_alloc : memref<!tpu.dma_semaphore, #tpu.memory_space<semaphore_mem>>
      %dma_start3A = tpu.memref_slice %arg4[%mul3A_4] : memref<8192xf32, #tpu.memory_space<hbm>> -> memref<256xf32, #tpu.memory_space<hbm>>
      %dma_start3A_162 = tpu.memref_slice %arg4[%mul3A_4] : memref<8192xf32, #tpu.memory_space<hbm>> -> memref<256xf32, #tpu.memory_space<hbm>>
      tpu.enqueue_dma source(%dma_start3A_162 : memref<256xf32, #tpu.memory_space<hbm>>) target(%arg8 : memref<256xf32, #tpu.memory_space<vmem>>) target_semaphore(%run_scoped3A : memref<!tpu.dma_semaphore, #tpu.memory_space<semaphore_mem>>)
      %dma_wait3A = tpu.memref_slice %arg4[%mul3A_4] : memref<8192xf32, #tpu.memory_space<hbm>> -> memref<256xf32, #tpu.memory_space<hbm>>
      %dma_wait3A_163 = tpu.memref_slice %arg4[%mul3A_4] : memref<8192xf32, #tpu.memory_space<hbm>> -> memref<256xf32, #tpu.memory_space<hbm>>
      tpu.wait_dma2 semaphore(%run_scoped3A : memref<!tpu.dma_semaphore, #tpu.memory_space<semaphore_mem>>) src(%dma_wait3A_163 : memref<256xf32, #tpu.memory_space<hbm>>) dst(%arg8 : memref<256xf32, #tpu.memory_space<vmem>>)
      tpu.yield
    }) : () -> ()
    %iota3A = tpu.iota {dimensions = array<i32: 0>} : vector<16xi32>
    %add3A_5 = arith.constant 0 : i32
    %add3A_6 = vector.broadcast %add3A_5 : i32 to vector<16xi32>
    %add3A_7 = arith.addi %add3A_6, %iota3A : vector<16xi32>
    %shift_left3A = arith.constant 1 : i32
    %shift_left3A_8 = vector.broadcast %shift_left3A : i32 to vector<16xi32>
    %shift_left3A_9 = arith.shli %add3A_7, %shift_left3A_8 : vector<16xi32>
    %add3A_10 = arith.constant 1 : i32
    %add3A_11 = vector.broadcast %add3A_10 : i32 to vector<16xi32>
    %add3A_12 = arith.addi %shift_left3A_9, %add3A_11 : vector<16xi32>
    %gather3A = tpu.vector_load_idx %arg7[%shift_left3A_9] : memref<256xi32, #tpu.memory_space<vmem>>[vector<16xi32>], vector<16xi32>,
    %gather3A_13 = tpu.vector_load_idx %arg7[%add3A_12] : memref<256xi32, #tpu.memory_space<vmem>>[vector<16xi32>], vector<16xi32>,
    %gather3A_14 = tpu.vector_load_idx %arg8[%shift_left3A_9] : memref<256xf32, #tpu.memory_space<vmem>>[vector<16xi32>], vector<16xf32>,
    %gather3A_15 = tpu.vector_load_idx %arg8[%add3A_12] : memref<256xf32, #tpu.memory_space<vmem>>[vector<16xi32>], vector<16xf32>,
    %gather3A_16 = tpu.vector_load_idx %arg6[%gather3A] : memref<10240xf32, #tpu.memory_space<vmem>>[vector<16xi32>], vector<16xf32>,
    %gather3A_17 = tpu.vector_load_idx %arg6[%gather3A_13] : memref<10240xf32, #tpu.memory_space<vmem>>[vector<16xi32>], vector<16xf32>,
    %mul3A_18 = arith.mulf %gather3A_16, %gather3A_14 : vector<16xf32>
    %mul3A_19 = arith.mulf %gather3A_17, %gather3A_15 : vector<16xf32>
    %add3A_20 = arith.addf %mul3A_18, %mul3A_19 : vector<16xf32>
    %swap3A = arith.constant 0 : index
    %swap3A_21 = tpu.vector_load %arg9[%swap3A] {strides = array<i32>} : memref<128xf32, #tpu.memory_space<vmem>>, vector<16xf32>,
    tpu.vector_store %arg9[%swap3A], %add3A_20 {strides = array<i32>} : memref<128xf32, #tpu.memory_space<vmem>>, vector<16xf32>,
    %add3A_22 = arith.constant 16 : i32
    %add3A_23 = vector.broadcast %add3A_22 : i32 to vector<16xi32>
    %add3A_24 = arith.addi %add3A_23, %iota3A : vector<16xi32>
    %shift_left3A_25 = arith.constant 1 : i32
    %shift_left3A_26 = vector.broadcast %shift_left3A_25 : i32 to vector<16xi32>
    %shift_left3A_27 = arith.shli %add3A_24, %shift_left3A_26 : vector<16xi32>
    %add3A_28 = arith.constant 1 : i32
    %add3A_29 = vector.broadcast %add3A_28 : i32 to vector<16xi32>
    %add3A_30 = arith.addi %shift_left3A_27, %add3A_29 : vector<16xi32>
    %gather3A_31 = tpu.vector_load_idx %arg7[%shift_left3A_27] : memref<256xi32, #tpu.memory_space<vmem>>[vector<16xi32>], vector<16xi32>,
    %gather3A_32 = tpu.vector_load_idx %arg7[%add3A_30] : memref<256xi32, #tpu.memory_space<vmem>>[vector<16xi32>], vector<16xi32>,
    %gather3A_33 = tpu.vector_load_idx %arg8[%shift_left3A_27] : memref<256xf32, #tpu.memory_space<vmem>>[vector<16xi32>], vector<16xf32>,
    %gather3A_34 = tpu.vector_load_idx %arg8[%add3A_30] : memref<256xf32, #tpu.memory_space<vmem>>[vector<16xi32>], vector<16xf32>,
    %gather3A_35 = tpu.vector_load_idx %arg6[%gather3A_31] : memref<10240xf32, #tpu.memory_space<vmem>>[vector<16xi32>], vector<16xf32>,
    %gather3A_36 = tpu.vector_load_idx %arg6[%gather3A_32] : memref<10240xf32, #tpu.memory_space<vmem>>[vector<16xi32>], vector<16xf32>,
    %mul3A_37 = arith.mulf %gather3A_35, %gather3A_33 : vector<16xf32>
    %mul3A_38 = arith.mulf %gather3A_36, %gather3A_34 : vector<16xf32>
    %add3A_39 = arith.addf %mul3A_37, %mul3A_38 : vector<16xf32>
    %swap3A_40 = arith.constant 16 : index
    %swap3A_41 = tpu.vector_load %arg9[%swap3A_40] {strides = array<i32>} : memref<128xf32, #tpu.memory_space<vmem>>, vector<16xf32>,
    tpu.vector_store %arg9[%swap3A_40], %add3A_39 {strides = array<i32>} : memref<128xf32, #tpu.memory_space<vmem>>, vector<16xf32>,
    %add3A_42 = arith.constant 32 : i32
    %add3A_43 = vector.broadcast %add3A_42 : i32 to vector<16xi32>
    %add3A_44 = arith.addi %add3A_43, %iota3A : vector<16xi32>
    %shift_left3A_45 = arith.constant 1 : i32
    %shift_left3A_46 = vector.broadcast %shift_left3A_45 : i32 to vector<16xi32>
    %shift_left3A_47 = arith.shli %add3A_44, %shift_left3A_46 : vector<16xi32>
    %add3A_48 = arith.constant 1 : i32
    %add3A_49 = vector.broadcast %add3A_48 : i32 to vector<16xi32>
    %add3A_50 = arith.addi %shift_left3A_47, %add3A_49 : vector<16xi32>
    %gather3A_51 = tpu.vector_load_idx %arg7[%shift_left3A_47] : memref<256xi32, #tpu.memory_space<vmem>>[vector<16xi32>], vector<16xi32>,
    %gather3A_52 = tpu.vector_load_idx %arg7[%add3A_50] : memref<256xi32, #tpu.memory_space<vmem>>[vector<16xi32>], vector<16xi32>,
    %gather3A_53 = tpu.vector_load_idx %arg8[%shift_left3A_47] : memref<256xf32, #tpu.memory_space<vmem>>[vector<16xi32>], vector<16xf32>,
    %gather3A_54 = tpu.vector_load_idx %arg8[%add3A_50] : memref<256xf32, #tpu.memory_space<vmem>>[vector<16xi32>], vector<16xf32>,
    %gather3A_55 = tpu.vector_load_idx %arg6[%gather3A_51] : memref<10240xf32, #tpu.memory_space<vmem>>[vector<16xi32>], vector<16xf32>,
    %gather3A_56 = tpu.vector_load_idx %arg6[%gather3A_52] : memref<10240xf32, #tpu.memory_space<vmem>>[vector<16xi32>], vector<16xf32>,
    %mul3A_57 = arith.mulf %gather3A_55, %gather3A_53 : vector<16xf32>
    %mul3A_58 = arith.mulf %gather3A_56, %gather3A_54 : vector<16xf32>
    %add3A_59 = arith.addf %mul3A_57, %mul3A_58 : vector<16xf32>
    %swap3A_60 = arith.constant 32 : index
    %swap3A_61 = tpu.vector_load %arg9[%swap3A_60] {strides = array<i32>} : memref<128xf32, #tpu.memory_space<vmem>>, vector<16xf32>,
    tpu.vector_store %arg9[%swap3A_60], %add3A_59 {strides = array<i32>} : memref<128xf32, #tpu.memory_space<vmem>>, vector<16xf32>,
    %add3A_62 = arith.constant 48 : i32
    %add3A_63 = vector.broadcast %add3A_62 : i32 to vector<16xi32>
    %add3A_64 = arith.addi %add3A_63, %iota3A : vector<16xi32>
    %shift_left3A_65 = arith.constant 1 : i32
    %shift_left3A_66 = vector.broadcast %shift_left3A_65 : i32 to vector<16xi32>
    %shift_left3A_67 = arith.shli %add3A_64, %shift_left3A_66 : vector<16xi32>
    %add3A_68 = arith.constant 1 : i32
    %add3A_69 = vector.broadcast %add3A_68 : i32 to vector<16xi32>
    %add3A_70 = arith.addi %shift_left3A_67, %add3A_69 : vector<16xi32>
    %gather3A_71 = tpu.vector_load_idx %arg7[%shift_left3A_67] : memref<256xi32, #tpu.memory_space<vmem>>[vector<16xi32>], vector<16xi32>,
    %gather3A_72 = tpu.vector_load_idx %arg7[%add3A_70] : memref<256xi32, #tpu.memory_space<vmem>>[vector<16xi32>], vector<16xi32>,
    %gather3A_73 = tpu.vector_load_idx %arg8[%shift_left3A_67] : memref<256xf32, #tpu.memory_space<vmem>>[vector<16xi32>], vector<16xf32>,
    %gather3A_74 = tpu.vector_load_idx %arg8[%add3A_70] : memref<256xf32, #tpu.memory_space<vmem>>[vector<16xi32>], vector<16xf32>,
    %gather3A_75 = tpu.vector_load_idx %arg6[%gather3A_71] : memref<10240xf32, #tpu.memory_space<vmem>>[vector<16xi32>], vector<16xf32>,
    %gather3A_76 = tpu.vector_load_idx %arg6[%gather3A_72] : memref<10240xf32, #tpu.memory_space<vmem>>[vector<16xi32>], vector<16xf32>,
    %mul3A_77 = arith.mulf %gather3A_75, %gather3A_73 : vector<16xf32>
    %mul3A_78 = arith.mulf %gather3A_76, %gather3A_74 : vector<16xf32>
    %add3A_79 = arith.addf %mul3A_77, %mul3A_78 : vector<16xf32>
    %swap3A_80 = arith.constant 48 : index
    %swap3A_81 = tpu.vector_load %arg9[%swap3A_80] {strides = array<i32>} : memref<128xf32, #tpu.memory_space<vmem>>, vector<16xf32>,
    tpu.vector_store %arg9[%swap3A_80], %add3A_79 {strides = array<i32>} : memref<128xf32, #tpu.memory_space<vmem>>, vector<16xf32>,
    %add3A_82 = arith.constant 64 : i32
    %add3A_83 = vector.broadcast %add3A_82 : i32 to vector<16xi32>
    %add3A_84 = arith.addi %add3A_83, %iota3A : vector<16xi32>
    %shift_left3A_85 = arith.constant 1 : i32
    %shift_left3A_86 = vector.broadcast %shift_left3A_85 : i32 to vector<16xi32>
    %shift_left3A_87 = arith.shli %add3A_84, %shift_left3A_86 : vector<16xi32>
    %add3A_88 = arith.constant 1 : i32
    %add3A_89 = vector.broadcast %add3A_88 : i32 to vector<16xi32>
    %add3A_90 = arith.addi %shift_left3A_87, %add3A_89 : vector<16xi32>
    %gather3A_91 = tpu.vector_load_idx %arg7[%shift_left3A_87] : memref<256xi32, #tpu.memory_space<vmem>>[vector<16xi32>], vector<16xi32>,
    %gather3A_92 = tpu.vector_load_idx %arg7[%add3A_90] : memref<256xi32, #tpu.memory_space<vmem>>[vector<16xi32>], vector<16xi32>,
    %gather3A_93 = tpu.vector_load_idx %arg8[%shift_left3A_87] : memref<256xf32, #tpu.memory_space<vmem>>[vector<16xi32>], vector<16xf32>,
    %gather3A_94 = tpu.vector_load_idx %arg8[%add3A_90] : memref<256xf32, #tpu.memory_space<vmem>>[vector<16xi32>], vector<16xf32>,
    %gather3A_95 = tpu.vector_load_idx %arg6[%gather3A_91] : memref<10240xf32, #tpu.memory_space<vmem>>[vector<16xi32>], vector<16xf32>,
    %gather3A_96 = tpu.vector_load_idx %arg6[%gather3A_92] : memref<10240xf32, #tpu.memory_space<vmem>>[vector<16xi32>], vector<16xf32>,
    %mul3A_97 = arith.mulf %gather3A_95, %gather3A_93 : vector<16xf32>
    %mul3A_98 = arith.mulf %gather3A_96, %gather3A_94 : vector<16xf32>
    %add3A_99 = arith.addf %mul3A_97, %mul3A_98 : vector<16xf32>
    %swap3A_100 = arith.constant 64 : index
    %swap3A_101 = tpu.vector_load %arg9[%swap3A_100] {strides = array<i32>} : memref<128xf32, #tpu.memory_space<vmem>>, vector<16xf32>,
    tpu.vector_store %arg9[%swap3A_100], %add3A_99 {strides = array<i32>} : memref<128xf32, #tpu.memory_space<vmem>>, vector<16xf32>,
    %add3A_102 = arith.constant 80 : i32
    %add3A_103 = vector.broadcast %add3A_102 : i32 to vector<16xi32>
    %add3A_104 = arith.addi %add3A_103, %iota3A : vector<16xi32>
    %shift_left3A_105 = arith.constant 1 : i32
    %shift_left3A_106 = vector.broadcast %shift_left3A_105 : i32 to vector<16xi32>
    %shift_left3A_107 = arith.shli %add3A_104, %shift_left3A_106 : vector<16xi32>
    %add3A_108 = arith.constant 1 : i32
    %add3A_109 = vector.broadcast %add3A_108 : i32 to vector<16xi32>
    %add3A_110 = arith.addi %shift_left3A_107, %add3A_109 : vector<16xi32>
    %gather3A_111 = tpu.vector_load_idx %arg7[%shift_left3A_107] : memref<256xi32, #tpu.memory_space<vmem>>[vector<16xi32>], vector<16xi32>,
    %gather3A_112 = tpu.vector_load_idx %arg7[%add3A_110] : memref<256xi32, #tpu.memory_space<vmem>>[vector<16xi32>], vector<16xi32>,
    %gather3A_113 = tpu.vector_load_idx %arg8[%shift_left3A_107] : memref<256xf32, #tpu.memory_space<vmem>>[vector<16xi32>], vector<16xf32>,
    %gather3A_114 = tpu.vector_load_idx %arg8[%add3A_110] : memref<256xf32, #tpu.memory_space<vmem>>[vector<16xi32>], vector<16xf32>,
    %gather3A_115 = tpu.vector_load_idx %arg6[%gather3A_111] : memref<10240xf32, #tpu.memory_space<vmem>>[vector<16xi32>], vector<16xf32>,
    %gather3A_116 = tpu.vector_load_idx %arg6[%gather3A_112] : memref<10240xf32, #tpu.memory_space<vmem>>[vector<16xi32>], vector<16xf32>,
    %mul3A_117 = arith.mulf %gather3A_115, %gather3A_113 : vector<16xf32>
    %mul3A_118 = arith.mulf %gather3A_116, %gather3A_114 : vector<16xf32>
    %add3A_119 = arith.addf %mul3A_117, %mul3A_118 : vector<16xf32>
    %swap3A_120 = arith.constant 80 : index
    %swap3A_121 = tpu.vector_load %arg9[%swap3A_120] {strides = array<i32>} : memref<128xf32, #tpu.memory_space<vmem>>, vector<16xf32>,
    tpu.vector_store %arg9[%swap3A_120], %add3A_119 {strides = array<i32>} : memref<128xf32, #tpu.memory_space<vmem>>, vector<16xf32>,
    %add3A_122 = arith.constant 96 : i32
    %add3A_123 = vector.broadcast %add3A_122 : i32 to vector<16xi32>
    %add3A_124 = arith.addi %add3A_123, %iota3A : vector<16xi32>
    %shift_left3A_125 = arith.constant 1 : i32
    %shift_left3A_126 = vector.broadcast %shift_left3A_125 : i32 to vector<16xi32>
    %shift_left3A_127 = arith.shli %add3A_124, %shift_left3A_126 : vector<16xi32>
    %add3A_128 = arith.constant 1 : i32
    %add3A_129 = vector.broadcast %add3A_128 : i32 to vector<16xi32>
    %add3A_130 = arith.addi %shift_left3A_127, %add3A_129 : vector<16xi32>
    %gather3A_131 = tpu.vector_load_idx %arg7[%shift_left3A_127] : memref<256xi32, #tpu.memory_space<vmem>>[vector<16xi32>], vector<16xi32>,
    %gather3A_132 = tpu.vector_load_idx %arg7[%add3A_130] : memref<256xi32, #tpu.memory_space<vmem>>[vector<16xi32>], vector<16xi32>,
    %gather3A_133 = tpu.vector_load_idx %arg8[%shift_left3A_127] : memref<256xf32, #tpu.memory_space<vmem>>[vector<16xi32>], vector<16xf32>,
    %gather3A_134 = tpu.vector_load_idx %arg8[%add3A_130] : memref<256xf32, #tpu.memory_space<vmem>>[vector<16xi32>], vector<16xf32>,
    %gather3A_135 = tpu.vector_load_idx %arg6[%gather3A_131] : memref<10240xf32, #tpu.memory_space<vmem>>[vector<16xi32>], vector<16xf32>,
    %gather3A_136 = tpu.vector_load_idx %arg6[%gather3A_132] : memref<10240xf32, #tpu.memory_space<vmem>>[vector<16xi32>], vector<16xf32>,
    %mul3A_137 = arith.mulf %gather3A_135, %gather3A_133 : vector<16xf32>
    %mul3A_138 = arith.mulf %gather3A_136, %gather3A_134 : vector<16xf32>
    %add3A_139 = arith.addf %mul3A_137, %mul3A_138 : vector<16xf32>
    %swap3A_140 = arith.constant 96 : index
    %swap3A_141 = tpu.vector_load %arg9[%swap3A_140] {strides = array<i32>} : memref<128xf32, #tpu.memory_space<vmem>>, vector<16xf32>,
    tpu.vector_store %arg9[%swap3A_140], %add3A_139 {strides = array<i32>} : memref<128xf32, #tpu.memory_space<vmem>>, vector<16xf32>,
    %add3A_142 = arith.constant 112 : i32
    %add3A_143 = vector.broadcast %add3A_142 : i32 to vector<16xi32>
    %add3A_144 = arith.addi %add3A_143, %iota3A : vector<16xi32>
    %shift_left3A_145 = arith.constant 1 : i32
    %shift_left3A_146 = vector.broadcast %shift_left3A_145 : i32 to vector<16xi32>
    %shift_left3A_147 = arith.shli %add3A_144, %shift_left3A_146 : vector<16xi32>
    %add3A_148 = arith.constant 1 : i32
    %add3A_149 = vector.broadcast %add3A_148 : i32 to vector<16xi32>
    %add3A_150 = arith.addi %shift_left3A_147, %add3A_149 : vector<16xi32>
    %gather3A_151 = tpu.vector_load_idx %arg7[%shift_left3A_147] : memref<256xi32, #tpu.memory_space<vmem>>[vector<16xi32>], vector<16xi32>,
    %gather3A_152 = tpu.vector_load_idx %arg7[%add3A_150] : memref<256xi32, #tpu.memory_space<vmem>>[vector<16xi32>], vector<16xi32>,
    %gather3A_153 = tpu.vector_load_idx %arg8[%shift_left3A_147] : memref<256xf32, #tpu.memory_space<vmem>>[vector<16xi32>], vector<16xf32>,
    %gather3A_154 = tpu.vector_load_idx %arg8[%add3A_150] : memref<256xf32, #tpu.memory_space<vmem>>[vector<16xi32>], vector<16xf32>,
    %gather3A_155 = tpu.vector_load_idx %arg6[%gather3A_151] : memref<10240xf32, #tpu.memory_space<vmem>>[vector<16xi32>], vector<16xf32>,
    %gather3A_156 = tpu.vector_load_idx %arg6[%gather3A_152] : memref<10240xf32, #tpu.memory_space<vmem>>[vector<16xi32>], vector<16xf32>,
    %mul3A_157 = arith.mulf %gather3A_155, %gather3A_153 : vector<16xf32>
    %mul3A_158 = arith.mulf %gather3A_156, %gather3A_154 : vector<16xf32>
    %add3A_159 = arith.addf %mul3A_157, %mul3A_158 : vector<16xf32>
    %swap3A_160 = arith.constant 112 : index
    %swap3A_161 = tpu.vector_load %arg9[%swap3A_160] {strides = array<i32>} : memref<128xf32, #tpu.memory_space<vmem>>, vector<16xf32>,
    tpu.vector_store %arg9[%swap3A_160], %add3A_159 {strides = array<i32>} : memref<128xf32, #tpu.memory_space<vmem>>, vector<16xf32>,
    "tpu.region"() ({
      %run_scoped3A = tpu.sem_alloc : memref<!tpu.dma_semaphore, #tpu.memory_space<semaphore_mem>>
      %dma_start3A = tpu.memref_slice %arg5[%mul3A_2] : memref<4096xf32, #tpu.memory_space<hbm>> -> memref<128xf32, #tpu.memory_space<hbm>>
      %dma_start3A_162 = tpu.memref_slice %arg5[%mul3A_2] : memref<4096xf32, #tpu.memory_space<hbm>> -> memref<128xf32, #tpu.memory_space<hbm>>
      tpu.enqueue_dma source(%arg9 : memref<128xf32, #tpu.memory_space<vmem>>) target(%dma_start3A_162 : memref<128xf32, #tpu.memory_space<hbm>>) target_semaphore(%run_scoped3A : memref<!tpu.dma_semaphore, #tpu.memory_space<semaphore_mem>>)
      %dma_wait3A = tpu.memref_slice %arg5[%mul3A_2] : memref<4096xf32, #tpu.memory_space<hbm>> -> memref<128xf32, #tpu.memory_space<hbm>>
      %dma_wait3A_163 = tpu.memref_slice %arg5[%mul3A_2] : memref<4096xf32, #tpu.memory_space<hbm>> -> memref<128xf32, #tpu.memory_space<hbm>>
      tpu.wait_dma2 semaphore(%run_scoped3A : memref<!tpu.dma_semaphore, #tpu.memory_space<semaphore_mem>>) src(%arg9 : memref<128xf32, #tpu.memory_space<vmem>>) dst(%dma_wait3A_163 : memref<128xf32, #tpu.memory_space<hbm>>)
      tpu.yield
    }) : () -> ()
    return
  }
}

#map = affine_map<(d0, d1) -> (0)>
#map1 = affine_map<(d0, d1) -> (0, 0)>
module attributes {stable_mosaic.version = 14 : i64} {
  func.func @_sc_plan_body(%arg0: i32, %arg1: i32, %arg2: memref<8192xi32, #tpu.memory_space<hbm>>, %arg3: memref<16xi32, #tpu.memory_space<hbm>>, %arg4: memref<32x256xi32, #tpu.memory_space<hbm>>, %arg5: memref<256xi32, #tpu.memory_space<vmem>>, %arg6: memref<16xi32, #tpu.memory_space<vmem>>, %arg7: memref<16xi32, #tpu.memory_space<vmem>>, %arg8: memref<256xi32, #tpu.memory_space<vmem>>) attributes {dimension_semantics = [#tpu.dimension_semantics<core_parallel>, #tpu.dimension_semantics<subcore_parallel>], iteration_bounds = array<i64: 2, 16>, scalar_prefetch = 0 : i64, scratch_operands = 4 : i64, tpu.core_type = #tpu.core_type<sc_vector_subcore>, window_params = [{transform_indices = #map}, {transform_indices = #map}, {transform_indices = #map1}]} {
    %mul3A = arith.constant 2 : i32
    %mul3A_0 = arith.muli %arg1, %mul3A : i32
    %add3A = arith.addi %mul3A_0, %arg0 : i32
    %mul3A_1 = arith.constant 256 : i32
    %mul3A_2 = arith.muli %add3A, %mul3A_1 : i32
    "tpu.region"() ({
      %run_scoped3A = tpu.sem_alloc : memref<!tpu.dma_semaphore, #tpu.memory_space<semaphore_mem>>
      %dma_start3A = tpu.memref_slice %arg2[%mul3A_2] : memref<8192xi32, #tpu.memory_space<hbm>> -> memref<256xi32, #tpu.memory_space<hbm>>
      %dma_start3A_204 = tpu.memref_slice %arg2[%mul3A_2] : memref<8192xi32, #tpu.memory_space<hbm>> -> memref<256xi32, #tpu.memory_space<hbm>>
      tpu.enqueue_dma source(%dma_start3A_204 : memref<256xi32, #tpu.memory_space<hbm>>) target(%arg5 : memref<256xi32, #tpu.memory_space<vmem>>) target_semaphore(%run_scoped3A : memref<!tpu.dma_semaphore, #tpu.memory_space<semaphore_mem>>)
      %dma_wait3A = tpu.memref_slice %arg2[%mul3A_2] : memref<8192xi32, #tpu.memory_space<hbm>> -> memref<256xi32, #tpu.memory_space<hbm>>
      %dma_wait3A_205 = tpu.memref_slice %arg2[%mul3A_2] : memref<8192xi32, #tpu.memory_space<hbm>> -> memref<256xi32, #tpu.memory_space<hbm>>
      tpu.wait_dma2 semaphore(%run_scoped3A : memref<!tpu.dma_semaphore, #tpu.memory_space<semaphore_mem>>) src(%dma_wait3A_205 : memref<256xi32, #tpu.memory_space<hbm>>) dst(%arg5 : memref<256xi32, #tpu.memory_space<vmem>>)
      tpu.yield
    }) : () -> ()
    "tpu.region"() ({
      %run_scoped3A = tpu.sem_alloc : memref<!tpu.dma_semaphore, #tpu.memory_space<semaphore_mem>>
      tpu.enqueue_dma source(%arg3 : memref<16xi32, #tpu.memory_space<hbm>>) target(%arg6 : memref<16xi32, #tpu.memory_space<vmem>>) target_semaphore(%run_scoped3A : memref<!tpu.dma_semaphore, #tpu.memory_space<semaphore_mem>>)
      tpu.wait_dma2 semaphore(%run_scoped3A : memref<!tpu.dma_semaphore, #tpu.memory_space<semaphore_mem>>) src(%arg3 : memref<16xi32, #tpu.memory_space<hbm>>) dst(%arg6 : memref<16xi32, #tpu.memory_space<vmem>>)
      tpu.yield
    }) : () -> ()
    %iota3A = tpu.iota {dimensions = array<i32: 0>} : vector<16xi32>
    %get3A = arith.constant 0 : index
    %get3A_3 = tpu.vector_load %arg6[%get3A] {strides = array<i32>} : memref<16xi32, #tpu.memory_space<vmem>>, vector<16xi32>,
    %add3A_4 = arith.constant 255 : i32
    %add3A_5 = vector.broadcast %add3A_4 : i32 to vector<16xi32>
    %add3A_6 = arith.addi %get3A_3, %add3A_5 : vector<16xi32>
    %and3A = arith.constant -256 : i32
    %and3A_7 = vector.broadcast %and3A : i32 to vector<16xi32>
    %and3A_8 = arith.andi %add3A_6, %and3A_7 : vector<16xi32>
    %lt3A = arith.constant 8 : i32
    %lt3A_9 = vector.broadcast %lt3A : i32 to vector<16xi32>
    %lt3A_10 = arith.cmpi slt, %iota3A, %lt3A_9 : vector<16xi32>
    %jit3A = arith.constant 0 : i32
    %broadcast_in_dim3A = vector.broadcast %jit3A : i32 to vector<16xi32>
    %select_n3A = arith.select %lt3A_10, %and3A_8, %broadcast_in_dim3A : vector<16xi1>, vector<16xi32>
    %broadcast_in_dim3A_11 = arith.constant true
    %broadcast_in_dim3A_12 = vector.broadcast %broadcast_in_dim3A_11 : i1 to vector<16xi1>
    %masked_cumsum3A = tpu.scan <sum>, %select_n3A masked %broadcast_in_dim3A_12 : vector<16xi32>, vector<16xi1> -> vector<16xi32>
    %sub3A = arith.subi %masked_cumsum3A, %select_n3A : vector<16xi32>
    %swap3A = arith.constant 0 : index
    %swap3A_13 = tpu.vector_load %arg7[%swap3A] {strides = array<i32>} : memref<16xi32, #tpu.memory_space<vmem>>, vector<16xi32>,
    tpu.vector_store %arg7[%swap3A], %sub3A {strides = array<i32>} : memref<16xi32, #tpu.memory_space<vmem>>, vector<16xi32>,
    %get3A_14 = arith.constant 0 : index
    %get3A_15 = tpu.vector_load %arg5[%get3A_14] {strides = array<i32>} : memref<256xi32, #tpu.memory_space<vmem>>, vector<16xi32>,
    %and3A_16 = arith.constant 7 : i32
    %and3A_17 = vector.broadcast %and3A_16 : i32 to vector<16xi32>
    %and3A_18 = arith.andi %get3A_15, %and3A_17 : vector<16xi32>
    %shift_right_arithmetic3A = arith.constant 3 : i32
    %shift_right_arithmetic3A_19 = vector.broadcast %shift_right_arithmetic3A : i32 to vector<16xi32>
    %shift_right_arithmetic3A_20 = arith.shrsi %get3A_15, %shift_right_arithmetic3A_19 : vector<16xi32>
    %gather3A = tpu.vector_load_idx %arg7[%and3A_18] : memref<16xi32, #tpu.memory_space<vmem>>[vector<16xi32>], vector<16xi32>,
    %add3A_21 = arith.addi %gather3A, %shift_right_arithmetic3A_20 : vector<16xi32>
    %swap3A_22 = arith.constant 0 : index
    %swap3A_23 = tpu.vector_load %arg8[%swap3A_22] {strides = array<i32>} : memref<256xi32, #tpu.memory_space<vmem>>, vector<16xi32>,
    tpu.vector_store %arg8[%swap3A_22], %add3A_21 {strides = array<i32>} : memref<256xi32, #tpu.memory_space<vmem>>, vector<16xi32>,
    %get3A_24 = arith.constant 16 : index
    %get3A_25 = tpu.vector_load %arg5[%get3A_24] {strides = array<i32>} : memref<256xi32, #tpu.memory_space<vmem>>, vector<16xi32>,
    %and3A_26 = arith.constant 7 : i32
    %and3A_27 = vector.broadcast %and3A_26 : i32 to vector<16xi32>
    %and3A_28 = arith.andi %get3A_25, %and3A_27 : vector<16xi32>
    %shift_right_arithmetic3A_29 = arith.constant 3 : i32
    %shift_right_arithmetic3A_30 = vector.broadcast %shift_right_arithmetic3A_29 : i32 to vector<16xi32>
    %shift_right_arithmetic3A_31 = arith.shrsi %get3A_25, %shift_right_arithmetic3A_30 : vector<16xi32>
    %gather3A_32 = tpu.vector_load_idx %arg7[%and3A_28] : memref<16xi32, #tpu.memory_space<vmem>>[vector<16xi32>], vector<16xi32>,
    %add3A_33 = arith.addi %gather3A_32, %shift_right_arithmetic3A_31 : vector<16xi32>
    %swap3A_34 = arith.constant 16 : index
    %swap3A_35 = tpu.vector_load %arg8[%swap3A_34] {strides = array<i32>} : memref<256xi32, #tpu.memory_space<vmem>>, vector<16xi32>,
    tpu.vector_store %arg8[%swap3A_34], %add3A_33 {strides = array<i32>} : memref<256xi32, #tpu.memory_space<vmem>>, vector<16xi32>,
    %get3A_36 = arith.constant 32 : index
    %get3A_37 = tpu.vector_load %arg5[%get3A_36] {strides = array<i32>} : memref<256xi32, #tpu.memory_space<vmem>>, vector<16xi32>,
    %and3A_38 = arith.constant 7 : i32
    %and3A_39 = vector.broadcast %and3A_38 : i32 to vector<16xi32>
    %and3A_40 = arith.andi %get3A_37, %and3A_39 : vector<16xi32>
    %shift_right_arithmetic3A_41 = arith.constant 3 : i32
    %shift_right_arithmetic3A_42 = vector.broadcast %shift_right_arithmetic3A_41 : i32 to vector<16xi32>
    %shift_right_arithmetic3A_43 = arith.shrsi %get3A_37, %shift_right_arithmetic3A_42 : vector<16xi32>
    %gather3A_44 = tpu.vector_load_idx %arg7[%and3A_40] : memref<16xi32, #tpu.memory_space<vmem>>[vector<16xi32>], vector<16xi32>,
    %add3A_45 = arith.addi %gather3A_44, %shift_right_arithmetic3A_43 : vector<16xi32>
    %swap3A_46 = arith.constant 32 : index
    %swap3A_47 = tpu.vector_load %arg8[%swap3A_46] {strides = array<i32>} : memref<256xi32, #tpu.memory_space<vmem>>, vector<16xi32>,
    tpu.vector_store %arg8[%swap3A_46], %add3A_45 {strides = array<i32>} : memref<256xi32, #tpu.memory_space<vmem>>, vector<16xi32>,
    %get3A_48 = arith.constant 48 : index
    %get3A_49 = tpu.vector_load %arg5[%get3A_48] {strides = array<i32>} : memref<256xi32, #tpu.memory_space<vmem>>, vector<16xi32>,
    %and3A_50 = arith.constant 7 : i32
    %and3A_51 = vector.broadcast %and3A_50 : i32 to vector<16xi32>
    %and3A_52 = arith.andi %get3A_49, %and3A_51 : vector<16xi32>
    %shift_right_arithmetic3A_53 = arith.constant 3 : i32
    %shift_right_arithmetic3A_54 = vector.broadcast %shift_right_arithmetic3A_53 : i32 to vector<16xi32>
    %shift_right_arithmetic3A_55 = arith.shrsi %get3A_49, %shift_right_arithmetic3A_54 : vector<16xi32>
    %gather3A_56 = tpu.vector_load_idx %arg7[%and3A_52] : memref<16xi32, #tpu.memory_space<vmem>>[vector<16xi32>], vector<16xi32>,
    %add3A_57 = arith.addi %gather3A_56, %shift_right_arithmetic3A_55 : vector<16xi32>
    %swap3A_58 = arith.constant 48 : index
    %swap3A_59 = tpu.vector_load %arg8[%swap3A_58] {strides = array<i32>} : memref<256xi32, #tpu.memory_space<vmem>>, vector<16xi32>,
    tpu.vector_store %arg8[%swap3A_58], %add3A_57 {strides = array<i32>} : memref<256xi32, #tpu.memory_space<vmem>>, vector<16xi32>,
    %get3A_60 = arith.constant 64 : index
    %get3A_61 = tpu.vector_load %arg5[%get3A_60] {strides = array<i32>} : memref<256xi32, #tpu.memory_space<vmem>>, vector<16xi32>,
    %and3A_62 = arith.constant 7 : i32
    %and3A_63 = vector.broadcast %and3A_62 : i32 to vector<16xi32>
    %and3A_64 = arith.andi %get3A_61, %and3A_63 : vector<16xi32>
    %shift_right_arithmetic3A_65 = arith.constant 3 : i32
    %shift_right_arithmetic3A_66 = vector.broadcast %shift_right_arithmetic3A_65 : i32 to vector<16xi32>
    %shift_right_arithmetic3A_67 = arith.shrsi %get3A_61, %shift_right_arithmetic3A_66 : vector<16xi32>
    %gather3A_68 = tpu.vector_load_idx %arg7[%and3A_64] : memref<16xi32, #tpu.memory_space<vmem>>[vector<16xi32>], vector<16xi32>,
    %add3A_69 = arith.addi %gather3A_68, %shift_right_arithmetic3A_67 : vector<16xi32>
    %swap3A_70 = arith.constant 64 : index
    %swap3A_71 = tpu.vector_load %arg8[%swap3A_70] {strides = array<i32>} : memref<256xi32, #tpu.memory_space<vmem>>, vector<16xi32>,
    tpu.vector_store %arg8[%swap3A_70], %add3A_69 {strides = array<i32>} : memref<256xi32, #tpu.memory_space<vmem>>, vector<16xi32>,
    %get3A_72 = arith.constant 80 : index
    %get3A_73 = tpu.vector_load %arg5[%get3A_72] {strides = array<i32>} : memref<256xi32, #tpu.memory_space<vmem>>, vector<16xi32>,
    %and3A_74 = arith.constant 7 : i32
    %and3A_75 = vector.broadcast %and3A_74 : i32 to vector<16xi32>
    %and3A_76 = arith.andi %get3A_73, %and3A_75 : vector<16xi32>
    %shift_right_arithmetic3A_77 = arith.constant 3 : i32
    %shift_right_arithmetic3A_78 = vector.broadcast %shift_right_arithmetic3A_77 : i32 to vector<16xi32>
    %shift_right_arithmetic3A_79 = arith.shrsi %get3A_73, %shift_right_arithmetic3A_78 : vector<16xi32>
    %gather3A_80 = tpu.vector_load_idx %arg7[%and3A_76] : memref<16xi32, #tpu.memory_space<vmem>>[vector<16xi32>], vector<16xi32>,
    %add3A_81 = arith.addi %gather3A_80, %shift_right_arithmetic3A_79 : vector<16xi32>
    %swap3A_82 = arith.constant 80 : index
    %swap3A_83 = tpu.vector_load %arg8[%swap3A_82] {strides = array<i32>} : memref<256xi32, #tpu.memory_space<vmem>>, vector<16xi32>,
    tpu.vector_store %arg8[%swap3A_82], %add3A_81 {strides = array<i32>} : memref<256xi32, #tpu.memory_space<vmem>>, vector<16xi32>,
    %get3A_84 = arith.constant 96 : index
    %get3A_85 = tpu.vector_load %arg5[%get3A_84] {strides = array<i32>} : memref<256xi32, #tpu.memory_space<vmem>>, vector<16xi32>,
    %and3A_86 = arith.constant 7 : i32
    %and3A_87 = vector.broadcast %and3A_86 : i32 to vector<16xi32>
    %and3A_88 = arith.andi %get3A_85, %and3A_87 : vector<16xi32>
    %shift_right_arithmetic3A_89 = arith.constant 3 : i32
    %shift_right_arithmetic3A_90 = vector.broadcast %shift_right_arithmetic3A_89 : i32 to vector<16xi32>
    %shift_right_arithmetic3A_91 = arith.shrsi %get3A_85, %shift_right_arithmetic3A_90 : vector<16xi32>
    %gather3A_92 = tpu.vector_load_idx %arg7[%and3A_88] : memref<16xi32, #tpu.memory_space<vmem>>[vector<16xi32>], vector<16xi32>,
    %add3A_93 = arith.addi %gather3A_92, %shift_right_arithmetic3A_91 : vector<16xi32>
    %swap3A_94 = arith.constant 96 : index
    %swap3A_95 = tpu.vector_load %arg8[%swap3A_94] {strides = array<i32>} : memref<256xi32, #tpu.memory_space<vmem>>, vector<16xi32>,
    tpu.vector_store %arg8[%swap3A_94], %add3A_93 {strides = array<i32>} : memref<256xi32, #tpu.memory_space<vmem>>, vector<16xi32>,
    %get3A_96 = arith.constant 112 : index
    %get3A_97 = tpu.vector_load %arg5[%get3A_96] {strides = array<i32>} : memref<256xi32, #tpu.memory_space<vmem>>, vector<16xi32>,
    %and3A_98 = arith.constant 7 : i32
    %and3A_99 = vector.broadcast %and3A_98 : i32 to vector<16xi32>
    %and3A_100 = arith.andi %get3A_97, %and3A_99 : vector<16xi32>
    %shift_right_arithmetic3A_101 = arith.constant 3 : i32
    %shift_right_arithmetic3A_102 = vector.broadcast %shift_right_arithmetic3A_101 : i32 to vector<16xi32>
    %shift_right_arithmetic3A_103 = arith.shrsi %get3A_97, %shift_right_arithmetic3A_102 : vector<16xi32>
    %gather3A_104 = tpu.vector_load_idx %arg7[%and3A_100] : memref<16xi32, #tpu.memory_space<vmem>>[vector<16xi32>], vector<16xi32>,
    %add3A_105 = arith.addi %gather3A_104, %shift_right_arithmetic3A_103 : vector<16xi32>
    %swap3A_106 = arith.constant 112 : index
    %swap3A_107 = tpu.vector_load %arg8[%swap3A_106] {strides = array<i32>} : memref<256xi32, #tpu.memory_space<vmem>>, vector<16xi32>,
    tpu.vector_store %arg8[%swap3A_106], %add3A_105 {strides = array<i32>} : memref<256xi32, #tpu.memory_space<vmem>>, vector<16xi32>,
    %get3A_108 = arith.constant 128 : index
    %get3A_109 = tpu.vector_load %arg5[%get3A_108] {strides = array<i32>} : memref<256xi32, #tpu.memory_space<vmem>>, vector<16xi32>,
    %and3A_110 = arith.constant 7 : i32
    %and3A_111 = vector.broadcast %and3A_110 : i32 to vector<16xi32>
    %and3A_112 = arith.andi %get3A_109, %and3A_111 : vector<16xi32>
    %shift_right_arithmetic3A_113 = arith.constant 3 : i32
    %shift_right_arithmetic3A_114 = vector.broadcast %shift_right_arithmetic3A_113 : i32 to vector<16xi32>
    %shift_right_arithmetic3A_115 = arith.shrsi %get3A_109, %shift_right_arithmetic3A_114 : vector<16xi32>
    %gather3A_116 = tpu.vector_load_idx %arg7[%and3A_112] : memref<16xi32, #tpu.memory_space<vmem>>[vector<16xi32>], vector<16xi32>,
    %add3A_117 = arith.addi %gather3A_116, %shift_right_arithmetic3A_115 : vector<16xi32>
    %swap3A_118 = arith.constant 128 : index
    %swap3A_119 = tpu.vector_load %arg8[%swap3A_118] {strides = array<i32>} : memref<256xi32, #tpu.memory_space<vmem>>, vector<16xi32>,
    tpu.vector_store %arg8[%swap3A_118], %add3A_117 {strides = array<i32>} : memref<256xi32, #tpu.memory_space<vmem>>, vector<16xi32>,
    %get3A_120 = arith.constant 144 : index
    %get3A_121 = tpu.vector_load %arg5[%get3A_120] {strides = array<i32>} : memref<256xi32, #tpu.memory_space<vmem>>, vector<16xi32>,
    %and3A_122 = arith.constant 7 : i32
    %and3A_123 = vector.broadcast %and3A_122 : i32 to vector<16xi32>
    %and3A_124 = arith.andi %get3A_121, %and3A_123 : vector<16xi32>
    %shift_right_arithmetic3A_125 = arith.constant 3 : i32
    %shift_right_arithmetic3A_126 = vector.broadcast %shift_right_arithmetic3A_125 : i32 to vector<16xi32>
    %shift_right_arithmetic3A_127 = arith.shrsi %get3A_121, %shift_right_arithmetic3A_126 : vector<16xi32>
    %gather3A_128 = tpu.vector_load_idx %arg7[%and3A_124] : memref<16xi32, #tpu.memory_space<vmem>>[vector<16xi32>], vector<16xi32>,
    %add3A_129 = arith.addi %gather3A_128, %shift_right_arithmetic3A_127 : vector<16xi32>
    %swap3A_130 = arith.constant 144 : index
    %swap3A_131 = tpu.vector_load %arg8[%swap3A_130] {strides = array<i32>} : memref<256xi32, #tpu.memory_space<vmem>>, vector<16xi32>,
    tpu.vector_store %arg8[%swap3A_130], %add3A_129 {strides = array<i32>} : memref<256xi32, #tpu.memory_space<vmem>>, vector<16xi32>,
    %get3A_132 = arith.constant 160 : index
    %get3A_133 = tpu.vector_load %arg5[%get3A_132] {strides = array<i32>} : memref<256xi32, #tpu.memory_space<vmem>>, vector<16xi32>,
    %and3A_134 = arith.constant 7 : i32
    %and3A_135 = vector.broadcast %and3A_134 : i32 to vector<16xi32>
    %and3A_136 = arith.andi %get3A_133, %and3A_135 : vector<16xi32>
    %shift_right_arithmetic3A_137 = arith.constant 3 : i32
    %shift_right_arithmetic3A_138 = vector.broadcast %shift_right_arithmetic3A_137 : i32 to vector<16xi32>
    %shift_right_arithmetic3A_139 = arith.shrsi %get3A_133, %shift_right_arithmetic3A_138 : vector<16xi32>
    %gather3A_140 = tpu.vector_load_idx %arg7[%and3A_136] : memref<16xi32, #tpu.memory_space<vmem>>[vector<16xi32>], vector<16xi32>,
    %add3A_141 = arith.addi %gather3A_140, %shift_right_arithmetic3A_139 : vector<16xi32>
    %swap3A_142 = arith.constant 160 : index
    %swap3A_143 = tpu.vector_load %arg8[%swap3A_142] {strides = array<i32>} : memref<256xi32, #tpu.memory_space<vmem>>, vector<16xi32>,
    tpu.vector_store %arg8[%swap3A_142], %add3A_141 {strides = array<i32>} : memref<256xi32, #tpu.memory_space<vmem>>, vector<16xi32>,
    %get3A_144 = arith.constant 176 : index
    %get3A_145 = tpu.vector_load %arg5[%get3A_144] {strides = array<i32>} : memref<256xi32, #tpu.memory_space<vmem>>, vector<16xi32>,
    %and3A_146 = arith.constant 7 : i32
    %and3A_147 = vector.broadcast %and3A_146 : i32 to vector<16xi32>
    %and3A_148 = arith.andi %get3A_145, %and3A_147 : vector<16xi32>
    %shift_right_arithmetic3A_149 = arith.constant 3 : i32
    %shift_right_arithmetic3A_150 = vector.broadcast %shift_right_arithmetic3A_149 : i32 to vector<16xi32>
    %shift_right_arithmetic3A_151 = arith.shrsi %get3A_145, %shift_right_arithmetic3A_150 : vector<16xi32>
    %gather3A_152 = tpu.vector_load_idx %arg7[%and3A_148] : memref<16xi32, #tpu.memory_space<vmem>>[vector<16xi32>], vector<16xi32>,
    %add3A_153 = arith.addi %gather3A_152, %shift_right_arithmetic3A_151 : vector<16xi32>
    %swap3A_154 = arith.constant 176 : index
    %swap3A_155 = tpu.vector_load %arg8[%swap3A_154] {strides = array<i32>} : memref<256xi32, #tpu.memory_space<vmem>>, vector<16xi32>,
    tpu.vector_store %arg8[%swap3A_154], %add3A_153 {strides = array<i32>} : memref<256xi32, #tpu.memory_space<vmem>>, vector<16xi32>,
    %get3A_156 = arith.constant 192 : index
    %get3A_157 = tpu.vector_load %arg5[%get3A_156] {strides = array<i32>} : memref<256xi32, #tpu.memory_space<vmem>>, vector<16xi32>,
    %and3A_158 = arith.constant 7 : i32
    %and3A_159 = vector.broadcast %and3A_158 : i32 to vector<16xi32>
    %and3A_160 = arith.andi %get3A_157, %and3A_159 : vector<16xi32>
    %shift_right_arithmetic3A_161 = arith.constant 3 : i32
    %shift_right_arithmetic3A_162 = vector.broadcast %shift_right_arithmetic3A_161 : i32 to vector<16xi32>
    %shift_right_arithmetic3A_163 = arith.shrsi %get3A_157, %shift_right_arithmetic3A_162 : vector<16xi32>
    %gather3A_164 = tpu.vector_load_idx %arg7[%and3A_160] : memref<16xi32, #tpu.memory_space<vmem>>[vector<16xi32>], vector<16xi32>,
    %add3A_165 = arith.addi %gather3A_164, %shift_right_arithmetic3A_163 : vector<16xi32>
    %swap3A_166 = arith.constant 192 : index
    %swap3A_167 = tpu.vector_load %arg8[%swap3A_166] {strides = array<i32>} : memref<256xi32, #tpu.memory_space<vmem>>, vector<16xi32>,
    tpu.vector_store %arg8[%swap3A_166], %add3A_165 {strides = array<i32>} : memref<256xi32, #tpu.memory_space<vmem>>, vector<16xi32>,
    %get3A_168 = arith.constant 208 : index
    %get3A_169 = tpu.vector_load %arg5[%get3A_168] {strides = array<i32>} : memref<256xi32, #tpu.memory_space<vmem>>, vector<16xi32>,
    %and3A_170 = arith.constant 7 : i32
    %and3A_171 = vector.broadcast %and3A_170 : i32 to vector<16xi32>
    %and3A_172 = arith.andi %get3A_169, %and3A_171 : vector<16xi32>
    %shift_right_arithmetic3A_173 = arith.constant 3 : i32
    %shift_right_arithmetic3A_174 = vector.broadcast %shift_right_arithmetic3A_173 : i32 to vector<16xi32>
    %shift_right_arithmetic3A_175 = arith.shrsi %get3A_169, %shift_right_arithmetic3A_174 : vector<16xi32>
    %gather3A_176 = tpu.vector_load_idx %arg7[%and3A_172] : memref<16xi32, #tpu.memory_space<vmem>>[vector<16xi32>], vector<16xi32>,
    %add3A_177 = arith.addi %gather3A_176, %shift_right_arithmetic3A_175 : vector<16xi32>
    %swap3A_178 = arith.constant 208 : index
    %swap3A_179 = tpu.vector_load %arg8[%swap3A_178] {strides = array<i32>} : memref<256xi32, #tpu.memory_space<vmem>>, vector<16xi32>,
    tpu.vector_store %arg8[%swap3A_178], %add3A_177 {strides = array<i32>} : memref<256xi32, #tpu.memory_space<vmem>>, vector<16xi32>,
    %get3A_180 = arith.constant 224 : index
    %get3A_181 = tpu.vector_load %arg5[%get3A_180] {strides = array<i32>} : memref<256xi32, #tpu.memory_space<vmem>>, vector<16xi32>,
    %and3A_182 = arith.constant 7 : i32
    %and3A_183 = vector.broadcast %and3A_182 : i32 to vector<16xi32>
    %and3A_184 = arith.andi %get3A_181, %and3A_183 : vector<16xi32>
    %shift_right_arithmetic3A_185 = arith.constant 3 : i32
    %shift_right_arithmetic3A_186 = vector.broadcast %shift_right_arithmetic3A_185 : i32 to vector<16xi32>
    %shift_right_arithmetic3A_187 = arith.shrsi %get3A_181, %shift_right_arithmetic3A_186 : vector<16xi32>
    %gather3A_188 = tpu.vector_load_idx %arg7[%and3A_184] : memref<16xi32, #tpu.memory_space<vmem>>[vector<16xi32>], vector<16xi32>,
    %add3A_189 = arith.addi %gather3A_188, %shift_right_arithmetic3A_187 : vector<16xi32>
    %swap3A_190 = arith.constant 224 : index
    %swap3A_191 = tpu.vector_load %arg8[%swap3A_190] {strides = array<i32>} : memref<256xi32, #tpu.memory_space<vmem>>, vector<16xi32>,
    tpu.vector_store %arg8[%swap3A_190], %add3A_189 {strides = array<i32>} : memref<256xi32, #tpu.memory_space<vmem>>, vector<16xi32>,
    %get3A_192 = arith.constant 240 : index
    %get3A_193 = tpu.vector_load %arg5[%get3A_192] {strides = array<i32>} : memref<256xi32, #tpu.memory_space<vmem>>, vector<16xi32>,
    %and3A_194 = arith.constant 7 : i32
    %and3A_195 = vector.broadcast %and3A_194 : i32 to vector<16xi32>
    %and3A_196 = arith.andi %get3A_193, %and3A_195 : vector<16xi32>
    %shift_right_arithmetic3A_197 = arith.constant 3 : i32
    %shift_right_arithmetic3A_198 = vector.broadcast %shift_right_arithmetic3A_197 : i32 to vector<16xi32>
    %shift_right_arithmetic3A_199 = arith.shrsi %get3A_193, %shift_right_arithmetic3A_198 : vector<16xi32>
    %gather3A_200 = tpu.vector_load_idx %arg7[%and3A_196] : memref<16xi32, #tpu.memory_space<vmem>>[vector<16xi32>], vector<16xi32>,
    %add3A_201 = arith.addi %gather3A_200, %shift_right_arithmetic3A_199 : vector<16xi32>
    %swap3A_202 = arith.constant 240 : index
    %swap3A_203 = tpu.vector_load %arg8[%swap3A_202] {strides = array<i32>} : memref<256xi32, #tpu.memory_space<vmem>>, vector<16xi32>,
    tpu.vector_store %arg8[%swap3A_202], %add3A_201 {strides = array<i32>} : memref<256xi32, #tpu.memory_space<vmem>>, vector<16xi32>,
    "tpu.region"() ({
      %run_scoped3A = tpu.sem_alloc : memref<!tpu.dma_semaphore, #tpu.memory_space<semaphore_mem>>
      %dma_start3A = arith.constant 0 : i32
      %dma_start3A_204 = tpu.memref_slice %arg4[%add3A, %dma_start3A] : memref<32x256xi32, #tpu.memory_space<hbm>> -> memref<1x256xi32, #tpu.memory_space<hbm>>
      %dma_start3A_205 = tpu.memref_squeeze %dma_start3A_204 : memref<1x256xi32, #tpu.memory_space<hbm>> -> memref<256xi32, #tpu.memory_space<hbm>>
      %dma_start3A_206 = arith.constant 0 : i32
      %dma_start3A_207 = tpu.memref_slice %arg4[%add3A, %dma_start3A_206] : memref<32x256xi32, #tpu.memory_space<hbm>> -> memref<1x256xi32, #tpu.memory_space<hbm>>
      %dma_start3A_208 = tpu.memref_squeeze %dma_start3A_207 : memref<1x256xi32, #tpu.memory_space<hbm>> -> memref<256xi32, #tpu.memory_space<hbm>>
      tpu.enqueue_dma source(%arg8 : memref<256xi32, #tpu.memory_space<vmem>>) target(%dma_start3A_208 : memref<256xi32, #tpu.memory_space<hbm>>) target_semaphore(%run_scoped3A : memref<!tpu.dma_semaphore, #tpu.memory_space<semaphore_mem>>)
      %dma_wait3A = arith.constant 0 : i32
      %dma_wait3A_209 = tpu.memref_slice %arg4[%add3A, %dma_wait3A] : memref<32x256xi32, #tpu.memory_space<hbm>> -> memref<1x256xi32, #tpu.memory_space<hbm>>
      %dma_wait3A_210 = tpu.memref_squeeze %dma_wait3A_209 : memref<1x256xi32, #tpu.memory_space<hbm>> -> memref<256xi32, #tpu.memory_space<hbm>>
      %dma_wait3A_211 = arith.constant 0 : i32
      %dma_wait3A_212 = tpu.memref_slice %arg4[%add3A, %dma_wait3A_211] : memref<32x256xi32, #tpu.memory_space<hbm>> -> memref<1x256xi32, #tpu.memory_space<hbm>>
      %dma_wait3A_213 = tpu.memref_squeeze %dma_wait3A_212 : memref<1x256xi32, #tpu.memory_space<hbm>> -> memref<256xi32, #tpu.memory_space<hbm>>
      tpu.wait_dma2 semaphore(%run_scoped3A : memref<!tpu.dma_semaphore, #tpu.memory_space<semaphore_mem>>) src(%arg8 : memref<256xi32, #tpu.memory_space<vmem>>) dst(%dma_wait3A_213 : memref<256xi32, #tpu.memory_space<hbm>>)
      tpu.yield
    }) : () -> ()
    return
  }
}

module attributes {stable_mosaic.version = 14 : i64} {
  func.func @_router_body(%arg0: i32, %arg1: memref<512x1024xf32, #tpu.memory_space<vmem>>, %arg2: memref<8x1024xf32, #tpu.memory_space<vmem>>, %arg3: memref<1x8xf32, #tpu.memory_space<vmem>>, %arg4: memref<512x2xi32, #tpu.memory_space<vmem>>, %arg5: memref<512x2xf32, #tpu.memory_space<vmem>>, %arg6: memref<1x16xi32, #tpu.memory_space<vmem>>, %arg7: memref<1x8xf32, #tpu.memory_space<vmem>>) attributes {dimension_semantics = [#tpu.dimension_semantics<arbitrary>], iteration_bounds = array<i64: 8>, scalar_prefetch = 0 : i64, scratch_operands = 1 : i64, tpu.core_type = #tpu.core_type<tc>, window_params = [{transform_indices = @transform_0, window_bounds = array<i64: 512, 1024>}, {pipeline_mode = #tpu.pipeline_mode<synchronous>, transform_indices = @transform_1, window_bounds = array<i64: 8, 1024>}, {pipeline_mode = #tpu.pipeline_mode<synchronous>, transform_indices = @transform_2, window_bounds = array<i64: 1, 8>}, {transform_indices = @transform_3, window_bounds = array<i64: 512, 2>}, {transform_indices = @transform_4, window_bounds = array<i64: 512, 2>}, {pipeline_mode = #tpu.pipeline_mode<synchronous>, transform_indices = @transform_5, window_bounds = array<i64: 1, 16>}]} {
    %get3A = arith.constant 0 : index
    %get3A_0 = arith.constant 0 : index
    %get3A_1 = vector.load %arg1[%get3A, %get3A_0] : memref<512x1024xf32, #tpu.memory_space<vmem>>, vector<512x1024xf32>
    %get3A_2 = arith.constant 0 : index
    %get3A_3 = arith.constant 0 : index
    %get3A_4 = vector.load %arg2[%get3A_2, %get3A_3] : memref<8x1024xf32, #tpu.memory_space<vmem>>, vector<8x1024xf32>
    %dot_general3A = arith.constant dense<0.000000e+00> : vector<512x8xf32>
    %dot_general3A_5 = tpu.matmul %get3A_1, %get3A_4, %dot_general3A {dimension_numbers = #tpu.dot_dimension_numbers<[1], [1], [0], [0], [0, 0, 1, 0], [], []>, transpose_lhs_hint = false} : vector<512x1024xf32>, vector<8x1024xf32>, vector<512x8xf32> -> vector<512x8xf32>
    %get3A_6 = arith.constant 0 : index
    %get3A_7 = arith.constant 0 : index
    %get3A_8 = vector.load %arg3[%get3A_6, %get3A_7] : memref<1x8xf32, #tpu.memory_space<vmem>>, vector<1x8xf32>
    %add3A = vector.broadcast %get3A_8 : vector<1x8xf32> to vector<512x8xf32>
    %add3A_9 = arith.addf %dot_general3A_5, %add3A : vector<512x8xf32>
    %iota3A = tpu.iota {dimensions = array<i32: 1>} : vector<512x8xi32>
    %reduce_max3A = arith.constant dense<0xFF800000> : vector<512xf32>
    %reduce_max3A_10 = vector.multi_reduction <maximumf>, %add3A_9, %reduce_max3A [1] : vector<512x8xf32> to vector<512xf32>
    %broadcast_in_dim3A = vector.shape_cast %reduce_max3A_10 : vector<512xf32> to vector<512x1xf32>
    %eq3A = vector.broadcast %broadcast_in_dim3A : vector<512x1xf32> to vector<512x8xf32>
    %eq3A_11 = arith.cmpf oeq, %add3A_9, %eq3A : vector<512x8xf32>
    %jit3A = arith.constant 8 : i32
    %broadcast_in_dim3A_12 = vector.broadcast %jit3A : i32 to vector<512x8xi32>
    %select_n3A = arith.select %eq3A_11, %iota3A, %broadcast_in_dim3A_12 : vector<512x8xi1>, vector<512x8xi32>
    %reduce_min3A = arith.constant dense<2147483647> : vector<512xi32>
    %reduce_min3A_13 = vector.multi_reduction <minsi>, %select_n3A, %reduce_min3A [1] : vector<512x8xi32> to vector<512xi32>
    %broadcast_in_dim3A_14 = vector.shape_cast %reduce_min3A_13 : vector<512xi32> to vector<512x1xi32>
    %eq3A_15 = vector.broadcast %broadcast_in_dim3A_14 : vector<512x1xi32> to vector<512x8xi32>
    %eq3A_16 = arith.cmpi eq, %iota3A, %eq3A_15 : vector<512x8xi32>
    %jit3A_17 = arith.constant 0xFF800000 : f32
    %broadcast_in_dim3A_18 = vector.broadcast %jit3A_17 : f32 to vector<512x8xf32>
    %select_n3A_19 = arith.select %eq3A_16, %broadcast_in_dim3A_18, %add3A_9 : vector<512x8xi1>, vector<512x8xf32>
    %reduce_max3A_20 = arith.constant dense<0xFF800000> : vector<512xf32>
    %reduce_max3A_21 = vector.multi_reduction <maximumf>, %select_n3A_19, %reduce_max3A_20 [1] : vector<512x8xf32> to vector<512xf32>
    %broadcast_in_dim3A_22 = vector.shape_cast %reduce_max3A_21 : vector<512xf32> to vector<512x1xf32>
    %eq3A_23 = vector.broadcast %broadcast_in_dim3A_22 : vector<512x1xf32> to vector<512x8xf32>
    %eq3A_24 = arith.cmpf oeq, %select_n3A_19, %eq3A_23 : vector<512x8xf32>
    %jit3A_25 = arith.constant 8 : i32
    %broadcast_in_dim3A_26 = vector.broadcast %jit3A_25 : i32 to vector<512x8xi32>
    %select_n3A_27 = arith.select %eq3A_24, %iota3A, %broadcast_in_dim3A_26 : vector<512x8xi1>, vector<512x8xi32>
    %reduce_min3A_28 = arith.constant dense<2147483647> : vector<512xi32>
    %reduce_min3A_29 = vector.multi_reduction <minsi>, %select_n3A_27, %reduce_min3A_28 [1] : vector<512x8xi32> to vector<512xi32>
    %broadcast_in_dim3A_30 = vector.shape_cast %reduce_min3A_29 : vector<512xi32> to vector<512x1xi32>
    %sub3A = arith.subf %broadcast_in_dim3A_22, %broadcast_in_dim3A : vector<512x1xf32>
    %exp3A = math.exp %sub3A : vector<512x1xf32>
    %add3A_31 = arith.constant 1.000000e+00 : f32
    %add3A_32 = vector.broadcast %add3A_31 : f32 to vector<512x1xf32>
    %add3A_33 = arith.addf %add3A_32, %exp3A : vector<512x1xf32>
    %div3A = arith.constant 1.000000e+00 : f32
    %div3A_34 = vector.broadcast %div3A : f32 to vector<512x1xf32>
    %div3A_35 = arith.divf %div3A_34, %add3A_33 : vector<512x1xf32>
    %div3A_36 = arith.divf %exp3A, %add3A_33 : vector<512x1xf32>
    %concatenate3A = tpu.concatenate %div3A_35, %div3A_36 in 1 : vector<512x1xf32>, vector<512x1xf32> -> vector<512x2xf32>
    %swap3A = arith.constant 0 : index
    %swap3A_37 = arith.constant 0 : index
    %swap3A_38 = vector.load %arg5[%swap3A, %swap3A_37] : memref<512x2xf32, #tpu.memory_space<vmem>>, vector<512x2xf32>
    tpu.vector_store %arg5[%swap3A, %swap3A_37], %concatenate3A {strides = array<i32>} : memref<512x2xf32, #tpu.memory_space<vmem>>, vector<512x2xf32>,
    %eq3A_39 = vector.broadcast %broadcast_in_dim3A_14 : vector<512x1xi32> to vector<512x8xi32>
    %eq3A_40 = arith.cmpi eq, %iota3A, %eq3A_39 : vector<512x8xi32>
    %convert_element_type3A = arith.extui %eq3A_40 : vector<512x8xi1> to vector<512x8xi32>
    %convert_element_type3A_41 = arith.sitofp %convert_element_type3A : vector<512x8xi32> to vector<512x8xf32>
    %eq3A_42 = vector.broadcast %broadcast_in_dim3A_30 : vector<512x1xi32> to vector<512x8xi32>
    %eq3A_43 = arith.cmpi eq, %iota3A, %eq3A_42 : vector<512x8xi32>
    %convert_element_type3A_44 = arith.extui %eq3A_43 : vector<512x8xi1> to vector<512x8xi32>
    %convert_element_type3A_45 = arith.sitofp %convert_element_type3A_44 : vector<512x8xi32> to vector<512x8xf32>
    %add3A_46 = arith.addf %convert_element_type3A_41, %convert_element_type3A_45 : vector<512x8xf32>
    %eq3A_47 = arith.constant 0 : i32
    %eq3A_48 = arith.cmpi eq, %arg0, %eq3A_47 : i32
    %convert_element_type3A_49 = arith.extui %eq3A_48 : i1 to i32
    %cond3A = arith.constant 0 : i32
    %cond3A_50 = arith.cmpi ne, %convert_element_type3A_49, %cond3A : i32
    scf.if %cond3A_50 {
      %broadcast_in_dim3A_101 = arith.constant 0.000000e+00 : f32
      %broadcast_in_dim3A_102 = vector.broadcast %broadcast_in_dim3A_101 : f32 to vector<1x8xf32>
      %swap3A_103 = arith.constant 0 : index
      %swap3A_104 = arith.constant 0 : index
      %swap3A_105 = vector.load %arg7[%swap3A_103, %swap3A_104] : memref<1x8xf32, #tpu.memory_space<vmem>>, vector<1x8xf32>
      tpu.vector_store %arg7[%swap3A_103, %swap3A_104], %broadcast_in_dim3A_102 {strides = array<i32>} : memref<1x8xf32, #tpu.memory_space<vmem>>, vector<1x8xf32>,
    } else {
    }
    %iota3A_51 = tpu.iota {dimensions = array<i32: 0>} : vector<512x512xi32>
    %iota3A_52 = tpu.iota {dimensions = array<i32: 1>} : vector<512x512xi32>
    %gt3A = arith.cmpi sgt, %iota3A_51, %iota3A_52 : vector<512x512xi32>
    %convert_element_type3A_53 = arith.extui %gt3A : vector<512x512xi1> to vector<512x512xi32>
    %convert_element_type3A_54 = arith.sitofp %convert_element_type3A_53 : vector<512x512xi32> to vector<512x512xf32>
    %dot_general3A_55 = arith.constant dense<0.000000e+00> : vector<512x8xf32>
    %dot_general3A_56 = tpu.matmul %convert_element_type3A_54, %add3A_46, %dot_general3A_55 {dimension_numbers = #tpu.dot_dimension_numbers<[1], [0], [0], [1], [0, 0, 1, 1], [], []>, transpose_lhs_hint = false} : vector<512x512xf32>, vector<512x8xf32>, vector<512x8xf32> -> vector<512x8xf32>
    %get3A_57 = arith.constant 0 : index
    %get3A_58 = arith.constant 0 : index
    %get3A_59 = vector.load %arg7[%get3A_57, %get3A_58] : memref<1x8xf32, #tpu.memory_space<vmem>>, vector<1x8xf32>
    %add3A_60 = vector.broadcast %get3A_59 : vector<1x8xf32> to vector<512x8xf32>
    %add3A_61 = arith.addf %dot_general3A_56, %add3A_60 : vector<512x8xf32>
    %mul3A = arith.mulf %add3A_61, %convert_element_type3A_41 : vector<512x8xf32>
    %reduce_sum3A = arith.constant dense<0.000000e+00> : vector<512xf32>
    %reduce_sum3A_62 = vector.multi_reduction <add>, %mul3A, %reduce_sum3A [1] : vector<512x8xf32> to vector<512xf32>
    %broadcast_in_dim3A_63 = vector.shape_cast %reduce_sum3A_62 : vector<512xf32> to vector<512x1xf32>
    %convert_element_type3A_64 = arith.fptosi %broadcast_in_dim3A_63 : vector<512x1xf32> to vector<512x1xi32>
    %mul3A_65 = arith.mulf %add3A_61, %convert_element_type3A_45 : vector<512x8xf32>
    %reduce_sum3A_66 = arith.constant dense<0.000000e+00> : vector<512xf32>
    %reduce_sum3A_67 = vector.multi_reduction <add>, %mul3A_65, %reduce_sum3A_66 [1] : vector<512x8xf32> to vector<512xf32>
    %broadcast_in_dim3A_68 = vector.shape_cast %reduce_sum3A_67 : vector<512xf32> to vector<512x1xf32>
    %convert_element_type3A_69 = arith.fptosi %broadcast_in_dim3A_68 : vector<512x1xf32> to vector<512x1xi32>
    %shift_left3A = arith.constant 3 : i32
    %shift_left3A_70 = vector.broadcast %shift_left3A : i32 to vector<512x1xi32>
    %shift_left3A_71 = arith.shli %convert_element_type3A_64, %shift_left3A_70 : vector<512x1xi32>
    %add3A_72 = arith.addi %broadcast_in_dim3A_14, %shift_left3A_71 : vector<512x1xi32>
    %shift_left3A_73 = arith.constant 3 : i32
    %shift_left3A_74 = vector.broadcast %shift_left3A_73 : i32 to vector<512x1xi32>
    %shift_left3A_75 = arith.shli %convert_element_type3A_69, %shift_left3A_74 : vector<512x1xi32>
    %add3A_76 = arith.addi %broadcast_in_dim3A_30, %shift_left3A_75 : vector<512x1xi32>
    %concatenate3A_77 = tpu.concatenate %add3A_72, %add3A_76 in 1 : vector<512x1xi32>, vector<512x1xi32> -> vector<512x2xi32>
    %swap3A_78 = arith.constant 0 : index
    %swap3A_79 = arith.constant 0 : index
    %swap3A_80 = vector.load %arg4[%swap3A_78, %swap3A_79] : memref<512x2xi32, #tpu.memory_space<vmem>>, vector<512x2xi32>
    tpu.vector_store %arg4[%swap3A_78, %swap3A_79], %concatenate3A_77 {strides = array<i32>} : memref<512x2xi32, #tpu.memory_space<vmem>>, vector<512x2xi32>,
    %get3A_81 = arith.constant 0 : index
    %get3A_82 = arith.constant 0 : index
    %get3A_83 = vector.load %arg7[%get3A_81, %get3A_82] : memref<1x8xf32, #tpu.memory_space<vmem>>, vector<1x8xf32>
    %reduce_sum3A_84 = arith.constant dense<0.000000e+00> : vector<8xf32>
    %reduce_sum3A_85 = vector.multi_reduction <add>, %add3A_46, %reduce_sum3A_84 [0] : vector<512x8xf32> to vector<8xf32>
    %broadcast_in_dim3A_86 = vector.shape_cast %reduce_sum3A_85 : vector<8xf32> to vector<1x8xf32>
    %add3A_87 = arith.addf %get3A_83, %broadcast_in_dim3A_86 : vector<1x8xf32>
    %swap3A_88 = arith.constant 0 : index
    %swap3A_89 = arith.constant 0 : index
    %swap3A_90 = vector.load %arg7[%swap3A_88, %swap3A_89] : memref<1x8xf32, #tpu.memory_space<vmem>>, vector<1x8xf32>
    tpu.vector_store %arg7[%swap3A_88, %swap3A_89], %add3A_87 {strides = array<i32>} : memref<1x8xf32, #tpu.memory_space<vmem>>, vector<1x8xf32>,
    %get3A_91 = arith.constant 0 : index
    %get3A_92 = arith.constant 0 : index
    %get3A_93 = vector.load %arg7[%get3A_91, %get3A_92] : memref<1x8xf32, #tpu.memory_space<vmem>>, vector<1x8xf32>
    %convert_element_type3A_94 = arith.fptosi %get3A_93 : vector<1x8xf32> to vector<1x8xi32>
    %broadcast_in_dim3A_95 = arith.constant 0 : i32
    %broadcast_in_dim3A_96 = vector.broadcast %broadcast_in_dim3A_95 : i32 to vector<1x8xi32>
    %concatenate3A_97 = tpu.concatenate %convert_element_type3A_94, %broadcast_in_dim3A_96 in 1 : vector<1x8xi32>, vector<1x8xi32> -> vector<1x16xi32>
    %swap3A_98 = arith.constant 0 : index
    %swap3A_99 = arith.constant 0 : index
    %swap3A_100 = vector.load %arg6[%swap3A_98, %swap3A_99] : memref<1x16xi32, #tpu.memory_space<vmem>>, vector<1x16xi32>
    tpu.vector_store %arg6[%swap3A_98, %swap3A_99], %concatenate3A_97 {strides = array<i32>} : memref<1x16xi32, #tpu.memory_space<vmem>>, vector<1x16xi32>,
    return
  }
  func.func @transform_0(%arg0: i32) -> (i32, i32) {
    %c0_i32 = arith.constant 0 : i32
    %c0_i32_0 = arith.constant 0 : i32
    return %arg0, %c0_i32 : i32, i32
  }
  func.func @transform_1(%arg0: i32) -> (i32, i32) {
    %c0_i32 = arith.constant 0 : i32
    %c0_i32_0 = arith.constant 0 : i32
    %c0_i32_1 = arith.constant 0 : i32
    return %c0_i32, %c0_i32_0 : i32, i32
  }
  func.func @transform_2(%arg0: i32) -> (i32, i32) {
    %c0_i32 = arith.constant 0 : i32
    %c0_i32_0 = arith.constant 0 : i32
    %c0_i32_1 = arith.constant 0 : i32
    return %c0_i32, %c0_i32_0 : i32, i32
  }
  func.func @transform_3(%arg0: i32) -> (i32, i32) {
    %c0_i32 = arith.constant 0 : i32
    %c0_i32_0 = arith.constant 0 : i32
    return %arg0, %c0_i32 : i32, i32
  }
  func.func @transform_4(%arg0: i32) -> (i32, i32) {
    %c0_i32 = arith.constant 0 : i32
    %c0_i32_0 = arith.constant 0 : i32
    return %arg0, %c0_i32 : i32, i32
  }
  func.func @transform_5(%arg0: i32) -> (i32, i32) {
    %c0_i32 = arith.constant 0 : i32
    %c0_i32_0 = arith.constant 0 : i32
    %c0_i32_1 = arith.constant 0 : i32
    return %c0_i32, %c0_i32_0 : i32, i32
  }
}

module attributes {stable_mosaic.version = 14 : i64} {
  func.func @_mm_body(%arg0: i32, %arg1: memref<48xi32, #tpu.memory_space<smem>>, %arg2: memref<48xi32, #tpu.memory_space<smem>>, %arg3: memref<256x1024xf32, #tpu.memory_space<vmem>>, %arg4: memref<1x1024x1024xf32, #tpu.memory_space<vmem>>, %arg5: memref<1x1x1024xf32, #tpu.memory_space<vmem>>, %arg6: memref<1x1x1024xf32, #tpu.memory_space<vmem>>, %arg7: memref<1x1x1xf32, #tpu.memory_space<vmem>>, %arg8: memref<256x1xf32, #tpu.memory_space<vmem>>) attributes {dimension_semantics = [#tpu.dimension_semantics<arbitrary>], iteration_bounds = array<i64: 40>, scalar_prefetch = 2 : i64, scratch_operands = 0 : i64, tpu.core_type = #tpu.core_type<tc>, window_params = [{transform_indices = @transform_0, window_bounds = array<i64: 256, 1024>}, {transform_indices = @transform_1, window_bounds = array<i64: 1, 1024, 1024>}, {transform_indices = @transform_2, window_bounds = array<i64: 1, 1, 1024>}, {transform_indices = @transform_3, window_bounds = array<i64: 1, 1, 1024>}, {transform_indices = @transform_4, window_bounds = array<i64: 1, 1, 1>}, {transform_indices = @transform_5, window_bounds = array<i64: 256, 1>}]} {
    %get3A = arith.index_cast %arg0 : i32 to index
    %get3A_0 = memref.load %arg2[%get3A] : memref<48xi32, #tpu.memory_space<smem>>
    %eq3A = arith.cmpi eq, %get3A_0, %arg0 : i32
    %convert_element_type3A = arith.extui %eq3A : i1 to i32
    %cond3A = arith.constant 0 : i32
    %cond3A_1 = arith.cmpi ne, %convert_element_type3A, %cond3A : i32
    scf.if %cond3A_1 {
      %get3A_2 = arith.constant 0 : index
      %get3A_3 = arith.constant 0 : index
      %get3A_4 = vector.load %arg3[%get3A_2, %get3A_3] : memref<256x1024xf32, #tpu.memory_space<vmem>>, vector<256x1024xf32>
      %convert_element_type3A_5 = arith.truncf %get3A_4 : vector<256x1024xf32> to vector<256x1024xbf16>
      %get3A_6 = arith.constant 0 : index
      %get3A_7 = arith.constant 0 : index
      %get3A_8 = arith.constant 0 : index
      %get3A_9 = vector.load %arg4[%get3A_6, %get3A_7, %get3A_8] : memref<1x1024x1024xf32, #tpu.memory_space<vmem>>, vector<1x1024x1024xf32>
      %get3A_10 = vector.shape_cast %get3A_9 : vector<1x1024x1024xf32> to vector<1024x1024xf32>
      %convert_element_type3A_11 = arith.truncf %get3A_10 : vector<1024x1024xf32> to vector<1024x1024xbf16>
      %dot_general3A = arith.constant dense<0.000000e+00> : vector<256x1024xf32>
      %dot_general3A_12 = tpu.matmul %convert_element_type3A_5, %convert_element_type3A_11, %dot_general3A {dimension_numbers = #tpu.dot_dimension_numbers<[1], [1], [0], [0], [0, 0, 1, 0], [], []>, transpose_lhs_hint = false} : vector<256x1024xbf16>, vector<1024x1024xbf16>, vector<256x1024xf32> -> vector<256x1024xf32>
      %get3A_13 = arith.constant 0 : index
      %get3A_14 = arith.constant 0 : index
      %get3A_15 = arith.constant 0 : index
      %get3A_16 = vector.load %arg5[%get3A_13, %get3A_14, %get3A_15] : memref<1x1x1024xf32, #tpu.memory_space<vmem>>, vector<1x1x1024xf32>
      %get3A_17 = vector.shape_cast %get3A_16 : vector<1x1x1024xf32> to vector<1x1024xf32>
      %add3A = vector.broadcast %get3A_17 : vector<1x1024xf32> to vector<256x1024xf32>
      %add3A_18 = arith.addf %dot_general3A_12, %add3A : vector<256x1024xf32>
      %max3A = arith.constant 0.000000e+00 : f32
      %max3A_19 = vector.broadcast %max3A : f32 to vector<256x1024xf32>
      %max3A_20 = arith.maximumf %add3A_18, %max3A_19 : vector<256x1024xf32>
      %get3A_21 = arith.constant 0 : index
      %get3A_22 = arith.constant 0 : index
      %get3A_23 = arith.constant 0 : index
      %get3A_24 = vector.load %arg6[%get3A_21, %get3A_22, %get3A_23] : memref<1x1x1024xf32, #tpu.memory_space<vmem>>, vector<1x1x1024xf32>
      %get3A_25 = vector.shape_cast %get3A_24 : vector<1x1x1024xf32> to vector<1x1024xf32>
      %mul3A = vector.broadcast %get3A_25 : vector<1x1024xf32> to vector<256x1024xf32>
      %mul3A_26 = arith.mulf %max3A_20, %mul3A : vector<256x1024xf32>
      %reduce_sum3A = arith.constant dense<0.000000e+00> : vector<256xf32>
      %reduce_sum3A_27 = vector.multi_reduction <add>, %mul3A_26, %reduce_sum3A [1] : vector<256x1024xf32> to vector<256xf32>
      %broadcast_in_dim3A = vector.shape_cast %reduce_sum3A_27 : vector<256xf32> to vector<256x1xf32>
      %get3A_28 = arith.constant 0 : index
      %get3A_29 = arith.constant 0 : index
      %get3A_30 = arith.constant 0 : index
      %get3A_31 = vector.load %arg7[%get3A_28, %get3A_29, %get3A_30] : memref<1x1x1xf32, #tpu.memory_space<vmem>>, vector<1x1x1xf32>
      %get3A_32 = vector.extract %get3A_31[0, 0, 0] : f32 from vector<1x1x1xf32>
      %add3A_33 = vector.broadcast %get3A_32 : f32 to vector<256x1xf32>
      %add3A_34 = arith.addf %broadcast_in_dim3A, %add3A_33 : vector<256x1xf32>
      %swap3A = arith.constant 0 : index
      %swap3A_35 = arith.constant 0 : index
      %swap3A_36 = vector.load %arg8[%swap3A, %swap3A_35] : memref<256x1xf32, #tpu.memory_space<vmem>>, vector<256x1xf32>
      tpu.vector_store %arg8[%swap3A, %swap3A_35], %add3A_34 {strides = array<i32>} : memref<256x1xf32, #tpu.memory_space<vmem>>, vector<256x1xf32>,
    } else {
    }
    return
  }
  func.func @transform_0(%arg0: i32, %arg1: memref<48xi32, #tpu.memory_space<smem>>, %arg2: memref<48xi32, #tpu.memory_space<smem>>) -> (i32, i32) {
    %get3A = arith.index_cast %arg0 : i32 to index
    %get3A_0 = memref.load %arg2[%get3A] : memref<48xi32, #tpu.memory_space<smem>>
    %c0_i32 = arith.constant 0 : i32
    %c0_i32_1 = arith.constant 0 : i32
    return %get3A_0, %c0_i32 : i32, i32
  }
  func.func @transform_1(%arg0: i32, %arg1: memref<48xi32, #tpu.memory_space<smem>>, %arg2: memref<48xi32, #tpu.memory_space<smem>>) -> (i32, i32, i32) {
    %get3A = arith.index_cast %arg0 : i32 to index
    %get3A_0 = memref.load %arg1[%get3A] : memref<48xi32, #tpu.memory_space<smem>>
    %c0_i32 = arith.constant 0 : i32
    %c0_i32_1 = arith.constant 0 : i32
    %c0_i32_2 = arith.constant 0 : i32
    return %get3A_0, %c0_i32, %c0_i32_1 : i32, i32, i32
  }
  func.func @transform_2(%arg0: i32, %arg1: memref<48xi32, #tpu.memory_space<smem>>, %arg2: memref<48xi32, #tpu.memory_space<smem>>) -> (i32, i32, i32) {
    %get3A = arith.index_cast %arg0 : i32 to index
    %get3A_0 = memref.load %arg1[%get3A] : memref<48xi32, #tpu.memory_space<smem>>
    %c0_i32 = arith.constant 0 : i32
    %c0_i32_1 = arith.constant 0 : i32
    %c0_i32_2 = arith.constant 0 : i32
    return %get3A_0, %c0_i32, %c0_i32_1 : i32, i32, i32
  }
  func.func @transform_3(%arg0: i32, %arg1: memref<48xi32, #tpu.memory_space<smem>>, %arg2: memref<48xi32, #tpu.memory_space<smem>>) -> (i32, i32, i32) {
    %get3A = arith.index_cast %arg0 : i32 to index
    %get3A_0 = memref.load %arg1[%get3A] : memref<48xi32, #tpu.memory_space<smem>>
    %c0_i32 = arith.constant 0 : i32
    %c0_i32_1 = arith.constant 0 : i32
    %c0_i32_2 = arith.constant 0 : i32
    return %get3A_0, %c0_i32, %c0_i32_1 : i32, i32, i32
  }
  func.func @transform_4(%arg0: i32, %arg1: memref<48xi32, #tpu.memory_space<smem>>, %arg2: memref<48xi32, #tpu.memory_space<smem>>) -> (i32, i32, i32) {
    %get3A = arith.index_cast %arg0 : i32 to index
    %get3A_0 = memref.load %arg1[%get3A] : memref<48xi32, #tpu.memory_space<smem>>
    %c0_i32 = arith.constant 0 : i32
    %c0_i32_1 = arith.constant 0 : i32
    %c0_i32_2 = arith.constant 0 : i32
    return %get3A_0, %c0_i32, %c0_i32_1 : i32, i32, i32
  }
  func.func @transform_5(%arg0: i32, %arg1: memref<48xi32, #tpu.memory_space<smem>>, %arg2: memref<48xi32, #tpu.memory_space<smem>>) -> (i32, i32) {
    %c0_i32 = arith.constant 0 : i32
    %c0_i32_0 = arith.constant 0 : i32
    return %arg0, %c0_i32 : i32, i32
  }
}

</mosaic_0001>

<sc_bundles>
// kernel: kernel.10.cloned.1.call-start
scs
__scs_entry_jumppad:
0x0: {  	(pc) =	sbr.rel $0x88, $3  }
0x1: {  	(tag) =	ssettag $0x0;
	lr =	simm.s32 $0x1  }
0x2: {  	[smem:$0x3F9A] =	sst lr;
	_ =	strace $0xD0000000  }
0x3: {  	_ = 	snop  }
0x4: {  	_ = 	snop  }
0x5: {  	_ = 	snop  }
0x6: {  	_ = 	snop  }
0x7: {  	_ = 	snop  }
__scs_overlays_trampoline_lowered:
0x8: {  	[smem:$0x3FA9] =	sst s0  }
0x9: {  	[smem:$0x3FAA] =	sst s1  }
0xa: {  	[smem:$0x3FAB] =	sst s2  }
0xb: {  	[smem:$0x3FAC] =	sst s3  }
0xc: {  	[smem:$0x3FAD] =	sst s4  }
0xd: {  	[smem:$0x3FAE] =	sst s5  }
0xe: {  	[smem:$0x3FAF] =	sst s6  }
0xf: {  	[smem:$0x3FB0] =	sst s7  }
0x10: {  	[smem:$0x3FB1] =	sst s8  }
0x11: {  	[smem:$0x3FB2] =	sst s9;
	s0 =	simm.s32 @!p0 $0x0  }
0x12: {  	s1 =	sld [smem:$0x3F98];
	s0 =	simm.s32 @p0 $0x1  }
0x13: {  	[smem:$0x3FB3] =	sst s0;
	s0 =	simm.s32 @!p1 $0x0  }
0x14: {  	s2 =	sld [smem:$0x3F97];
	s0 =	simm.s32 @p1 $0x1  }
0x15: {  	[smem:$0x3FB4] =	sst s0;
	s0 =	simm.s32 @!p2 $0x0  }
0x16: {  	s3 =	sld [smem:$0x3FDB];
	s0 =	simm.s32 @p2 $0x1  }
0x17: {  	s4 =	simm.s32 $0x1BF5;
	[smem:$0x3FB6] =	sst s0  }
0x18: {  	s0 =	sld [smem:$0x3F99];
	_ =	swait.ge [sflag:s4], $0x0  }
0x19: {  	s7 =	sld [smem:$0x3F9A]  }
0x1a: {  	s8 =	sadd.s32 $0xFFFFE003, lr  }
0x1b: {  	s9 =	sadd.s32 $0xFFFFFEF7, lr;
	s5 =	simm.s32 $0xFFFFFFFF;
	p2 =	slt.u32 s8, $0xFFFFF086  }
0x1c: {  	p1 =	slt.u32 s9, $0xF7A;
	s5 =	simm.s32 @!p2 $0x0  }
0x1d: {  	s5 =	simm.s32 @p1 $0x1;
	p0 =	seq.s32 s7, s2  }
0x1e: {  	s7 =	smul.u32 @!p0 $0xF7A, s2;
	p2 =	seq.s32 @!p0 s5, $0x0  }
0x1f: {  	s9 =	smul.u32 $0xF7A, s1;
	s8 =	simm.s32 @!p0 $0x1BF5;
	p2 =	por !p2, p0  }
0x20: {  	[sflag:s8] =	ssyncset.s32 @!p0 $0xFFFFF086;
	s6 =	sadd.s32 @!p0 s3, s7;
	s7 =	simm.s32 @!p0 $0x108  }
0x21: {  	s3 =	sadd.s32 s3, s9;
	s6 =	sadd.s32 @!p0 $0x88, s6;
	s7 =	simm.s32 @p2 $0x1082  }
0x22: {  	[simem:s7], [sflag:s8] =	dma.local @!p0 [hbm:s6], $0xF7A  }
0x23: {  	s9 =	sor.u32 $0xD0000000, s2;
	s6 =	simm.s32 $0x108;
	_ =	swait.ge @!p0 [sflag:s8], $0x0  }
0x24: {  	s3 =	sadd.s32 $0x88, s3;
	s6 =	simm.s32 @!p1 $0x1082;
	[sflag:s4] =	ssyncset.s32 $0xFFFFF086  }
0x25: {  	[simem:s6], [sflag:s4] =	dma.local [hbm:s3], $0xF7A  }
0x26: {  	[smem:$0x3F9A] =	sst s1;
	(tag) =	ssettag s2;
	_ =	strace s9  }
0x27: {  	s1 =	sld [smem:$0x3FAA]  }
0x28: {  	s2 =	sld [smem:$0x3FAB]  }
0x29: {  	s4 =	sld [smem:$0x3FAD]  }
0x2a: {  	p0 =	seq.s32 s5, $0x0;
	s5 =	sld [smem:$0x3FAE]  }
0x2b: {  	s6 =	sld [smem:$0x3FAF]  }
0x2c: {  	s7 =	sld [smem:$0x3FB0]  }
0x2d: {  	s3 =	simm.s32 $0x108;
	s8 =	sld [smem:$0x3FB1]  }
0x2e: {  	s3 =	simm.s32 @!p0 $0x1082;
	s9 =	sld [smem:$0x3FB2]  }
0x2f: {  	lr =	sadd.s32 s0, s3;
	s0 =	sld [smem:$0x3FA9]  }
0x30: {  	s3 =	sld [smem:$0x3FAC]  }
0x31: {  	[smem:$0x3FB5] =	sst s10  }
0x32: {  	s10 =	sld [smem:$0x3FB3];
	_ =	sdelay $0x3  }
0x33: {  	p0 =	seq.s32 s10, $0x1;
	s10 =	sld [smem:$0x3FB5];
	_ =	sdelay $0x3  }
0x34: {  	[smem:$0x3FB5] =	sst s10  }
0x35: {  	s10 =	sld [smem:$0x3FB4];
	_ =	sdelay $0x3  }
0x36: {  	p1 =	seq.s32 s10, $0x1;
	s10 =	sld [smem:$0x3FB5];
	_ =	sdelay $0x3  }
0x37: {  	[smem:$0x3FB5] =	sst s10  }
0x38: {  	s10 =	sld [smem:$0x3FB6]  }
0x39: {  	_ = 	snop;
	(pc) =	sbr.ind lr, $3  }
0x3a: {  	_ = 	snop  }
0x3b: {  	_ = 	snop  }
0x3c: {  	p2 =	seq.s32 s10, $0x1;
	s10 =	sld [smem:$0x3FB5]  }
0x3d: {  	_ =	shalt  }
0x3e: {  	_ =	shalt  }
0x3f: {  	_ =	shalt  }
0x40: {  	_ =	shalt  }
0x41: {  	_ =	shalt  }
0x42: {  	_ =	shalt  }
0x43: {  	_ =	shalt  }
0x44: {  	_ =	shalt  }
0x45: {  	_ =	shalt  }
0x46: {  	_ =	shalt  }
0x47: {  	_ =	shalt  }
0x48: {  	_ =	shalt  }
0x49: {  	_ =	shalt  }
0x4a: {  	_ =	shalt  }
0x4b: {  	_ =	shalt  }
0x4c: {  	_ =	shalt  }
0x4d: {  	_ =	shalt  }
0x4e: {  	_ =	shalt  }
0x4f: {  	_ =	shalt  }
0x50: {  	_ =	shalt  }
0x51: {  	_ =	shalt  }
0x52: {  	_ =	shalt  }
0x53: {  	_ =	shalt  }
0x54: {  	_ =	shalt  }
0x55: {  	_ =	shalt  }
0x56: {  	_ =	shalt  }
0x57: {  	_ =	shalt  }
0x58: {  	_ =	shalt  }
0x59: {  	_ =	shalt  }
0x5a: {  	_ =	shalt  }
0x5b: {  	_ =	shalt  }
0x5c: {  	_ =	shalt  }
0x5d: {  	_ =	shalt  }
0x5e: {  	_ =	shalt  }
0x5f: {  	_ =	shalt  }
0x60: {  	_ =	shalt  }
0x61: {  	_ =	shalt  }
0x62: {  	_ =	shalt  }
0x63: {  	_ =	shalt  }
0x64: {  	_ =	shalt  }
0x65: {  	_ =	shalt  }
0x66: {  	_ =	shalt  }
0x67: {  	_ =	shalt  }
0x68: {  	_ =	shalt  }
0x69: {  	_ =	shalt  }
0x6a: {  	_ =	shalt  }
0x6b: {  	_ =	shalt  }
0x6c: {  	_ =	shalt  }
0x6d: {  	_ =	shalt  }
0x6e: {  	_ =	shalt  }
0x6f: {  	_ =	shalt  }
0x70: {  	_ =	shalt  }
0x71: {  	_ =	shalt  }
0x72: {  	_ =	shalt  }
0x73: {  	_ =	shalt  }
0x74: {  	_ =	shalt  }
0x75: {  	_ =	shalt  }
0x76: {  	_ =	shalt  }
0x77: {  	_ =	shalt  }
0x78: {  	_ =	shalt  }
0x79: {  	_ =	shalt  }
0x7a: {  	_ =	shalt  }
0x7b: {  	_ =	shalt  }
0x7c: {  	_ =	shalt  }
0x7d: {  	_ =	shalt  }
0x7e: {  	_ =	shalt  }
0x7f: {  	_ =	shalt  }
0x80: {  	_ =	shalt  }
0x81: {  	_ =	shalt  }
0x82: {  	_ =	shalt  }
0x83: {  	_ =	shalt  }
0x84: {  	_ =	shalt  }
0x85: {  	_ =	shalt  }
0x86: {  	_ =	shalt  }
0x87: {  	_ =	shalt  }
.Lfunc_end0:
.L_simem_size_0:
called_computation.1_lowered:
.L_overlay_start_0:
0x88: {  	s2 =	sld [smem:$0x3FD9]  }
0x89: {  	s3 =	sld [smem:$0x3FFE];
	_ =	sdelay $0x1  }
0x8a: {  	s1 =	srdreg.scid  }
0x8b: {  	s0 =	sand.u32 $0x1, s1  }
0x8c: {  	s17 =	sshll.u32 s0, $0xA;
	s2 =	sadd.s32 s3, s2  }
0x8d: {  	s2 =	sadd.s32 s2, s17  }
0x8e: {  	[smem:$0x3FC1] =	sst s2  }
0x8f: {  	_ = 	snop  }
0x90: {  	s2 =	sld [smem:$0x3FC9];
	(tm) =	ssettm $0x1  }
0x91: {  	s18 =	sld [smem:$0x3FFB];
	_ =	sdelay $0x3  }
0x92: {  	_ =	strace s18  }
0x93: {  	s3 =	sld [smem:$0x3FFC];
	_ =	sdelay $0x3  }
0x94: {  	_ =	strace s3  }
0x95: {  	s3 =	sld [smem:$0x3FFD];
	_ =	sdelay $0x3  }
0x96: {  	_ =	strace s3  }
0x97: {  	_ =	strace $0x8FFFFFFF  }
0x98: {  	s19 =	sld [smem:$0x3FDB];
	_ =	sdelay $0x1  }
0x99: {  	s4 =	simm.s32 $_scs_section_size  }
0x9a: {  	s5 =	simm.s32 $_size__tile_overlayer_lowered;
	s6 =	simm.s32 $_tile_overlayer_lowered  }
0x9b: {  	s22 =	simm.s32 $0x1BFF;
	s21 =	sshll.u32 s6, $0x1;
	s3 =	sadd.s32 s4, s19  }
0x9c: {  	s7 =	simm.s32 $0x0;
	s20 =	sshll.u32 s5, $0x1;
	s5 =	sadd.s32 s21, s3  }
0x9d: {  	[timem:s7], [sflag:s22] =	dma.local [hbm:s5], s20  }
0x9e: {  	_ =	swait.ge [sflag:s22], s20  }
0x9f: {  	s4 =	ssub.s32 $0x0, s20;
	[sflag:s22] =	ssyncset.done $0x0  }
0xa0: {  	[sflag:s22] =	ssyncadd.s32 s4;
	_ =	sdelay $0x1  }
0xa1: {  	s23 =	simm.s32 $0x1B8B  }
0xa2: {  	_ =	swait.ge [sflag:s23], $0x1  }
0xa3: {  	[sflag:s23] =	ssyncset.done $0x0  }
0xa4: {  	s25 =	simm.s32 $0x1B8E;
	s24 =	sld [smem:$0x3FFE];
	[sflag:s23] =	ssyncadd.s32 $0xFFFFFFFF  }
0xa5: {  	s26 =	simm.s32 $execute0_lowered;
	[smem:$0x3FD2] =	sst s25  }
0xa6: {  	s5 =	sshll.u32 s26, $0x1;
	_ =	strace $0x80000049;
	[dreg:$0x1] =	wrdreg $0xFFFFFFFF  }
0xa7: {  	s28 =	simm.s32 $_size_execute0_lowered;
	s3 =	sadd.s32 s3, s5;
	[dreg:$0x0] =	wrdreg $0x0  }
0xa8: {  	s5 =	sshll.u32 s28, $0x1;
	[dreg:$0x2] =	wrdreg s3  }
0xa9: {  	[dreg:$0x3] =	wrdreg s5  }
0xaa: {  	[dreg:$0x4] =	wrdreg $0xC0  }
0xab: {  	_ =	task [dreg:s7], $0x5FFFF  }
0xac: {  	[dreg:$0x1] =	wrdreg $0xFFFFFFFF  }
0xad: {  	[dreg:$0x0] =	wrdreg $0x60  }
0xae: {  	[dreg:$0x2] =	wrdreg s24  }
0xaf: {  	[dreg:$0x3] =	wrdreg s2  }
0xb0: {  	[dreg:$0x4] =	wrdreg $0x9  }
0xb1: {  	_ =	task.clear_ibuf [dreg:s7], $0x5FFFF;
	_ =	strace $0x90000049  }
0xb2: {  	s29 =	simm.s32 $0x9;
	_ =	strace $0x8000004B  }
0xb3: {  	_ =	swait.ge [sflag:s29], $0x1  }
0xb4: {  	[sflag:s29] =	ssyncadd.s32 $0xFFFFFFFF  }
0xb5: {  	_ =	strace $0x9000004B  }
0xb6: {  	_ =	sfence  }
0xb7: {  	s30 =	sld [smem:$0x0];
	_ =	sdelay $0x2  }
0xb8: {  	s31 =	sshll.u32 s1, $0xD;
	s1 =	sshrl.u32 s1, $0x2  }
0xb9: {  	s3 =	sand.u32 $0x4000, s31;
	s1 =	sadd.s32 s1, s30  }
0xba: {  	s0 =	sor.u32 s3, s0;
	s1 =	sshll.u32 s1, $0x11  }
0xbb: {  	s0 =	sor.u32 s1, s0  }
0xbc: {  	s0 =	sadd.s32 $0x8F2B, s0  }
0xbd: {  	[sflag:s0] =	ssyncadd.remote.s32 $0x1  }
0xbe: {  	_ =	sfence.sel $0xFFFF  }
0xbf: {  	[dreg:$0x0] =	wrdreg $0xFFFFFFFF;
	(pc) =	sbr.abs _section_cstart, $3  }
0xc0: {  	[dreg:$0x1] =	wrdreg $0xFFFFFFFF  }
0xc1: {  	_ =	task.clear_ibuf [dreg:s7], $0x2FFFF;
	_ =	strace $0x9FFFFFFF  }
0xc2: {  	(tm) =	ssettm $0x7FFFFFFF  }
0xc3: {  	_ =	shalt  }
tec
execute0_lowered:
.L_overlay_start_1:
0x0: {  	(tag) =	ssettag $0x1  }
0x1: {  	s0 =	rddreg [dreg:$0x0]  }
0x2: {  	s2 =	rddreg [dreg:$0x1]  }
0x3: {  	s1 =	srdreg.scid;
	s4 =	stileid.u32  }
0x4: {  	s3 =	simm.s32 $0x0;
	s31 =	simm.s32 $0x400;
	s25 =	simm.s32 $0x1  }
0x5: {  	s26 =	simm.s32 $0x4;
	s1 =	sand.u32 $0x1, s1;
	s4 =	sshll.u32 s4, $0x8  }
0x6: {  	[smem:$0x7FF] =	sst s3;
	s8 =	sadd.s32 $0x4500, s0;
	s9 =	sadd.s32 $0x4600, s0  }
0x7: {  	s10 =	sadd.s32 $0x4700, s0;
	s5 =	sshll.u32 s1, $0x7;
	_ =	strace $0x8000004A  }
0x8: {  	s1 =	ssub.s32 $0x2, s1;
	[dreg:$0x5] =	wrdreg s31;
	s4 =	sor.u32 s5, s4  }
0x9: {  	s7 =	sshrl.u32 s1, $0x1;
	s5 =	sadd.s32 s4, s0;
	s4 =	sadd.s32 $0x4400, s0  }
0xa: {  	v2 =	vlaneseq.u32;
	s1 =	ssub.s32 s1, s7;
	s7 =	sadd.s32 $0x300, s2;
	s6 =	sadd.s32 $0x2400, s5  }
0xb: {  	vm0 =	vmmov $0xffff;
	v1 =	vshrl.u32 v2, $0x3;
	s5 =	sadd.s32 $0x3400, s5;
	s11 =	smax.u32 s1, $0x1;
	[dreg:$0x3] =	wrdreg s6  }
0xc: {  	v0 =	vand.u32 $0x7, v2;
	v2 =	vor.u32 $0x8, v2;
	v1 =	vmul.u32 $0x8, v1;
	[dreg:$0x4] =	wrdreg s5;
	s5 =	sadd.s32 $0x100, s2;
	s6 =	sadd.s32 $0x200, s2  }
.LBB2_1:
0xd: {  	[dreg:$0x6] =	wrdreg s11  }
0xe: {  	s31 =	rddreg [dreg:$0x3];
	s1 =	simm.s32 $0x7  }
0xf: {  	[tilespmem:s3], [sflag:$0x7] =	stream.linear.gather [hbm4b:s31+s3], $0x400, $0x38;
	[tilespmem:$0x18800] =	vst v63  }
0x10: {  	_ =	swait.ge [sflag:s1], $0x400  }
0x11: {  	s22 =	rddreg [dreg:$0x4];
	[sflag:s1] =	ssyncset.done $0x0  }
0x12: {  	s0 =	rddreg [dreg:$0x5];
	[sflag:s1] =	ssyncadd.s32 $0xFFFFFC00  }
0x13: {  	[tilespmem:s0], [sflag:$0x7] =	stream.linear.gather [hbm4b:s22+s3], $0x400, $0x38;
	[tilespmem:$0x18800] =	vst v63  }
0x14: {  	_ =	swait.ge [sflag:s1], $0x400  }
0x15: {  	[sflag:s1] =	ssyncset.done $0x0  }
0x16: {  	[sflag:s1] =	ssyncadd.s32 $0xFFFFFC00  }
0x17: {  	v3 =	vld [tilespmem:$0x0];
	_ =	sdelay $0x4  }
0x18: {  	v4 =	vshll.u32 v3, $0x3  }
0x19: {  	v3 =	vand.u32 $0x7, v3;
	v4 =	vand.u32 $0xFFFFFFC0, v4  }
0x1a: {  	v3 =	vor.u32 v3, v4  }
0x1b: {  	v4 =	vperm.xlane v3, v0;
	_ =	sdelay $0x1  }
0x1c: {  	v4 =	vadd.s32 v1, v4;
	_ =	sdelay $0x3  }
0x1d: {  	s23 =	simm.s32 $0x800  }
0x1e: {  	[tilespmem:s23], [sflag:$0x1] =	stream.indirect_vreg.gather [hbm4b:s2+s3], $0x80, v4, vm0, $0xb8;
	[tilespmem:$0x18800] =	vst v63  }
0x1f: {  	s24 =	simm.s32 $0x1000;
	v3 =	vperm.xlane v3, v2  }
0x20: {  	[tilespmem:s24], [sflag:$0x1] =	stream.indirect_vreg.gather [hbm4b:s5+s3], $0x80, v4, vm0, $0xb8;
	[tilespmem:$0x18800] =	vst v63  }
0x21: {  	s28 =	simm.s32 $0x1800;
	v3 =	vadd.s32 v1, v3  }
0x22: {  	[tilespmem:s28], [sflag:$0x1] =	stream.indirect_vreg.gather [hbm4b:s6+s3], $0x80, v4, vm0, $0xb8;
	[tilespmem:$0x18800] =	vst v63  }
0x23: {  	s29 =	simm.s32 $0x2000  }
0x24: {  	[tilespmem:s29], [sflag:$0x1] =	stream.indirect_vreg.gather [hbm4b:s7+s3], $0x80, v4, vm0, $0xb8;
	[tilespmem:$0x18800] =	vst v63  }
0x25: {  	s30 =	simm.s32 $0x2800  }
0x26: {  	[tilespmem:s30], [sflag:$0x1] =	stream.indirect_vreg.gather [hbm4b:s2+s3], $0x80, v3, vm0, $0xb8;
	[tilespmem:$0x18800] =	vst v63  }
0x27: {  	s31 =	simm.s32 $0x3000  }
0x28: {  	[tilespmem:s31], [sflag:$0x1] =	stream.indirect_vreg.gather [hbm4b:s5+s3], $0x80, v3, vm0, $0xb8;
	[tilespmem:$0x18800] =	vst v63  }
0x29: {  	s12 =	simm.s32 $0x3800  }
0x2a: {  	[tilespmem:s12], [sflag:$0x1] =	stream.indirect_vreg.gather [hbm4b:s6+s3], $0x80, v3, vm0, $0xb8;
	[tilespmem:$0x18800] =	vst v63  }
0x2b: {  	s13 =	simm.s32 $0x4000  }
0x2c: {  	[tilespmem:s13], [sflag:$0x1] =	stream.indirect_vreg.gather [hbm4b:s7+s3], $0x80, v3, vm0, $0xb8;
	[tilespmem:$0x18800] =	vst v63  }
0x2d: {  	v3 =	vld [tilespmem:$0x10];
	_ =	sdelay $0x4  }
0x2e: {  	v33 =	vshll.u32 v3, $0x3  }
0x2f: {  	v3 =	vand.u32 $0x7, v3;
	v4 =	vand.u32 $0xFFFFFFC0, v33  }
0x30: {  	v3 =	vor.u32 v3, v4  }
0x31: {  	v4 =	vperm.xlane v3, v0;
	_ =	sdelay $0x1  }
0x32: {  	v4 =	vadd.s32 v1, v4;
	_ =	sdelay $0x3  }
0x33: {  	s14 =	simm.s32 $0x4800  }
0x34: {  	[tilespmem:s14], [sflag:$0x1] =	stream.indirect_vreg.gather [hbm4b:s2+s3], $0x80, v4, vm0, $0xb8;
	[tilespmem:$0x18800] =	vst v63  }
0x35: {  	s15 =	simm.s32 $0x5000;
	v3 =	vperm.xlane v3, v2  }
0x36: {  	[tilespmem:s15], [sflag:$0x1] =	stream.indirect_vreg.gather [hbm4b:s5+s3], $0x80, v4, vm0, $0xb8;
	[tilespmem:$0x18800] =	vst v63  }
0x37: {  	s17 =	simm.s32 $0x5800;
	v3 =	vadd.s32 v1, v3  }
0x38: {  	[tilespmem:s17], [sflag:$0x1] =	stream.indirect_vreg.gather [hbm4b:s6+s3], $0x80, v4, vm0, $0xb8;
	[tilespmem:$0x18800] =	vst v63  }
0x39: {  	s19 =	simm.s32 $0x6000  }
0x3a: {  	[tilespmem:s19], [sflag:$0x1] =	stream.indirect_vreg.gather [hbm4b:s7+s3], $0x80, v4, vm0, $0xb8;
	[tilespmem:$0x18800] =	vst v63  }
0x3b: {  	s20 =	simm.s32 $0x6800  }
0x3c: {  	[tilespmem:s20], [sflag:$0x1] =	stream.indirect_vreg.gather [hbm4b:s2+s3], $0x80, v3, vm0, $0xb8;
	[tilespmem:$0x18800] =	vst v63  }
0x3d: {  	s21 =	simm.s32 $0x7000  }
0x3e: {  	[tilespmem:s21], [sflag:$0x1] =	stream.indirect_vreg.gather [hbm4b:s5+s3], $0x80, v3, vm0, $0xb8;
	[tilespmem:$0x18800] =	vst v63  }
0x3f: {  	s22 =	simm.s32 $0x7800  }
0x40: {  	[tilespmem:s22], [sflag:$0x1] =	stream.indirect_vreg.gather [hbm4b:s6+s3], $0x80, v3, vm0, $0xb8;
	[tilespmem:$0x18800] =	vst v63  }
0x41: {  	s23 =	simm.s32 $0x8000  }
0x42: {  	[tilespmem:s23], [sflag:$0x1] =	stream.indirect_vreg.gather [hbm4b:s7+s3], $0x80, v3, vm0, $0xb8;
	[tilespmem:$0x18800] =	vst v63  }
0x43: {  	v3 =	vld [tilespmem:$0x80];
	_ =	sdelay $0x4  }
0x44: {  	v34 =	vshll.u32 v3, $0x3  }
0x45: {  	v3 =	vand.u32 $0x7, v3;
	v4 =	vand.u32 $0xFFFFFFC0, v34  }
0x46: {  	v3 =	vor.u32 v3, v4  }
0x47: {  	v4 =	vperm.xlane v3, v0;
	_ =	sdelay $0x1  }
0x48: {  	v4 =	vadd.s32 v1, v4;
	_ =	sdelay $0x3  }
0x49: {  	s24 =	simm.s32 $0x8800  }
0x4a: {  	[tilespmem:s24], [sflag:$0x2] =	stream.indirect_vreg.gather [hbm4b:s2+s3], $0x80, v4, vm0, $0xb8;
	[tilespmem:$0x18800] =	vst v63  }
0x4b: {  	s29 =	simm.s32 $0x9000;
	v3 =	vperm.xlane v3, v2  }
0x4c: {  	[tilespmem:s29], [sflag:$0x2] =	stream.indirect_vreg.gather [hbm4b:s5+s3], $0x80, v4, vm0, $0xb8;
	[tilespmem:$0x18800] =	vst v63  }
0x4d: {  	s23 =	simm.s32 $0x9800;
	v3 =	vadd.s32 v1, v3  }
0x4e: {  	[tilespmem:s23], [sflag:$0x2] =	stream.indirect_vreg.gather [hbm4b:s6+s3], $0x80, v4, vm0, $0xb8;
	[tilespmem:$0x18800] =	vst v63  }
0x4f: {  	s24 =	simm.s32 $0xA000  }
0x50: {  	[tilespmem:s24], [sflag:$0x2] =	stream.indirect_vreg.gather [hbm4b:s7+s3], $0x80, v4, vm0, $0xb8;
	[tilespmem:$0x18800] =	vst v63  }
0x51: {  	s29 =	simm.s32 $0xA800  }
0x52: {  	[tilespmem:s29], [sflag:$0x2] =	stream.indirect_vreg.gather [hbm4b:s2+s3], $0x80, v3, vm0, $0xb8;
	[tilespmem:$0x18800] =	vst v63  }
0x53: {  	s23 =	simm.s32 $0xB000  }
0x54: {  	[tilespmem:s23], [sflag:$0x2] =	stream.indirect_vreg.gather [hbm4b:s5+s3], $0x80, v3, vm0, $0xb8;
	[tilespmem:$0x18800] =	vst v63  }
0x55: {  	s24 =	simm.s32 $0xB800  }
0x56: {  	[tilespmem:s24], [sflag:$0x2] =	stream.indirect_vreg.gather [hbm4b:s6+s3], $0x80, v3, vm0, $0xb8;
	[tilespmem:$0x18800] =	vst v63  }
0x57: {  	s29 =	simm.s32 $0xC000  }
0x58: {  	[tilespmem:s29], [sflag:$0x2] =	stream.indirect_vreg.gather [hbm4b:s7+s3], $0x80, v3, vm0, $0xb8;
	[tilespmem:$0x18800] =	vst v63  }
0x59: {  	v3 =	vld [tilespmem:$0x90];
	_ =	sdelay $0x4  }
0x5a: {  	v35 =	vshll.u32 v3, $0x3  }
0x5b: {  	v3 =	vand.u32 $0x7, v3;
	v4 =	vand.u32 $0xFFFFFFC0, v35  }
0x5c: {  	v3 =	vor.u32 v3, v4  }
0x5d: {  	v4 =	vperm.xlane v3, v0;
	_ =	sdelay $0x1  }
0x5e: {  	v4 =	vadd.s32 v1, v4;
	_ =	sdelay $0x3  }
0x5f: {  	s23 =	simm.s32 $0xC800  }
0x60: {  	[tilespmem:s23], [sflag:$0x2] =	stream.indirect_vreg.gather [hbm4b:s2+s3], $0x80, v4, vm0, $0xb8;
	[tilespmem:$0x18800] =	vst v63  }
0x61: {  	s24 =	simm.s32 $0xD000;
	v3 =	vperm.xlane v3, v2  }
0x62: {  	[tilespmem:s24], [sflag:$0x2] =	stream.indirect_vreg.gather [hbm4b:s5+s3], $0x80, v4, vm0, $0xb8;
	[tilespmem:$0x18800] =	vst v63  }
0x63: {  	s29 =	simm.s32 $0xD800;
	v3 =	vadd.s32 v1, v3  }
0x64: {  	[tilespmem:s29], [sflag:$0x2] =	stream.indirect_vreg.gather [hbm4b:s6+s3], $0x80, v4, vm0, $0xb8;
	[tilespmem:$0x18800] =	vst v63  }
0x65: {  	s29 =	simm.s32 $0xE000  }
0x66: {  	[tilespmem:s29], [sflag:$0x2] =	stream.indirect_vreg.gather [hbm4b:s7+s3], $0x80, v4, vm0, $0xb8;
	[tilespmem:$0x18800] =	vst v63  }
0x67: {  	s29 =	simm.s32 $0xE800  }
0x68: {  	[tilespmem:s29], [sflag:$0x2] =	stream.indirect_vreg.gather [hbm4b:s2+s3], $0x80, v3, vm0, $0xb8;
	[tilespmem:$0x18800] =	vst v63  }
0x69: {  	s29 =	simm.s32 $0xF000  }
0x6a: {  	[tilespmem:s29], [sflag:$0x2] =	stream.indirect_vreg.gather [hbm4b:s5+s3], $0x80, v3, vm0, $0xb8;
	[tilespmem:$0x18800] =	vst v63  }
0x6b: {  	s29 =	simm.s32 $0xF800  }
0x6c: {  	[tilespmem:s29], [sflag:$0x2] =	stream.indirect_vreg.gather [hbm4b:s6+s3], $0x80, v3, vm0, $0xb8;
	[tilespmem:$0x18800] =	vst v63  }
0x6d: {  	s29 =	simm.s32 $0x10000  }
0x6e: {  	[tilespmem:s29], [sflag:$0x2] =	stream.indirect_vreg.gather [hbm4b:s7+s3], $0x80, v3, vm0, $0xb8;
	[tilespmem:$0x18800] =	vst v63  }
0x6f: {  	v3 =	vld [tilespmem:$0x100];
	_ =	sdelay $0x4  }
0x70: {  	v36 =	vshll.u32 v3, $0x3  }
0x71: {  	v3 =	vand.u32 $0x7, v3;
	v4 =	vand.u32 $0xFFFFFFC0, v36  }
0x72: {  	v3 =	vor.u32 v3, v4  }
0x73: {  	v4 =	vperm.xlane v3, v0;
	_ =	sdelay $0x1  }
0x74: {  	v4 =	vadd.s32 v1, v4;
	_ =	sdelay $0x3  }
0x75: {  	s0 =	simm.s32 $0x10800  }
0x76: {  	[tilespmem:s0], [sflag:$0x3] =	stream.indirect_vreg.gather [hbm4b:s2+s3], $0x80, v4, vm0, $0xb8;
	[tilespmem:$0x18800] =	vst v63  }
0x77: {  	v3 =	vperm.xlane v3, v2;
	s0 =	simm.s32 $0x11000  }
0x78: {  	[tilespmem:s0], [sflag:$0x3] =	stream.indirect_vreg.gather [hbm4b:s5+s3], $0x80, v4, vm0, $0xb8;
	[tilespmem:$0x18800] =	vst v63  }
0x79: {  	v3 =	vadd.s32 v1, v3;
	s0 =	simm.s32 $0x11800  }
0x7a: {  	[tilespmem:s0], [sflag:$0x3] =	stream.indirect_vreg.gather [hbm4b:s6+s3], $0x80, v4, vm0, $0xb8;
	[tilespmem:$0x18800] =	vst v63  }
0x7b: {  	s0 =	simm.s32 $0x12000  }
0x7c: {  	[tilespmem:s0], [sflag:$0x3] =	stream.indirect_vreg.gather [hbm4b:s7+s3], $0x80, v4, vm0, $0xb8;
	[tilespmem:$0x18800] =	vst v63  }
0x7d: {  	s0 =	simm.s32 $0x12800  }
0x7e: {  	[tilespmem:s0], [sflag:$0x3] =	stream.indirect_vreg.gather [hbm4b:s2+s3], $0x80, v3, vm0, $0xb8;
	[tilespmem:$0x18800] =	vst v63  }
0x7f: {  	s0 =	simm.s32 $0x13000  }
0x80: {  	[tilespmem:s0], [sflag:$0x3] =	stream.indirect_vreg.gather [hbm4b:s5+s3], $0x80, v3, vm0, $0xb8;
	[tilespmem:$0x18800] =	vst v63  }
0x81: {  	s0 =	simm.s32 $0x13800  }
0x82: {  	[tilespmem:s0], [sflag:$0x3] =	stream.indirect_vreg.gather [hbm4b:s6+s3], $0x80, v3, vm0, $0xb8;
	[tilespmem:$0x18800] =	vst v63  }
0x83: {  	s0 =	simm.s32 $0x14000  }
0x84: {  	[tilespmem:s0], [sflag:$0x3] =	stream.indirect_vreg.gather [hbm4b:s7+s3], $0x80, v3, vm0, $0xb8;
	[tilespmem:$0x18800] =	vst v63  }
0x85: {  	v3 =	vld [tilespmem:$0x110];
	_ =	sdelay $0x4  }
0x86: {  	v37 =	vshll.u32 v3, $0x3  }
0x87: {  	v3 =	vand.u32 $0x7, v3;
	v4 =	vand.u32 $0xFFFFFFC0, v37  }
0x88: {  	v3 =	vor.u32 v3, v4  }
0x89: {  	v4 =	vperm.xlane v3, v0;
	_ =	sdelay $0x1  }
0x8a: {  	v4 =	vadd.s32 v1, v4;
	_ =	sdelay $0x3  }
0x8b: {  	s0 =	simm.s32 $0x14800  }
0x8c: {  	[tilespmem:s0], [sflag:$0x3] =	stream.indirect_vreg.gather [hbm4b:s2+s3], $0x80, v4, vm0, $0xb8;
	[tilespmem:$0x18800] =	vst v63  }
0x8d: {  	v3 =	vperm.xlane v3, v2;
	s0 =	simm.s32 $0x15000  }
0x8e: {  	[tilespmem:s0], [sflag:$0x3] =	stream.indirect_vreg.gather [hbm4b:s5+s3], $0x80, v4, vm0, $0xb8;
	[tilespmem:$0x18800] =	vst v63  }
0x8f: {  	v3 =	vadd.s32 v1, v3;
	s0 =	simm.s32 $0x15800  }
0x90: {  	[tilespmem:s0], [sflag:$0x3] =	stream.indirect_vreg.gather [hbm4b:s6+s3], $0x80, v4, vm0, $0xb8;
	[tilespmem:$0x18800] =	vst v63  }
0x91: {  	s0 =	simm.s32 $0x16000  }
0x92: {  	[tilespmem:s0], [sflag:$0x3] =	stream.indirect_vreg.gather [hbm4b:s7+s3], $0x80, v4, vm0, $0xb8;
	[tilespmem:$0x18800] =	vst v63  }
0x93: {  	s0 =	simm.s32 $0x16800  }
0x94: {  	[tilespmem:s0], [sflag:$0x3] =	stream.indirect_vreg.gather [hbm4b:s2+s3], $0x80, v3, vm0, $0xb8;
	[tilespmem:$0x18800] =	vst v63  }
0x95: {  	s0 =	simm.s32 $0x17000  }
0x96: {  	[tilespmem:s0], [sflag:$0x3] =	stream.indirect_vreg.gather [hbm4b:s5+s3], $0x80, v3, vm0, $0xb8;
	[tilespmem:$0x18800] =	vst v63  }
0x97: {  	s0 =	simm.s32 $0x17800  }
0x98: {  	[tilespmem:s0], [sflag:$0x3] =	stream.indirect_vreg.gather [hbm4b:s6+s3], $0x80, v3, vm0, $0xb8;
	[tilespmem:$0x18800] =	vst v63  }
0x99: {  	s0 =	simm.s32 $0x18000  }
0x9a: {  	[tilespmem:s0], [sflag:$0x3] =	stream.indirect_vreg.gather [hbm4b:s7+s3], $0x80, v3, vm0, $0xb8;
	[tilespmem:$0x18800] =	vst v63  }
0x9b: {  	_ =	swait.ge [sflag:s25], $0x8000  }
0x9c: {  	[sflag:s25] =	ssyncset.done $0x0  }
0x9d: {  	[sflag:s25] =	ssyncadd.s32 $0xFFFF8000  }
0x9e: {  	v3 =	vld [tilespmem:$0x400];
	_ =	sdelay $0x4  }
0x9f: {  	v38 =	vshll.u32 v3, $0x3  }
0xa0: {  	v3 =	vand.u32 $0x7, v3;
	v4 =	vand.u32 $0xFFFFFFC0, v38  }
0xa1: {  	v3 =	vor.u32 v3, v4  }
0xa2: {  	v4 =	vperm.xlane v3, v0;
	_ =	sdelay $0x1  }
0xa3: {  	v4 =	vadd.s32 v1, v4;
	_ =	sdelay $0x3  }
0xa4: {  	s1 =	simm.s32 $0x800  }
0xa5: {  	[hbm4b:s4+s3] =	stream.indirect_vreg.scatter [tilespmem:s1], [sflag:$0x4], $0x80, v4, vm0, $0xb8;
	[tilespmem:$0x18800] =	vst v63  }
0xa6: {  	s11 =	simm.s32 $0x1000;
	v3 =	vperm.xlane v3, v2  }
0xa7: {  	[hbm4b:s8+s3] =	stream.indirect_vreg.scatter [tilespmem:s11], [sflag:$0x4], $0x80, v4, vm0, $0xb8;
	[tilespmem:$0x18800] =	vst v63  }
0xa8: {  	s16 =	simm.s32 $0x1800;
	v3 =	vadd.s32 v1, v3  }
0xa9: {  	[hbm4b:s9+s3] =	stream.indirect_vreg.scatter [tilespmem:s16], [sflag:$0x4], $0x80, v4, vm0, $0xb8;
	[tilespmem:$0x18800] =	vst v63  }
0xaa: {  	s0 =	simm.s32 $0x2000  }
0xab: {  	[hbm4b:s10+s3] =	stream.indirect_vreg.scatter [tilespmem:s0], [sflag:$0x4], $0x80, v4, vm0, $0xb8;
	[tilespmem:$0x18800] =	vst v63  }
0xac: {  	s18 =	simm.s32 $0x2800  }
0xad: {  	[hbm4b:s4+s3] =	stream.indirect_vreg.scatter [tilespmem:s18], [sflag:$0x4], $0x80, v3, vm0, $0xb8;
	[tilespmem:$0x18800] =	vst v63  }
0xae: {  	s28 =	simm.s32 $0x3000  }
0xaf: {  	[hbm4b:s8+s3] =	stream.indirect_vreg.scatter [tilespmem:s28], [sflag:$0x4], $0x80, v3, vm0, $0xb8;
	[tilespmem:$0x18800] =	vst v63  }
0xb0: {  	s30 =	simm.s32 $0x3800  }
0xb1: {  	[hbm4b:s9+s3] =	stream.indirect_vreg.scatter [tilespmem:s30], [sflag:$0x4], $0x80, v3, vm0, $0xb8;
	[tilespmem:$0x18800] =	vst v63  }
0xb2: {  	s12 =	simm.s32 $0x4000  }
0xb3: {  	[hbm4b:s10+s3] =	stream.indirect_vreg.scatter [tilespmem:s12], [sflag:$0x4], $0x80, v3, vm0, $0xb8;
	[tilespmem:$0x18800] =	vst v63  }
0xb4: {  	v3 =	vld [tilespmem:$0x410];
	_ =	sdelay $0x4  }
0xb5: {  	v39 =	vshll.u32 v3, $0x3  }
0xb6: {  	v3 =	vand.u32 $0x7, v3;
	v4 =	vand.u32 $0xFFFFFFC0, v39  }
0xb7: {  	v3 =	vor.u32 v3, v4  }
0xb8: {  	v4 =	vperm.xlane v3, v0;
	_ =	sdelay $0x1  }
0xb9: {  	v4 =	vadd.s32 v1, v4;
	_ =	sdelay $0x3  }
0xba: {  	s13 =	simm.s32 $0x4800  }
0xbb: {  	[hbm4b:s4+s3] =	stream.indirect_vreg.scatter [tilespmem:s13], [sflag:$0x4], $0x80, v4, vm0, $0xb8;
	[tilespmem:$0x18800] =	vst v63  }
0xbc: {  	s14 =	simm.s32 $0x5000;
	v3 =	vperm.xlane v3, v2  }
0xbd: {  	[hbm4b:s8+s3] =	stream.indirect_vreg.scatter [tilespmem:s14], [sflag:$0x4], $0x80, v4, vm0, $0xb8;
	[tilespmem:$0x18800] =	vst v63  }
0xbe: {  	s17 =	simm.s32 $0x5800;
	v3 =	vadd.s32 v1, v3  }
0xbf: {  	[hbm4b:s9+s3] =	stream.indirect_vreg.scatter [tilespmem:s17], [sflag:$0x4], $0x80, v4, vm0, $0xb8;
	[tilespmem:$0x18800] =	vst v63  }
0xc0: {  	s19 =	simm.s32 $0x6000  }
0xc1: {  	[hbm4b:s10+s3] =	stream.indirect_vreg.scatter [tilespmem:s19], [sflag:$0x4], $0x80, v4, vm0, $0xb8;
	[tilespmem:$0x18800] =	vst v63  }
0xc2: {  	s20 =	simm.s32 $0x6800  }
0xc3: {  	[hbm4b:s4+s3] =	stream.indirect_vreg.scatter [tilespmem:s20], [sflag:$0x4], $0x80, v3, vm0, $0xb8;
	[tilespmem:$0x18800] =	vst v63  }
0xc4: {  	s21 =	simm.s32 $0x7000  }
0xc5: {  	[hbm4b:s8+s3] =	stream.indirect_vreg.scatter [tilespmem:s21], [sflag:$0x4], $0x80, v3, vm0, $0xb8;
	[tilespmem:$0x18800] =	vst v63  }
0xc6: {  	s22 =	simm.s32 $0x7800  }
0xc7: {  	[hbm4b:s9+s3] =	stream.indirect_vreg.scatter [tilespmem:s22], [sflag:$0x4], $0x80, v3, vm0, $0xb8;
	[tilespmem:$0x18800] =	vst v63  }
0xc8: {  	s15 =	simm.s32 $0x8000  }
0xc9: {  	[hbm4b:s10+s3] =	stream.indirect_vreg.scatter [tilespmem:s15], [sflag:$0x4], $0x80, v3, vm0, $0xb8;
	[tilespmem:$0x18800] =	vst v63  }
0xca: {  	_ =	swait.ge [sflag:s26], $0x8000  }
0xcb: {  	[sflag:s26] =	ssyncset.done $0x0  }
0xcc: {  	[sflag:s26] =	ssyncadd.s32 $0xFFFF8000  }
0xcd: {  	v3 =	vld [tilespmem:$0x180];
	_ =	sdelay $0x4  }
0xce: {  	v40 =	vshll.u32 v3, $0x3  }
0xcf: {  	v3 =	vand.u32 $0x7, v3;
	v4 =	vand.u32 $0xFFFFFFC0, v40  }
0xd0: {  	v3 =	vor.u32 v3, v4  }
0xd1: {  	v4 =	vperm.xlane v3, v0;
	_ =	sdelay $0x1  }
0xd2: {  	v4 =	vadd.s32 v1, v4;
	_ =	sdelay $0x4  }
0xd3: {  	[tilespmem:s1], [sflag:$0x1] =	stream.indirect_vreg.gather [hbm4b:s2+s3], $0x80, v4, vm0, $0xb8;
	[tilespmem:$0x18800] =	vst v63  }
0xd4: {  	v3 =	vperm.xlane v3, v2  }
0xd5: {  	[tilespmem:s11], [sflag:$0x1] =	stream.indirect_vreg.gather [hbm4b:s5+s3], $0x80, v4, vm0, $0xb8;
	[tilespmem:$0x18800] =	vst v63  }
0xd6: {  	v3 =	vadd.s32 v1, v3  }
0xd7: {  	[tilespmem:s16], [sflag:$0x1] =	stream.indirect_vreg.gather [hbm4b:s6+s3], $0x80, v4, vm0, $0xb8;
	[tilespmem:$0x18800] =	vst v63  }
0xd8: {  	_ = 	snop  }
0xd9: {  	[tilespmem:s0], [sflag:$0x1] =	stream.indirect_vreg.gather [hbm4b:s7+s3], $0x80, v4, vm0, $0xb8;
	[tilespmem:$0x18800] =	vst v63  }
0xda: {  	_ = 	snop  }
0xdb: {  	[tilespmem:s18], [sflag:$0x1] =	stream.indirect_vreg.gather [hbm4b:s2+s3], $0x80, v3, vm0, $0xb8;
	[tilespmem:$0x18800] =	vst v63  }
0xdc: {  	_ = 	snop  }
0xdd: {  	[tilespmem:s28], [sflag:$0x1] =	stream.indirect_vreg.gather [hbm4b:s5+s3], $0x80, v3, vm0, $0xb8;
	[tilespmem:$0x18800] =	vst v63  }
0xde: {  	_ = 	snop  }
0xdf: {  	[tilespmem:s30], [sflag:$0x1] =	stream.indirect_vreg.gather [hbm4b:s6+s3], $0x80, v3, vm0, $0xb8;
	[tilespmem:$0x18800] =	vst v63  }
0xe0: {  	_ = 	snop  }
0xe1: {  	[tilespmem:s12], [sflag:$0x1] =	stream.indirect_vreg.gather [hbm4b:s7+s3], $0x80, v3, vm0, $0xb8;
	[tilespmem:$0x18800] =	vst v63  }
0xe2: {  	v3 =	vld [tilespmem:$0x190];
	_ =	sdelay $0x4  }
0xe3: {  	v41 =	vshll.u32 v3, $0x3  }
0xe4: {  	v3 =	vand.u32 $0x7, v3;
	v4 =	vand.u32 $0xFFFFFFC0, v41  }
0xe5: {  	v3 =	vor.u32 v3, v4  }
0xe6: {  	v4 =	vperm.xlane v3, v0;
	_ =	sdelay $0x1  }
0xe7: {  	v4 =	vadd.s32 v1, v4;
	_ =	sdelay $0x4  }
0xe8: {  	[tilespmem:s13], [sflag:$0x1] =	stream.indirect_vreg.gather [hbm4b:s2+s3], $0x80, v4, vm0, $0xb8;
	[tilespmem:$0x18800] =	vst v63  }
0xe9: {  	v3 =	vperm.xlane v3, v2  }
0xea: {  	[tilespmem:s14], [sflag:$0x1] =	stream.indirect_vreg.gather [hbm4b:s5+s3], $0x80, v4, vm0, $0xb8;
	[tilespmem:$0x18800] =	vst v63  }
0xeb: {  	v3 =	vadd.s32 v1, v3  }
0xec: {  	[tilespmem:s17], [sflag:$0x1] =	stream.indirect_vreg.gather [hbm4b:s6+s3], $0x80, v4, vm0, $0xb8;
	[tilespmem:$0x18800] =	vst v63  }
0xed: {  	_ = 	snop  }
0xee: {  	[tilespmem:s19], [sflag:$0x1] =	stream.indirect_vreg.gather [hbm4b:s7+s3], $0x80, v4, vm0, $0xb8;
	[tilespmem:$0x18800] =	vst v63  }
0xef: {  	_ = 	snop  }
0xf0: {  	[tilespmem:s20], [sflag:$0x1] =	stream.indirect_vreg.gather [hbm4b:s2+s3], $0x80, v3, vm0, $0xb8;
	[tilespmem:$0x18800] =	vst v63  }
0xf1: {  	_ = 	snop  }
0xf2: {  	[tilespmem:s21], [sflag:$0x1] =	stream.indirect_vreg.gather [hbm4b:s5+s3], $0x80, v3, vm0, $0xb8;
	[tilespmem:$0x18800] =	vst v63  }
0xf3: {  	_ = 	snop  }
0xf4: {  	[tilespmem:s22], [sflag:$0x1] =	stream.indirect_vreg.gather [hbm4b:s6+s3], $0x80, v3, vm0, $0xb8;
	[tilespmem:$0x18800] =	vst v63  }
0xf5: {  	s28 =	simm.s32 $0x2  }
0xf6: {  	[tilespmem:s15], [sflag:$0x1] =	stream.indirect_vreg.gather [hbm4b:s7+s3], $0x80, v3, vm0, $0xb8;
	[tilespmem:$0x18800] =	vst v63  }
0xf7: {  	_ =	swait.ge [sflag:s28], $0x8000  }
0xf8: {  	[sflag:s28] =	ssyncset.done $0x0  }
0xf9: {  	[sflag:s28] =	ssyncadd.s32 $0xFFFF8000  }
0xfa: {  	v3 =	vld [tilespmem:$0x480];
	_ =	sdelay $0x4  }
0xfb: {  	v42 =	vshll.u32 v3, $0x3  }
0xfc: {  	v3 =	vand.u32 $0x7, v3;
	v4 =	vand.u32 $0xFFFFFFC0, v42  }
0xfd: {  	v3 =	vor.u32 v3, v4  }
0xfe: {  	v4 =	vperm.xlane v3, v0;
	_ =	sdelay $0x1  }
0xff: {  	v4 =	vadd.s32 v1, v4;
	_ =	sdelay $0x3  }
0x100: {  	s31 =	simm.s32 $0x8800  }
0x101: {  	[hbm4b:s4+s3] =	stream.indirect_vreg.scatter [tilespmem:s31], [sflag:$0x5], $0x80, v4, vm0, $0xb8;
	[tilespmem:$0x18800] =	vst v63  }
0x102: {  	s0 =	simm.s32 $0x9000;
	v3 =	vperm.xlane v3, v2  }
0x103: {  	[hbm4b:s8+s3] =	stream.indirect_vreg.scatter [tilespmem:s0], [sflag:$0x5], $0x80, v4, vm0, $0xb8;
	[tilespmem:$0x18800] =	vst v63  }
0x104: {  	s1 =	simm.s32 $0x9800;
	v3 =	vadd.s32 v1, v3  }
0x105: {  	[hbm4b:s9+s3] =	stream.indirect_vreg.scatter [tilespmem:s1], [sflag:$0x5], $0x80, v4, vm0, $0xb8;
	[tilespmem:$0x18800] =	vst v63  }
0x106: {  	s12 =	simm.s32 $0xA000  }
0x107: {  	[hbm4b:s10+s3] =	stream.indirect_vreg.scatter [tilespmem:s12], [sflag:$0x5], $0x80, v4, vm0, $0xb8;
	[tilespmem:$0x18800] =	vst v63  }
0x108: {  	s13 =	simm.s32 $0xA800  }
0x109: {  	[hbm4b:s4+s3] =	stream.indirect_vreg.scatter [tilespmem:s13], [sflag:$0x5], $0x80, v3, vm0, $0xb8;
	[tilespmem:$0x18800] =	vst v63  }
0x10a: {  	s14 =	simm.s32 $0xB000  }
0x10b: {  	[hbm4b:s8+s3] =	stream.indirect_vreg.scatter [tilespmem:s14], [sflag:$0x5], $0x80, v3, vm0, $0xb8;
	[tilespmem:$0x18800] =	vst v63  }
0x10c: {  	s15 =	simm.s32 $0xB800  }
0x10d: {  	[hbm4b:s9+s3] =	stream.indirect_vreg.scatter [tilespmem:s15], [sflag:$0x5], $0x80, v3, vm0, $0xb8;
	[tilespmem:$0x18800] =	vst v63  }
0x10e: {  	s16 =	simm.s32 $0xC000  }
0x10f: {  	[hbm4b:s10+s3] =	stream.indirect_vreg.scatter [tilespmem:s16], [sflag:$0x5], $0x80, v3, vm0, $0xb8;
	[tilespmem:$0x18800] =	vst v63  }
0x110: {  	v3 =	vld [tilespmem:$0x490];
	_ =	sdelay $0x4  }
0x111: {  	v43 =	vshll.u32 v3, $0x3  }
0x112: {  	v3 =	vand.u32 $0x7, v3;
	v4 =	vand.u32 $0xFFFFFFC0, v43  }
0x113: {  	v3 =	vor.u32 v3, v4  }
0x114: {  	v4 =	vperm.xlane v3, v0;
	_ =	sdelay $0x1  }
0x115: {  	v4 =	vadd.s32 v1, v4;
	_ =	sdelay $0x3  }
0x116: {  	s23 =	simm.s32 $0xC800  }
0x117: {  	[hbm4b:s4+s3] =	stream.indirect_vreg.scatter [tilespmem:s23], [sflag:$0x5], $0x80, v4, vm0, $0xb8;
	[tilespmem:$0x18800] =	vst v63  }
0x118: {  	s24 =	simm.s32 $0xD000;
	v3 =	vperm.xlane v3, v2  }
0x119: {  	[hbm4b:s8+s3] =	stream.indirect_vreg.scatter [tilespmem:s24], [sflag:$0x5], $0x80, v4, vm0, $0xb8;
	[tilespmem:$0x18800] =	vst v63  }
0x11a: {  	s17 =	simm.s32 $0xD800;
	v3 =	vadd.s32 v1, v3  }
0x11b: {  	[hbm4b:s9+s3] =	stream.indirect_vreg.scatter [tilespmem:s17], [sflag:$0x5], $0x80, v4, vm0, $0xb8;
	[tilespmem:$0x18800] =	vst v63  }
0x11c: {  	s18 =	simm.s32 $0xE000  }
0x11d: {  	[hbm4b:s10+s3] =	stream.indirect_vreg.scatter [tilespmem:s18], [sflag:$0x5], $0x80, v4, vm0, $0xb8;
	[tilespmem:$0x18800] =	vst v63  }
0x11e: {  	s19 =	simm.s32 $0xE800  }
0x11f: {  	[hbm4b:s4+s3] =	stream.indirect_vreg.scatter [tilespmem:s19], [sflag:$0x5], $0x80, v3, vm0, $0xb8;
	[tilespmem:$0x18800] =	vst v63  }
0x120: {  	s22 =	simm.s32 $0xF000  }
0x121: {  	[hbm4b:s8+s3] =	stream.indirect_vreg.scatter [tilespmem:s22], [sflag:$0x5], $0x80, v3, vm0, $0xb8;
	[tilespmem:$0x18800] =	vst v63  }
0x122: {  	s30 =	simm.s32 $0xF800  }
0x123: {  	[hbm4b:s9+s3] =	stream.indirect_vreg.scatter [tilespmem:s30], [sflag:$0x5], $0x80, v3, vm0, $0xb8;
	[tilespmem:$0x18800] =	vst v63  }
0x124: {  	s29 =	simm.s32 $0x10000;
	s11 =	simm.s32 $0x5  }
0x125: {  	[hbm4b:s10+s3] =	stream.indirect_vreg.scatter [tilespmem:s29], [sflag:$0x5], $0x80, v3, vm0, $0xb8;
	[tilespmem:$0x18800] =	vst v63  }
0x126: {  	_ =	swait.ge [sflag:s11], $0x8000  }
0x127: {  	[sflag:s11] =	ssyncset.done $0x0  }
0x128: {  	[sflag:s11] =	ssyncadd.s32 $0xFFFF8000  }
0x129: {  	v3 =	vld [tilespmem:$0x200];
	_ =	sdelay $0x4  }
0x12a: {  	v44 =	vshll.u32 v3, $0x3  }
0x12b: {  	v3 =	vand.u32 $0x7, v3;
	v4 =	vand.u32 $0xFFFFFFC0, v44  }
0x12c: {  	v3 =	vor.u32 v3, v4  }
0x12d: {  	v4 =	vperm.xlane v3, v0;
	_ =	sdelay $0x1  }
0x12e: {  	v4 =	vadd.s32 v1, v4;
	_ =	sdelay $0x4  }
0x12f: {  	[tilespmem:s31], [sflag:$0x2] =	stream.indirect_vreg.gather [hbm4b:s2+s3], $0x80, v4, vm0, $0xb8;
	[tilespmem:$0x18800] =	vst v63  }
0x130: {  	v3 =	vperm.xlane v3, v2  }
0x131: {  	[tilespmem:s0], [sflag:$0x2] =	stream.indirect_vreg.gather [hbm4b:s5+s3], $0x80, v4, vm0, $0xb8;
	[tilespmem:$0x18800] =	vst v63  }
0x132: {  	v3 =	vadd.s32 v1, v3  }
0x133: {  	[tilespmem:s1], [sflag:$0x2] =	stream.indirect_vreg.gather [hbm4b:s6+s3], $0x80, v4, vm0, $0xb8;
	[tilespmem:$0x18800] =	vst v63  }
0x134: {  	_ = 	snop  }
0x135: {  	[tilespmem:s12], [sflag:$0x2] =	stream.indirect_vreg.gather [hbm4b:s7+s3], $0x80, v4, vm0, $0xb8;
	[tilespmem:$0x18800] =	vst v63  }
0x136: {  	_ = 	snop  }
0x137: {  	[tilespmem:s13], [sflag:$0x2] =	stream.indirect_vreg.gather [hbm4b:s2+s3], $0x80, v3, vm0, $0xb8;
	[tilespmem:$0x18800] =	vst v63  }
0x138: {  	_ = 	snop  }
0x139: {  	[tilespmem:s14], [sflag:$0x2] =	stream.indirect_vreg.gather [hbm4b:s5+s3], $0x80, v3, vm0, $0xb8;
	[tilespmem:$0x18800] =	vst v63  }
0x13a: {  	_ = 	snop  }
0x13b: {  	[tilespmem:s15], [sflag:$0x2] =	stream.indirect_vreg.gather [hbm4b:s6+s3], $0x80, v3, vm0, $0xb8;
	[tilespmem:$0x18800] =	vst v63  }
0x13c: {  	_ = 	snop  }
0x13d: {  	[tilespmem:s16], [sflag:$0x2] =	stream.indirect_vreg.gather [hbm4b:s7+s3], $0x80, v3, vm0, $0xb8;
	[tilespmem:$0x18800] =	vst v63  }
0x13e: {  	v3 =	vld [tilespmem:$0x210];
	_ =	sdelay $0x4  }
0x13f: {  	v45 =	vshll.u32 v3, $0x3  }
0x140: {  	v3 =	vand.u32 $0x7, v3;
	v4 =	vand.u32 $0xFFFFFFC0, v45  }
0x141: {  	v3 =	vor.u32 v3, v4  }
0x142: {  	v4 =	vperm.xlane v3, v0;
	_ =	sdelay $0x1  }
0x143: {  	v4 =	vadd.s32 v1, v4;
	_ =	sdelay $0x4  }
0x144: {  	[tilespmem:s23], [sflag:$0x2] =	stream.indirect_vreg.gather [hbm4b:s2+s3], $0x80, v4, vm0, $0xb8;
	[tilespmem:$0x18800] =	vst v63  }
0x145: {  	v3 =	vperm.xlane v3, v2  }
0x146: {  	[tilespmem:s24], [sflag:$0x2] =	stream.indirect_vreg.gather [hbm4b:s5+s3], $0x80, v4, vm0, $0xb8;
	[tilespmem:$0x18800] =	vst v63  }
0x147: {  	v3 =	vadd.s32 v1, v3  }
0x148: {  	[tilespmem:s17], [sflag:$0x2] =	stream.indirect_vreg.gather [hbm4b:s6+s3], $0x80, v4, vm0, $0xb8;
	[tilespmem:$0x18800] =	vst v63  }
0x149: {  	_ = 	snop  }
0x14a: {  	[tilespmem:s18], [sflag:$0x2] =	stream.indirect_vreg.gather [hbm4b:s7+s3], $0x80, v4, vm0, $0xb8;
	[tilespmem:$0x18800] =	vst v63  }
0x14b: {  	_ = 	snop  }
0x14c: {  	[tilespmem:s19], [sflag:$0x2] =	stream.indirect_vreg.gather [hbm4b:s2+s3], $0x80, v3, vm0, $0xb8;
	[tilespmem:$0x18800] =	vst v63  }
0x14d: {  	_ = 	snop  }
0x14e: {  	[tilespmem:s22], [sflag:$0x2] =	stream.indirect_vreg.gather [hbm4b:s5+s3], $0x80, v3, vm0, $0xb8;
	[tilespmem:$0x18800] =	vst v63  }
0x14f: {  	_ = 	snop  }
0x150: {  	[tilespmem:s30], [sflag:$0x2] =	stream.indirect_vreg.gather [hbm4b:s6+s3], $0x80, v3, vm0, $0xb8;
	[tilespmem:$0x18800] =	vst v63  }
0x151: {  	s0 =	simm.s32 $0x3  }
0x152: {  	[tilespmem:s29], [sflag:$0x2] =	stream.indirect_vreg.gather [hbm4b:s7+s3], $0x80, v3, vm0, $0xb8;
	[tilespmem:$0x18800] =	vst v63  }
0x153: {  	_ =	swait.ge [sflag:s0], $0x8000  }
0x154: {  	[sflag:s0] =	ssyncset.done $0x0  }
0x155: {  	[sflag:s0] =	ssyncadd.s32 $0xFFFF8000  }
0x156: {  	v3 =	vld [tilespmem:$0x500];
	_ =	sdelay $0x4  }
0x157: {  	v46 =	vshll.u32 v3, $0x3  }
0x158: {  	v3 =	vand.u32 $0x7, v3;
	v4 =	vand.u32 $0xFFFFFFC0, v46  }
0x159: {  	v3 =	vor.u32 v3, v4  }
0x15a: {  	v4 =	vperm.xlane v3, v0;
	_ =	sdelay $0x1  }
0x15b: {  	v4 =	vadd.s32 v1, v4;
	_ =	sdelay $0x3  }
0x15c: {  	s23 =	simm.s32 $0x10800  }
0x15d: {  	[hbm4b:s4+s3] =	stream.indirect_vreg.scatter [tilespmem:s23], [sflag:$0x6], $0x80, v4, vm0, $0xb8;
	[tilespmem:$0x18800] =	vst v63  }
0x15e: {  	s24 =	simm.s32 $0x11000;
	v3 =	vperm.xlane v3, v2  }
0x15f: {  	[hbm4b:s8+s3] =	stream.indirect_vreg.scatter [tilespmem:s24], [sflag:$0x6], $0x80, v4, vm0, $0xb8;
	[tilespmem:$0x18800] =	vst v63  }
0x160: {  	s12 =	simm.s32 $0x11800;
	v3 =	vadd.s32 v1, v3  }
0x161: {  	[hbm4b:s9+s3] =	stream.indirect_vreg.scatter [tilespmem:s12], [sflag:$0x6], $0x80, v4, vm0, $0xb8;
	[tilespmem:$0x18800] =	vst v63  }
0x162: {  	s13 =	simm.s32 $0x12000  }
0x163: {  	[hbm4b:s10+s3] =	stream.indirect_vreg.scatter [tilespmem:s13], [sflag:$0x6], $0x80, v4, vm0, $0xb8;
	[tilespmem:$0x18800] =	vst v63  }
0x164: {  	s14 =	simm.s32 $0x12800  }
0x165: {  	[hbm4b:s4+s3] =	stream.indirect_vreg.scatter [tilespmem:s14], [sflag:$0x6], $0x80, v3, vm0, $0xb8;
	[tilespmem:$0x18800] =	vst v63  }
0x166: {  	s15 =	simm.s32 $0x13000  }
0x167: {  	[hbm4b:s8+s3] =	stream.indirect_vreg.scatter [tilespmem:s15], [sflag:$0x6], $0x80, v3, vm0, $0xb8;
	[tilespmem:$0x18800] =	vst v63  }
0x168: {  	s16 =	simm.s32 $0x13800  }
0x169: {  	[hbm4b:s9+s3] =	stream.indirect_vreg.scatter [tilespmem:s16], [sflag:$0x6], $0x80, v3, vm0, $0xb8;
	[tilespmem:$0x18800] =	vst v63  }
0x16a: {  	s29 =	simm.s32 $0x14000  }
0x16b: {  	[hbm4b:s10+s3] =	stream.indirect_vreg.scatter [tilespmem:s29], [sflag:$0x6], $0x80, v3, vm0, $0xb8;
	[tilespmem:$0x18800] =	vst v63  }
0x16c: {  	v3 =	vld [tilespmem:$0x510];
	_ =	sdelay $0x4  }
0x16d: {  	v47 =	vshll.u32 v3, $0x3  }
0x16e: {  	v3 =	vand.u32 $0x7, v3;
	v4 =	vand.u32 $0xFFFFFFC0, v47  }
0x16f: {  	v3 =	vor.u32 v3, v4  }
0x170: {  	v4 =	vperm.xlane v3, v0;
	_ =	sdelay $0x1  }
0x171: {  	v4 =	vadd.s32 v1, v4;
	_ =	sdelay $0x3  }
0x172: {  	s30 =	simm.s32 $0x14800  }
0x173: {  	[hbm4b:s4+s3] =	stream.indirect_vreg.scatter [tilespmem:s30], [sflag:$0x6], $0x80, v4, vm0, $0xb8;
	[tilespmem:$0x18800] =	vst v63  }
0x174: {  	s31 =	simm.s32 $0x15000;
	v3 =	vperm.xlane v3, v2  }
0x175: {  	[hbm4b:s8+s3] =	stream.indirect_vreg.scatter [tilespmem:s31], [sflag:$0x6], $0x80, v4, vm0, $0xb8;
	[tilespmem:$0x18800] =	vst v63  }
0x176: {  	s17 =	simm.s32 $0x15800;
	v3 =	vadd.s32 v1, v3  }
0x177: {  	[hbm4b:s9+s3] =	stream.indirect_vreg.scatter [tilespmem:s17], [sflag:$0x6], $0x80, v4, vm0, $0xb8;
	[tilespmem:$0x18800] =	vst v63  }
0x178: {  	s18 =	simm.s32 $0x16000  }
0x179: {  	[hbm4b:s10+s3] =	stream.indirect_vreg.scatter [tilespmem:s18], [sflag:$0x6], $0x80, v4, vm0, $0xb8;
	[tilespmem:$0x18800] =	vst v63  }
0x17a: {  	s19 =	simm.s32 $0x16800  }
0x17b: {  	[hbm4b:s4+s3] =	stream.indirect_vreg.scatter [tilespmem:s19], [sflag:$0x6], $0x80, v3, vm0, $0xb8;
	[tilespmem:$0x18800] =	vst v63  }
0x17c: {  	s20 =	simm.s32 $0x17000  }
0x17d: {  	[hbm4b:s8+s3] =	stream.indirect_vreg.scatter [tilespmem:s20], [sflag:$0x6], $0x80, v3, vm0, $0xb8;
	[tilespmem:$0x18800] =	vst v63  }
0x17e: {  	s21 =	simm.s32 $0x17800  }
0x17f: {  	[hbm4b:s9+s3] =	stream.indirect_vreg.scatter [tilespmem:s21], [sflag:$0x6], $0x80, v3, vm0, $0xb8;
	[tilespmem:$0x18800] =	vst v63  }
0x180: {  	s1 =	simm.s32 $0x6;
	s22 =	simm.s32 $0x18000  }
0x181: {  	[hbm4b:s10+s3] =	stream.indirect_vreg.scatter [tilespmem:s22], [sflag:$0x6], $0x80, v3, vm0, $0xb8;
	[tilespmem:$0x18800] =	vst v63  }
0x182: {  	_ =	swait.ge [sflag:s1], $0x8000  }
0x183: {  	[sflag:s1] =	ssyncset.done $0x0  }
0x184: {  	[sflag:s1] =	ssyncadd.s32 $0xFFFF8000  }
0x185: {  	v3 =	vld [tilespmem:$0x280];
	_ =	sdelay $0x4  }
0x186: {  	v48 =	vshll.u32 v3, $0x3  }
0x187: {  	v3 =	vand.u32 $0x7, v3;
	v4 =	vand.u32 $0xFFFFFFC0, v48  }
0x188: {  	v3 =	vor.u32 v3, v4  }
0x189: {  	v4 =	vperm.xlane v3, v0;
	_ =	sdelay $0x1  }
0x18a: {  	v4 =	vadd.s32 v1, v4;
	_ =	sdelay $0x4  }
0x18b: {  	[tilespmem:s23], [sflag:$0x3] =	stream.indirect_vreg.gather [hbm4b:s2+s3], $0x80, v4, vm0, $0xb8;
	[tilespmem:$0x18800] =	vst v63  }
0x18c: {  	v3 =	vperm.xlane v3, v2  }
0x18d: {  	[tilespmem:s24], [sflag:$0x3] =	stream.indirect_vreg.gather [hbm4b:s5+s3], $0x80, v4, vm0, $0xb8;
	[tilespmem:$0x18800] =	vst v63  }
0x18e: {  	v3 =	vadd.s32 v1, v3  }
0x18f: {  	[tilespmem:s12], [sflag:$0x3] =	stream.indirect_vreg.gather [hbm4b:s6+s3], $0x80, v4, vm0, $0xb8;
	[tilespmem:$0x18800] =	vst v63  }
0x190: {  	_ = 	snop  }
0x191: {  	[tilespmem:s13], [sflag:$0x3] =	stream.indirect_vreg.gather [hbm4b:s7+s3], $0x80, v4, vm0, $0xb8;
	[tilespmem:$0x18800] =	vst v63  }
0x192: {  	_ = 	snop  }
0x193: {  	[tilespmem:s14], [sflag:$0x3] =	stream.indirect_vreg.gather [hbm4b:s2+s3], $0x80, v3, vm0, $0xb8;
	[tilespmem:$0x18800] =	vst v63  }
0x194: {  	_ = 	snop  }
0x195: {  	[tilespmem:s15], [sflag:$0x3] =	stream.indirect_vreg.gather [hbm4b:s5+s3], $0x80, v3, vm0, $0xb8;
	[tilespmem:$0x18800] =	vst v63  }
0x196: {  	_ = 	snop  }
0x197: {  	[tilespmem:s16], [sflag:$0x3] =	stream.indirect_vreg.gather [hbm4b:s6+s3], $0x80, v3, vm0, $0xb8;
	[tilespmem:$0x18800] =	vst v63  }
0x198: {  	_ = 	snop  }
0x199: {  	[tilespmem:s29], [sflag:$0x3] =	stream.indirect_vreg.gather [hbm4b:s7+s3], $0x80, v3, vm0, $0xb8;
	[tilespmem:$0x18800] =	vst v63  }
0x19a: {  	v3 =	vld [tilespmem:$0x290];
	_ =	sdelay $0x4  }
0x19b: {  	v49 =	vshll.u32 v3, $0x3  }
0x19c: {  	v3 =	vand.u32 $0x7, v3;
	v4 =	vand.u32 $0xFFFFFFC0, v49  }
0x19d: {  	v3 =	vor.u32 v3, v4  }
0x19e: {  	v4 =	vperm.xlane v3, v0;
	_ =	sdelay $0x1  }
0x19f: {  	v4 =	vadd.s32 v1, v4;
	_ =	sdelay $0x4  }
0x1a0: {  	[tilespmem:s30], [sflag:$0x3] =	stream.indirect_vreg.gather [hbm4b:s2+s3], $0x80, v4, vm0, $0xb8;
	[tilespmem:$0x18800] =	vst v63  }
0x1a1: {  	v3 =	vperm.xlane v3, v2  }
0x1a2: {  	[tilespmem:s31], [sflag:$0x3] =	stream.indirect_vreg.gather [hbm4b:s5+s3], $0x80, v4, vm0, $0xb8;
	[tilespmem:$0x18800] =	vst v63  }
0x1a3: {  	v3 =	vadd.s32 v1, v3  }
0x1a4: {  	[tilespmem:s17], [sflag:$0x3] =	stream.indirect_vreg.gather [hbm4b:s6+s3], $0x80, v4, vm0, $0xb8;
	[tilespmem:$0x18800] =	vst v63  }
0x1a5: {  	_ = 	snop  }
0x1a6: {  	[tilespmem:s18], [sflag:$0x3] =	stream.indirect_vreg.gather [hbm4b:s7+s3], $0x80, v4, vm0, $0xb8;
	[tilespmem:$0x18800] =	vst v63  }
0x1a7: {  	_ = 	snop  }
0x1a8: {  	[tilespmem:s19], [sflag:$0x3] =	stream.indirect_vreg.gather [hbm4b:s2+s3], $0x80, v3, vm0, $0xb8;
	[tilespmem:$0x18800] =	vst v63  }
0x1a9: {  	_ = 	snop  }
0x1aa: {  	[tilespmem:s20], [sflag:$0x3] =	stream.indirect_vreg.gather [hbm4b:s5+s3], $0x80, v3, vm0, $0xb8;
	[tilespmem:$0x18800] =	vst v63  }
0x1ab: {  	_ = 	snop  }
0x1ac: {  	[tilespmem:s21], [sflag:$0x3] =	stream.indirect_vreg.gather [hbm4b:s6+s3], $0x80, v3, vm0, $0xb8;
	[tilespmem:$0x18800] =	vst v63  }
0x1ad: {  	_ = 	snop  }
0x1ae: {  	[tilespmem:s22], [sflag:$0x3] =	stream.indirect_vreg.gather [hbm4b:s7+s3], $0x80, v3, vm0, $0xb8;
	[tilespmem:$0x18800] =	vst v63  }
0x1af: {  	_ =	swait.ge [sflag:s25], $0x8000  }
0x1b0: {  	[sflag:s25] =	ssyncset.done $0x0  }
0x1b1: {  	[sflag:s25] =	ssyncadd.s32 $0xFFFF8000  }
0x1b2: {  	v3 =	vld [tilespmem:$0x580];
	_ =	sdelay $0x4  }
0x1b3: {  	v50 =	vshll.u32 v3, $0x3  }
0x1b4: {  	v3 =	vand.u32 $0x7, v3;
	v4 =	vand.u32 $0xFFFFFFC0, v50  }
0x1b5: {  	v3 =	vor.u32 v3, v4  }
0x1b6: {  	v4 =	vperm.xlane v3, v0;
	_ =	sdelay $0x1  }
0x1b7: {  	v4 =	vadd.s32 v1, v4;
	_ =	sdelay $0x3  }
0x1b8: {  	s21 =	simm.s32 $0x800  }
0x1b9: {  	[hbm4b:s4+s3] =	stream.indirect_vreg.scatter [tilespmem:s21], [sflag:$0x4], $0x80, v4, vm0, $0xb8;
	[tilespmem:$0x18800] =	vst v63  }
0x1ba: {  	s22 =	simm.s32 $0x1000;
	v3 =	vperm.xlane v3, v2  }
0x1bb: {  	[hbm4b:s8+s3] =	stream.indirect_vreg.scatter [tilespmem:s22], [sflag:$0x4], $0x80, v4, vm0, $0xb8;
	[tilespmem:$0x18800] =	vst v63  }
0x1bc: {  	s20 =	simm.s32 $0x1800;
	v3 =	vadd.s32 v1, v3  }
0x1bd: {  	[hbm4b:s9+s3] =	stream.indirect_vreg.scatter [tilespmem:s20], [sflag:$0x4], $0x80, v4, vm0, $0xb8;
	[tilespmem:$0x18800] =	vst v63  }
0x1be: {  	s31 =	simm.s32 $0x2000  }
0x1bf: {  	[hbm4b:s10+s3] =	stream.indirect_vreg.scatter [tilespmem:s31], [sflag:$0x4], $0x80, v4, vm0, $0xb8;
	[tilespmem:$0x18800] =	vst v63  }
0x1c0: {  	s12 =	simm.s32 $0x2800  }
0x1c1: {  	[hbm4b:s4+s3] =	stream.indirect_vreg.scatter [tilespmem:s12], [sflag:$0x4], $0x80, v3, vm0, $0xb8;
	[tilespmem:$0x18800] =	vst v63  }
0x1c2: {  	s13 =	simm.s32 $0x3000  }
0x1c3: {  	[hbm4b:s8+s3] =	stream.indirect_vreg.scatter [tilespmem:s13], [sflag:$0x4], $0x80, v3, vm0, $0xb8;
	[tilespmem:$0x18800] =	vst v63  }
0x1c4: {  	s14 =	simm.s32 $0x3800  }
0x1c5: {  	[hbm4b:s9+s3] =	stream.indirect_vreg.scatter [tilespmem:s14], [sflag:$0x4], $0x80, v3, vm0, $0xb8;
	[tilespmem:$0x18800] =	vst v63  }
0x1c6: {  	s23 =	simm.s32 $0x4000  }
0x1c7: {  	[hbm4b:s10+s3] =	stream.indirect_vreg.scatter [tilespmem:s23], [sflag:$0x4], $0x80, v3, vm0, $0xb8;
	[tilespmem:$0x18800] =	vst v63  }
0x1c8: {  	v3 =	vld [tilespmem:$0x590];
	_ =	sdelay $0x4  }
0x1c9: {  	v51 =	vshll.u32 v3, $0x3  }
0x1ca: {  	v3 =	vand.u32 $0x7, v3;
	v4 =	vand.u32 $0xFFFFFFC0, v51  }
0x1cb: {  	v3 =	vor.u32 v3, v4  }
0x1cc: {  	v4 =	vperm.xlane v3, v0;
	_ =	sdelay $0x1  }
0x1cd: {  	v4 =	vadd.s32 v1, v4;
	_ =	sdelay $0x3  }
0x1ce: {  	s24 =	simm.s32 $0x4800  }
0x1cf: {  	[hbm4b:s4+s3] =	stream.indirect_vreg.scatter [tilespmem:s24], [sflag:$0x4], $0x80, v4, vm0, $0xb8;
	[tilespmem:$0x18800] =	vst v63  }
0x1d0: {  	s29 =	simm.s32 $0x5000;
	v3 =	vperm.xlane v3, v2  }
0x1d1: {  	[hbm4b:s8+s3] =	stream.indirect_vreg.scatter [tilespmem:s29], [sflag:$0x4], $0x80, v4, vm0, $0xb8;
	[tilespmem:$0x18800] =	vst v63  }
0x1d2: {  	s15 =	simm.s32 $0x5800;
	v3 =	vadd.s32 v1, v3  }
0x1d3: {  	[hbm4b:s9+s3] =	stream.indirect_vreg.scatter [tilespmem:s15], [sflag:$0x4], $0x80, v4, vm0, $0xb8;
	[tilespmem:$0x18800] =	vst v63  }
0x1d4: {  	s16 =	simm.s32 $0x6000  }
0x1d5: {  	[hbm4b:s10+s3] =	stream.indirect_vreg.scatter [tilespmem:s16], [sflag:$0x4], $0x80, v4, vm0, $0xb8;
	[tilespmem:$0x18800] =	vst v63  }
0x1d6: {  	s17 =	simm.s32 $0x6800  }
0x1d7: {  	[hbm4b:s4+s3] =	stream.indirect_vreg.scatter [tilespmem:s17], [sflag:$0x4], $0x80, v3, vm0, $0xb8;
	[tilespmem:$0x18800] =	vst v63  }
0x1d8: {  	s18 =	simm.s32 $0x7000  }
0x1d9: {  	[hbm4b:s8+s3] =	stream.indirect_vreg.scatter [tilespmem:s18], [sflag:$0x4], $0x80, v3, vm0, $0xb8;
	[tilespmem:$0x18800] =	vst v63  }
0x1da: {  	s19 =	simm.s32 $0x7800  }
0x1db: {  	[hbm4b:s9+s3] =	stream.indirect_vreg.scatter [tilespmem:s19], [sflag:$0x4], $0x80, v3, vm0, $0xb8;
	[tilespmem:$0x18800] =	vst v63  }
0x1dc: {  	s30 =	simm.s32 $0x8000  }
0x1dd: {  	[hbm4b:s10+s3] =	stream.indirect_vreg.scatter [tilespmem:s30], [sflag:$0x4], $0x80, v3, vm0, $0xb8;
	[tilespmem:$0x18800] =	vst v63  }
0x1de: {  	_ =	swait.ge [sflag:s26], $0x8000  }
0x1df: {  	[sflag:s26] =	ssyncset.done $0x0  }
0x1e0: {  	[sflag:s26] =	ssyncadd.s32 $0xFFFF8000  }
0x1e1: {  	v3 =	vld [tilespmem:$0x300];
	_ =	sdelay $0x4  }
0x1e2: {  	v52 =	vshll.u32 v3, $0x3  }
0x1e3: {  	v3 =	vand.u32 $0x7, v3;
	v4 =	vand.u32 $0xFFFFFFC0, v52  }
0x1e4: {  	v3 =	vor.u32 v3, v4  }
0x1e5: {  	v4 =	vperm.xlane v3, v0;
	_ =	sdelay $0x1  }
0x1e6: {  	v4 =	vadd.s32 v1, v4;
	_ =	sdelay $0x4  }
0x1e7: {  	[tilespmem:s21], [sflag:$0x1] =	stream.indirect_vreg.gather [hbm4b:s2+s3], $0x80, v4, vm0, $0xb8;
	[tilespmem:$0x18800] =	vst v63  }
0x1e8: {  	v3 =	vperm.xlane v3, v2  }
0x1e9: {  	[tilespmem:s22], [sflag:$0x1] =	stream.indirect_vreg.gather [hbm4b:s5+s3], $0x80, v4, vm0, $0xb8;
	[tilespmem:$0x18800] =	vst v63  }
0x1ea: {  	v3 =	vadd.s32 v1, v3  }
0x1eb: {  	[tilespmem:s20], [sflag:$0x1] =	stream.indirect_vreg.gather [hbm4b:s6+s3], $0x80, v4, vm0, $0xb8;
	[tilespmem:$0x18800] =	vst v63  }
0x1ec: {  	_ = 	snop  }
0x1ed: {  	[tilespmem:s31], [sflag:$0x1] =	stream.indirect_vreg.gather [hbm4b:s7+s3], $0x80, v4, vm0, $0xb8;
	[tilespmem:$0x18800] =	vst v63  }
0x1ee: {  	_ = 	snop  }
0x1ef: {  	[tilespmem:s12], [sflag:$0x1] =	stream.indirect_vreg.gather [hbm4b:s2+s3], $0x80, v3, vm0, $0xb8;
	[tilespmem:$0x18800] =	vst v63  }
0x1f0: {  	_ = 	snop  }
0x1f1: {  	[tilespmem:s13], [sflag:$0x1] =	stream.indirect_vreg.gather [hbm4b:s5+s3], $0x80, v3, vm0, $0xb8;
	[tilespmem:$0x18800] =	vst v63  }
0x1f2: {  	_ = 	snop  }
0x1f3: {  	[tilespmem:s14], [sflag:$0x1] =	stream.indirect_vreg.gather [hbm4b:s6+s3], $0x80, v3, vm0, $0xb8;
	[tilespmem:$0x18800] =	vst v63  }
0x1f4: {  	_ = 	snop  }
0x1f5: {  	[tilespmem:s23], [sflag:$0x1] =	stream.indirect_vreg.gather [hbm4b:s7+s3], $0x80, v3, vm0, $0xb8;
	[tilespmem:$0x18800] =	vst v63  }
0x1f6: {  	v3 =	vld [tilespmem:$0x310];
	_ =	sdelay $0x4  }
0x1f7: {  	v53 =	vshll.u32 v3, $0x3  }
0x1f8: {  	v3 =	vand.u32 $0x7, v3;
	v4 =	vand.u32 $0xFFFFFFC0, v53  }
0x1f9: {  	v3 =	vor.u32 v3, v4  }
0x1fa: {  	v4 =	vperm.xlane v3, v0;
	_ =	sdelay $0x1  }
0x1fb: {  	v4 =	vadd.s32 v1, v4;
	_ =	sdelay $0x4  }
0x1fc: {  	[tilespmem:s24], [sflag:$0x1] =	stream.indirect_vreg.gather [hbm4b:s2+s3], $0x80, v4, vm0, $0xb8;
	[tilespmem:$0x18800] =	vst v63  }
0x1fd: {  	v3 =	vperm.xlane v3, v2  }
0x1fe: {  	[tilespmem:s29], [sflag:$0x1] =	stream.indirect_vreg.gather [hbm4b:s5+s3], $0x80, v4, vm0, $0xb8;
	[tilespmem:$0x18800] =	vst v63  }
0x1ff: {  	v3 =	vadd.s32 v1, v3  }
0x200: {  	[tilespmem:s15], [sflag:$0x1] =	stream.indirect_vreg.gather [hbm4b:s6+s3], $0x80, v4, vm0, $0xb8;
	[tilespmem:$0x18800] =	vst v63  }
0x201: {  	_ = 	snop  }
0x202: {  	[tilespmem:s16], [sflag:$0x1] =	stream.indirect_vreg.gather [hbm4b:s7+s3], $0x80, v4, vm0, $0xb8;
	[tilespmem:$0x18800] =	vst v63  }
0x203: {  	_ = 	snop  }
0x204: {  	[tilespmem:s17], [sflag:$0x1] =	stream.indirect_vreg.gather [hbm4b:s2+s3], $0x80, v3, vm0, $0xb8;
	[tilespmem:$0x18800] =	vst v63  }
0x205: {  	_ = 	snop  }
0x206: {  	[tilespmem:s18], [sflag:$0x1] =	stream.indirect_vreg.gather [hbm4b:s5+s3], $0x80, v3, vm0, $0xb8;
	[tilespmem:$0x18800] =	vst v63  }
0x207: {  	_ = 	snop  }
0x208: {  	[tilespmem:s19], [sflag:$0x1] =	stream.indirect_vreg.gather [hbm4b:s6+s3], $0x80, v3, vm0, $0xb8;
	[tilespmem:$0x18800] =	vst v63  }
0x209: {  	_ = 	snop  }
0x20a: {  	[tilespmem:s30], [sflag:$0x1] =	stream.indirect_vreg.gather [hbm4b:s7+s3], $0x80, v3, vm0, $0xb8;
	[tilespmem:$0x18800] =	vst v63  }
0x20b: {  	_ =	swait.ge [sflag:s28], $0x8000  }
0x20c: {  	[sflag:s28] =	ssyncset.done $0x0  }
0x20d: {  	[sflag:s28] =	ssyncadd.s32 $0xFFFF8000  }
0x20e: {  	v3 =	vld [tilespmem:$0x600];
	_ =	sdelay $0x4  }
0x20f: {  	v54 =	vshll.u32 v3, $0x3  }
0x210: {  	v3 =	vand.u32 $0x7, v3;
	v4 =	vand.u32 $0xFFFFFFC0, v54  }
0x211: {  	v3 =	vor.u32 v3, v4  }
0x212: {  	v4 =	vperm.xlane v3, v0;
	_ =	sdelay $0x1  }
0x213: {  	v4 =	vadd.s32 v1, v4;
	_ =	sdelay $0x3  }
0x214: {  	s21 =	simm.s32 $0x8800  }
0x215: {  	[hbm4b:s4+s3] =	stream.indirect_vreg.scatter [tilespmem:s21], [sflag:$0x5], $0x80, v4, vm0, $0xb8;
	[tilespmem:$0x18800] =	vst v63  }
0x216: {  	s22 =	simm.s32 $0x9000;
	v3 =	vperm.xlane v3, v2  }
0x217: {  	[hbm4b:s8+s3] =	stream.indirect_vreg.scatter [tilespmem:s22], [sflag:$0x5], $0x80, v4, vm0, $0xb8;
	[tilespmem:$0x18800] =	vst v63  }
0x218: {  	s31 =	simm.s32 $0x9800;
	v3 =	vadd.s32 v1, v3  }
0x219: {  	[hbm4b:s9+s3] =	stream.indirect_vreg.scatter [tilespmem:s31], [sflag:$0x5], $0x80, v4, vm0, $0xb8;
	[tilespmem:$0x18800] =	vst v63  }
0x21a: {  	s12 =	simm.s32 $0xA000  }
0x21b: {  	[hbm4b:s10+s3] =	stream.indirect_vreg.scatter [tilespmem:s12], [sflag:$0x5], $0x80, v4, vm0, $0xb8;
	[tilespmem:$0x18800] =	vst v63  }
0x21c: {  	s13 =	simm.s32 $0xA800  }
0x21d: {  	[hbm4b:s4+s3] =	stream.indirect_vreg.scatter [tilespmem:s13], [sflag:$0x5], $0x80, v3, vm0, $0xb8;
	[tilespmem:$0x18800] =	vst v63  }
0x21e: {  	s14 =	simm.s32 $0xB000  }
0x21f: {  	[hbm4b:s8+s3] =	stream.indirect_vreg.scatter [tilespmem:s14], [sflag:$0x5], $0x80, v3, vm0, $0xb8;
	[tilespmem:$0x18800] =	vst v63  }
0x220: {  	s15 =	simm.s32 $0xB800  }
0x221: {  	[hbm4b:s9+s3] =	stream.indirect_vreg.scatter [tilespmem:s15], [sflag:$0x5], $0x80, v3, vm0, $0xb8;
	[tilespmem:$0x18800] =	vst v63  }
0x222: {  	s23 =	simm.s32 $0xC000  }
0x223: {  	[hbm4b:s10+s3] =	stream.indirect_vreg.scatter [tilespmem:s23], [sflag:$0x5], $0x80, v3, vm0, $0xb8;
	[tilespmem:$0x18800] =	vst v63  }
0x224: {  	v3 =	vld [tilespmem:$0x610];
	_ =	sdelay $0x4  }
0x225: {  	v55 =	vshll.u32 v3, $0x3  }
0x226: {  	v3 =	vand.u32 $0x7, v3;
	v4 =	vand.u32 $0xFFFFFFC0, v55  }
0x227: {  	v3 =	vor.u32 v3, v4  }
0x228: {  	v4 =	vperm.xlane v3, v0;
	_ =	sdelay $0x1  }
0x229: {  	v4 =	vadd.s32 v1, v4;
	_ =	sdelay $0x3  }
0x22a: {  	s24 =	simm.s32 $0xC800  }
0x22b: {  	[hbm4b:s4+s3] =	stream.indirect_vreg.scatter [tilespmem:s24], [sflag:$0x5], $0x80, v4, vm0, $0xb8;
	[tilespmem:$0x18800] =	vst v63  }
0x22c: {  	s29 =	simm.s32 $0xD000;
	v3 =	vperm.xlane v3, v2  }
0x22d: {  	[hbm4b:s8+s3] =	stream.indirect_vreg.scatter [tilespmem:s29], [sflag:$0x5], $0x80, v4, vm0, $0xb8;
	[tilespmem:$0x18800] =	vst v63  }
0x22e: {  	s16 =	simm.s32 $0xD800;
	v3 =	vadd.s32 v1, v3  }
0x22f: {  	[hbm4b:s9+s3] =	stream.indirect_vreg.scatter [tilespmem:s16], [sflag:$0x5], $0x80, v4, vm0, $0xb8;
	[tilespmem:$0x18800] =	vst v63  }
0x230: {  	s17 =	simm.s32 $0xE000  }
0x231: {  	[hbm4b:s10+s3] =	stream.indirect_vreg.scatter [tilespmem:s17], [sflag:$0x5], $0x80, v4, vm0, $0xb8;
	[tilespmem:$0x18800] =	vst v63  }
0x232: {  	s18 =	simm.s32 $0xE800  }
0x233: {  	[hbm4b:s4+s3] =	stream.indirect_vreg.scatter [tilespmem:s18], [sflag:$0x5], $0x80, v3, vm0, $0xb8;
	[tilespmem:$0x18800] =	vst v63  }
0x234: {  	s19 =	simm.s32 $0xF000  }
0x235: {  	[hbm4b:s8+s3] =	stream.indirect_vreg.scatter [tilespmem:s19], [sflag:$0x5], $0x80, v3, vm0, $0xb8;
	[tilespmem:$0x18800] =	vst v63  }
0x236: {  	s20 =	simm.s32 $0xF800  }
0x237: {  	[hbm4b:s9+s3] =	stream.indirect_vreg.scatter [tilespmem:s20], [sflag:$0x5], $0x80, v3, vm0, $0xb8;
	[tilespmem:$0x18800] =	vst v63  }
0x238: {  	s30 =	simm.s32 $0x10000  }
0x239: {  	[hbm4b:s10+s3] =	stream.indirect_vreg.scatter [tilespmem:s30], [sflag:$0x5], $0x80, v3, vm0, $0xb8;
	[tilespmem:$0x18800] =	vst v63  }
0x23a: {  	_ =	swait.ge [sflag:s11], $0x8000  }
0x23b: {  	[sflag:s11] =	ssyncset.done $0x0  }
0x23c: {  	[sflag:s11] =	ssyncadd.s32 $0xFFFF8000  }
0x23d: {  	v3 =	vld [tilespmem:$0x380];
	_ =	sdelay $0x4  }
0x23e: {  	v56 =	vshll.u32 v3, $0x3  }
0x23f: {  	v3 =	vand.u32 $0x7, v3;
	v4 =	vand.u32 $0xFFFFFFC0, v56  }
0x240: {  	v3 =	vor.u32 v3, v4  }
0x241: {  	v4 =	vperm.xlane v3, v0;
	_ =	sdelay $0x1  }
0x242: {  	v4 =	vadd.s32 v1, v4;
	_ =	sdelay $0x4  }
0x243: {  	[tilespmem:s21], [sflag:$0x2] =	stream.indirect_vreg.gather [hbm4b:s2+s3], $0x80, v4, vm0, $0xb8;
	[tilespmem:$0x18800] =	vst v63  }
0x244: {  	v3 =	vperm.xlane v3, v2  }
0x245: {  	[tilespmem:s22], [sflag:$0x2] =	stream.indirect_vreg.gather [hbm4b:s5+s3], $0x80, v4, vm0, $0xb8;
	[tilespmem:$0x18800] =	vst v63  }
0x246: {  	v3 =	vadd.s32 v1, v3  }
0x247: {  	[tilespmem:s31], [sflag:$0x2] =	stream.indirect_vreg.gather [hbm4b:s6+s3], $0x80, v4, vm0, $0xb8;
	[tilespmem:$0x18800] =	vst v63  }
0x248: {  	_ = 	snop  }
0x249: {  	[tilespmem:s12], [sflag:$0x2] =	stream.indirect_vreg.gather [hbm4b:s7+s3], $0x80, v4, vm0, $0xb8;
	[tilespmem:$0x18800] =	vst v63  }
0x24a: {  	_ = 	snop  }
0x24b: {  	[tilespmem:s13], [sflag:$0x2] =	stream.indirect_vreg.gather [hbm4b:s2+s3], $0x80, v3, vm0, $0xb8;
	[tilespmem:$0x18800] =	vst v63  }
0x24c: {  	_ = 	snop  }
0x24d: {  	[tilespmem:s14], [sflag:$0x2] =	stream.indirect_vreg.gather [hbm4b:s5+s3], $0x80, v3, vm0, $0xb8;
	[tilespmem:$0x18800] =	vst v63  }
0x24e: {  	_ = 	snop  }
0x24f: {  	[tilespmem:s15], [sflag:$0x2] =	stream.indirect_vreg.gather [hbm4b:s6+s3], $0x80, v3, vm0, $0xb8;
	[tilespmem:$0x18800] =	vst v63  }
0x250: {  	_ = 	snop  }
0x251: {  	[tilespmem:s23], [sflag:$0x2] =	stream.indirect_vreg.gather [hbm4b:s7+s3], $0x80, v3, vm0, $0xb8;
	[tilespmem:$0x18800] =	vst v63  }
0x252: {  	v3 =	vld [tilespmem:$0x390];
	_ =	sdelay $0x4  }
0x253: {  	v57 =	vshll.u32 v3, $0x3  }
0x254: {  	v3 =	vand.u32 $0x7, v3;
	v4 =	vand.u32 $0xFFFFFFC0, v57  }
0x255: {  	v3 =	vor.u32 v3, v4  }
0x256: {  	v4 =	vperm.xlane v3, v0;
	_ =	sdelay $0x1  }
0x257: {  	v4 =	vadd.s32 v1, v4;
	_ =	sdelay $0x4  }
0x258: {  	[tilespmem:s24], [sflag:$0x2] =	stream.indirect_vreg.gather [hbm4b:s2+s3], $0x80, v4, vm0, $0xb8;
	[tilespmem:$0x18800] =	vst v63  }
0x259: {  	v3 =	vperm.xlane v3, v2  }
0x25a: {  	[tilespmem:s29], [sflag:$0x2] =	stream.indirect_vreg.gather [hbm4b:s5+s3], $0x80, v4, vm0, $0xb8;
	[tilespmem:$0x18800] =	vst v63  }
0x25b: {  	v3 =	vadd.s32 v1, v3  }
0x25c: {  	[tilespmem:s16], [sflag:$0x2] =	stream.indirect_vreg.gather [hbm4b:s6+s3], $0x80, v4, vm0, $0xb8;
	[tilespmem:$0x18800] =	vst v63  }
0x25d: {  	_ = 	snop  }
0x25e: {  	[tilespmem:s17], [sflag:$0x2] =	stream.indirect_vreg.gather [hbm4b:s7+s3], $0x80, v4, vm0, $0xb8;
	[tilespmem:$0x18800] =	vst v63  }
0x25f: {  	_ = 	snop  }
0x260: {  	[tilespmem:s18], [sflag:$0x2] =	stream.indirect_vreg.gather [hbm4b:s2+s3], $0x80, v3, vm0, $0xb8;
	[tilespmem:$0x18800] =	vst v63  }
0x261: {  	_ = 	snop  }
0x262: {  	[tilespmem:s19], [sflag:$0x2] =	stream.indirect_vreg.gather [hbm4b:s5+s3], $0x80, v3, vm0, $0xb8;
	[tilespmem:$0x18800] =	vst v63  }
0x263: {  	_ = 	snop  }
0x264: {  	[tilespmem:s20], [sflag:$0x2] =	stream.indirect_vreg.gather [hbm4b:s6+s3], $0x80, v3, vm0, $0xb8;
	[tilespmem:$0x18800] =	vst v63  }
0x265: {  	_ = 	snop  }
0x266: {  	[tilespmem:s30], [sflag:$0x2] =	stream.indirect_vreg.gather [hbm4b:s7+s3], $0x80, v3, vm0, $0xb8;
	[tilespmem:$0x18800] =	vst v63  }
0x267: {  	_ =	swait.ge [sflag:s0], $0x8000  }
0x268: {  	[sflag:s0] =	ssyncset.done $0x0  }
0x269: {  	[sflag:s0] =	ssyncadd.s32 $0xFFFF8000  }
0x26a: {  	v3 =	vld [tilespmem:$0x680];
	_ =	sdelay $0x4  }
0x26b: {  	v58 =	vshll.u32 v3, $0x3  }
0x26c: {  	v3 =	vand.u32 $0x7, v3;
	v4 =	vand.u32 $0xFFFFFFC0, v58  }
0x26d: {  	v3 =	vor.u32 v3, v4  }
0x26e: {  	v4 =	vperm.xlane v3, v0;
	_ =	sdelay $0x1  }
0x26f: {  	v4 =	vadd.s32 v1, v4;
	_ =	sdelay $0x3  }
0x270: {  	s0 =	simm.s32 $0x10800  }
0x271: {  	[hbm4b:s4+s3] =	stream.indirect_vreg.scatter [tilespmem:s0], [sflag:$0x6], $0x80, v4, vm0, $0xb8;
	[tilespmem:$0x18800] =	vst v63  }
0x272: {  	v3 =	vperm.xlane v3, v2;
	s0 =	simm.s32 $0x11000  }
0x273: {  	[hbm4b:s8+s3] =	stream.indirect_vreg.scatter [tilespmem:s0], [sflag:$0x6], $0x80, v4, vm0, $0xb8;
	[tilespmem:$0x18800] =	vst v63  }
0x274: {  	v3 =	vadd.s32 v1, v3;
	s0 =	simm.s32 $0x11800  }
0x275: {  	[hbm4b:s9+s3] =	stream.indirect_vreg.scatter [tilespmem:s0], [sflag:$0x6], $0x80, v4, vm0, $0xb8;
	[tilespmem:$0x18800] =	vst v63  }
0x276: {  	s0 =	simm.s32 $0x12000  }
0x277: {  	[hbm4b:s10+s3] =	stream.indirect_vreg.scatter [tilespmem:s0], [sflag:$0x6], $0x80, v4, vm0, $0xb8;
	[tilespmem:$0x18800] =	vst v63  }
0x278: {  	s0 =	simm.s32 $0x12800  }
0x279: {  	[hbm4b:s4+s3] =	stream.indirect_vreg.scatter [tilespmem:s0], [sflag:$0x6], $0x80, v3, vm0, $0xb8;
	[tilespmem:$0x18800] =	vst v63  }
0x27a: {  	s0 =	simm.s32 $0x13000  }
0x27b: {  	[hbm4b:s8+s3] =	stream.indirect_vreg.scatter [tilespmem:s0], [sflag:$0x6], $0x80, v3, vm0, $0xb8;
	[tilespmem:$0x18800] =	vst v63  }
0x27c: {  	s0 =	simm.s32 $0x13800  }
0x27d: {  	[hbm4b:s9+s3] =	stream.indirect_vreg.scatter [tilespmem:s0], [sflag:$0x6], $0x80, v3, vm0, $0xb8;
	[tilespmem:$0x18800] =	vst v63  }
0x27e: {  	s0 =	simm.s32 $0x14000  }
0x27f: {  	[hbm4b:s10+s3] =	stream.indirect_vreg.scatter [tilespmem:s0], [sflag:$0x6], $0x80, v3, vm0, $0xb8;
	[tilespmem:$0x18800] =	vst v63  }
0x280: {  	v3 =	vld [tilespmem:$0x690];
	_ =	sdelay $0x4  }
0x281: {  	v59 =	vshll.u32 v3, $0x3  }
0x282: {  	v3 =	vand.u32 $0x7, v3;
	v4 =	vand.u32 $0xFFFFFFC0, v59  }
0x283: {  	v3 =	vor.u32 v3, v4  }
0x284: {  	v4 =	vperm.xlane v3, v0;
	_ =	sdelay $0x1  }
0x285: {  	v4 =	vadd.s32 v1, v4;
	_ =	sdelay $0x3  }
0x286: {  	s0 =	simm.s32 $0x14800  }
0x287: {  	[hbm4b:s4+s3] =	stream.indirect_vreg.scatter [tilespmem:s0], [sflag:$0x6], $0x80, v4, vm0, $0xb8;
	[tilespmem:$0x18800] =	vst v63  }
0x288: {  	v3 =	vperm.xlane v3, v2;
	s0 =	simm.s32 $0x15000  }
0x289: {  	[hbm4b:s8+s3] =	stream.indirect_vreg.scatter [tilespmem:s0], [sflag:$0x6], $0x80, v4, vm0, $0xb8;
	[tilespmem:$0x18800] =	vst v63  }
0x28a: {  	v3 =	vadd.s32 v1, v3;
	s0 =	simm.s32 $0x15800  }
0x28b: {  	[hbm4b:s9+s3] =	stream.indirect_vreg.scatter [tilespmem:s0], [sflag:$0x6], $0x80, v4, vm0, $0xb8;
	[tilespmem:$0x18800] =	vst v63  }
0x28c: {  	s0 =	simm.s32 $0x16000  }
0x28d: {  	[hbm4b:s10+s3] =	stream.indirect_vreg.scatter [tilespmem:s0], [sflag:$0x6], $0x80, v4, vm0, $0xb8;
	[tilespmem:$0x18800] =	vst v63  }
0x28e: {  	s0 =	simm.s32 $0x16800  }
0x28f: {  	[hbm4b:s4+s3] =	stream.indirect_vreg.scatter [tilespmem:s0], [sflag:$0x6], $0x80, v3, vm0, $0xb8;
	[tilespmem:$0x18800] =	vst v63  }
0x290: {  	s0 =	simm.s32 $0x17000  }
0x291: {  	[hbm4b:s8+s3] =	stream.indirect_vreg.scatter [tilespmem:s0], [sflag:$0x6], $0x80, v3, vm0, $0xb8;
	[tilespmem:$0x18800] =	vst v63  }
0x292: {  	s0 =	simm.s32 $0x17800  }
0x293: {  	[hbm4b:s9+s3] =	stream.indirect_vreg.scatter [tilespmem:s0], [sflag:$0x6], $0x80, v3, vm0, $0xb8;
	[tilespmem:$0x18800] =	vst v63  }
0x294: {  	s0 =	simm.s32 $0x18000  }
0x295: {  	[hbm4b:s10+s3] =	stream.indirect_vreg.scatter [tilespmem:s0], [sflag:$0x6], $0x80, v3, vm0, $0xb8;
	[tilespmem:$0x18800] =	vst v63  }
0x296: {  	_ =	swait.ge [sflag:s25], $0x8000  }
0x297: {  	[sflag:s25] =	ssyncset.done $0x0  }
0x298: {  	[sflag:s25] =	ssyncadd.s32 $0xFFFF8000  }
0x299: {  	v3 =	vld [tilespmem:$0x700];
	_ =	sdelay $0x4  }
0x29a: {  	v60 =	vshll.u32 v3, $0x3  }
0x29b: {  	v3 =	vand.u32 $0x7, v3;
	v4 =	vand.u32 $0xFFFFFFC0, v60  }
0x29c: {  	v3 =	vor.u32 v3, v4  }
0x29d: {  	v4 =	vperm.xlane v3, v0;
	_ =	sdelay $0x1  }
0x29e: {  	v4 =	vadd.s32 v1, v4;
	_ =	sdelay $0x3  }
0x29f: {  	s0 =	simm.s32 $0x800  }
0x2a0: {  	[hbm4b:s4+s3] =	stream.indirect_vreg.scatter [tilespmem:s0], [sflag:$0x4], $0x80, v4, vm0, $0xb8;
	[tilespmem:$0x18800] =	vst v63  }
0x2a1: {  	v3 =	vperm.xlane v3, v2;
	s0 =	simm.s32 $0x1000  }
0x2a2: {  	[hbm4b:s8+s3] =	stream.indirect_vreg.scatter [tilespmem:s0], [sflag:$0x4], $0x80, v4, vm0, $0xb8;
	[tilespmem:$0x18800] =	vst v63  }
0x2a3: {  	v3 =	vadd.s32 v1, v3;
	s0 =	simm.s32 $0x1800  }
0x2a4: {  	[hbm4b:s9+s3] =	stream.indirect_vreg.scatter [tilespmem:s0], [sflag:$0x4], $0x80, v4, vm0, $0xb8;
	[tilespmem:$0x18800] =	vst v63  }
0x2a5: {  	s0 =	simm.s32 $0x2000  }
0x2a6: {  	[hbm4b:s10+s3] =	stream.indirect_vreg.scatter [tilespmem:s0], [sflag:$0x4], $0x80, v4, vm0, $0xb8;
	[tilespmem:$0x18800] =	vst v63  }
0x2a7: {  	s0 =	simm.s32 $0x2800  }
0x2a8: {  	[hbm4b:s4+s3] =	stream.indirect_vreg.scatter [tilespmem:s0], [sflag:$0x4], $0x80, v3, vm0, $0xb8;
	[tilespmem:$0x18800] =	vst v63  }
0x2a9: {  	s0 =	simm.s32 $0x3000  }
0x2aa: {  	[hbm4b:s8+s3] =	stream.indirect_vreg.scatter [tilespmem:s0], [sflag:$0x4], $0x80, v3, vm0, $0xb8;
	[tilespmem:$0x18800] =	vst v63  }
0x2ab: {  	s0 =	simm.s32 $0x3800  }
0x2ac: {  	[hbm4b:s9+s3] =	stream.indirect_vreg.scatter [tilespmem:s0], [sflag:$0x4], $0x80, v3, vm0, $0xb8;
	[tilespmem:$0x18800] =	vst v63  }
0x2ad: {  	s0 =	simm.s32 $0x4000  }
0x2ae: {  	[hbm4b:s10+s3] =	stream.indirect_vreg.scatter [tilespmem:s0], [sflag:$0x4], $0x80, v3, vm0, $0xb8;
	[tilespmem:$0x18800] =	vst v63  }
0x2af: {  	v3 =	vld [tilespmem:$0x710];
	_ =	sdelay $0x4  }
0x2b0: {  	v61 =	vshll.u32 v3, $0x3  }
0x2b1: {  	v3 =	vand.u32 $0x7, v3;
	v4 =	vand.u32 $0xFFFFFFC0, v61  }
0x2b2: {  	v3 =	vor.u32 v3, v4  }
0x2b3: {  	v4 =	vperm.xlane v3, v0;
	_ =	sdelay $0x1  }
0x2b4: {  	v4 =	vadd.s32 v1, v4;
	_ =	sdelay $0x3  }
0x2b5: {  	s0 =	simm.s32 $0x4800  }
0x2b6: {  	[hbm4b:s4+s3] =	stream.indirect_vreg.scatter [tilespmem:s0], [sflag:$0x4], $0x80, v4, vm0, $0xb8;
	[tilespmem:$0x18800] =	vst v63  }
0x2b7: {  	v3 =	vperm.xlane v3, v2;
	s0 =	simm.s32 $0x5000  }
0x2b8: {  	[hbm4b:s8+s3] =	stream.indirect_vreg.scatter [tilespmem:s0], [sflag:$0x4], $0x80, v4, vm0, $0xb8;
	[tilespmem:$0x18800] =	vst v63  }
0x2b9: {  	v3 =	vadd.s32 v1, v3;
	s0 =	simm.s32 $0x5800  }
0x2ba: {  	[hbm4b:s9+s3] =	stream.indirect_vreg.scatter [tilespmem:s0], [sflag:$0x4], $0x80, v4, vm0, $0xb8;
	[tilespmem:$0x18800] =	vst v63  }
0x2bb: {  	s0 =	simm.s32 $0x6000  }
0x2bc: {  	[hbm4b:s10+s3] =	stream.indirect_vreg.scatter [tilespmem:s0], [sflag:$0x4], $0x80, v4, vm0, $0xb8;
	[tilespmem:$0x18800] =	vst v63  }
0x2bd: {  	s0 =	simm.s32 $0x6800  }
0x2be: {  	[hbm4b:s4+s3] =	stream.indirect_vreg.scatter [tilespmem:s0], [sflag:$0x4], $0x80, v3, vm0, $0xb8;
	[tilespmem:$0x18800] =	vst v63  }
0x2bf: {  	s0 =	simm.s32 $0x7000  }
0x2c0: {  	[hbm4b:s8+s3] =	stream.indirect_vreg.scatter [tilespmem:s0], [sflag:$0x4], $0x80, v3, vm0, $0xb8;
	[tilespmem:$0x18800] =	vst v63  }
0x2c1: {  	s0 =	simm.s32 $0x7800  }
0x2c2: {  	[hbm4b:s9+s3] =	stream.indirect_vreg.scatter [tilespmem:s0], [sflag:$0x4], $0x80, v3, vm0, $0xb8;
	[tilespmem:$0x18800] =	vst v63  }
0x2c3: {  	s0 =	simm.s32 $0x8000  }
0x2c4: {  	[hbm4b:s10+s3] =	stream.indirect_vreg.scatter [tilespmem:s0], [sflag:$0x4], $0x80, v3, vm0, $0xb8;
	[tilespmem:$0x18800] =	vst v63  }
0x2c5: {  	_ =	swait.ge [sflag:s28], $0x8000  }
0x2c6: {  	[sflag:s28] =	ssyncset.done $0x0  }
0x2c7: {  	[sflag:s28] =	ssyncadd.s32 $0xFFFF8000  }
0x2c8: {  	v3 =	vld [tilespmem:$0x780];
	_ =	sdelay $0x4  }
0x2c9: {  	v62 =	vshll.u32 v3, $0x3  }
0x2ca: {  	v3 =	vand.u32 $0x7, v3;
	v4 =	vand.u32 $0xFFFFFFC0, v62  }
0x2cb: {  	v3 =	vor.u32 v3, v4  }
0x2cc: {  	v4 =	vperm.xlane v3, v0;
	_ =	sdelay $0x1  }
0x2cd: {  	v4 =	vadd.s32 v1, v4;
	_ =	sdelay $0x3  }
0x2ce: {  	s21 =	simm.s32 $0x8800  }
0x2cf: {  	[hbm4b:s4+s3] =	stream.indirect_vreg.scatter [tilespmem:s21], [sflag:$0x5], $0x80, v4, vm0, $0xb8;
	[tilespmem:$0x18800] =	vst v63  }
0x2d0: {  	s22 =	simm.s32 $0x9000;
	v3 =	vperm.xlane v3, v2  }
0x2d1: {  	[hbm4b:s8+s3] =	stream.indirect_vreg.scatter [tilespmem:s22], [sflag:$0x5], $0x80, v4, vm0, $0xb8;
	[tilespmem:$0x18800] =	vst v63  }
0x2d2: {  	s31 =	simm.s32 $0x9800;
	v3 =	vadd.s32 v1, v3  }
0x2d3: {  	[hbm4b:s9+s3] =	stream.indirect_vreg.scatter [tilespmem:s31], [sflag:$0x5], $0x80, v4, vm0, $0xb8;
	[tilespmem:$0x18800] =	vst v63  }
0x2d4: {  	s12 =	simm.s32 $0xA000  }
0x2d5: {  	[hbm4b:s10+s3] =	stream.indirect_vreg.scatter [tilespmem:s12], [sflag:$0x5], $0x80, v4, vm0, $0xb8;
	[tilespmem:$0x18800] =	vst v63  }
0x2d6: {  	s13 =	simm.s32 $0xA800  }
0x2d7: {  	[hbm4b:s4+s3] =	stream.indirect_vreg.scatter [tilespmem:s13], [sflag:$0x5], $0x80, v3, vm0, $0xb8;
	[tilespmem:$0x18800] =	vst v63  }
0x2d8: {  	s14 =	simm.s32 $0xB000  }
0x2d9: {  	[hbm4b:s8+s3] =	stream.indirect_vreg.scatter [tilespmem:s14], [sflag:$0x5], $0x80, v3, vm0, $0xb8;
	[tilespmem:$0x18800] =	vst v63  }
0x2da: {  	s15 =	simm.s32 $0xB800  }
0x2db: {  	[hbm4b:s9+s3] =	stream.indirect_vreg.scatter [tilespmem:s15], [sflag:$0x5], $0x80, v3, vm0, $0xb8;
	[tilespmem:$0x18800] =	vst v63  }
0x2dc: {  	s23 =	simm.s32 $0xC000  }
0x2dd: {  	[hbm4b:s10+s3] =	stream.indirect_vreg.scatter [tilespmem:s23], [sflag:$0x5], $0x80, v3, vm0, $0xb8;
	[tilespmem:$0x18800] =	vst v63  }
0x2de: {  	v3 =	vld [tilespmem:$0x790];
	_ =	sdelay $0x4  }
0x2df: {  	v63 =	vshll.u32 v3, $0x3  }
0x2e0: {  	v3 =	vand.u32 $0x7, v3;
	v4 =	vand.u32 $0xFFFFFFC0, v63  }
0x2e1: {  	v3 =	vor.u32 v3, v4  }
0x2e2: {  	v4 =	vperm.xlane v3, v0;
	_ =	sdelay $0x1  }
0x2e3: {  	v4 =	vadd.s32 v1, v4;
	_ =	sdelay $0x3  }
0x2e4: {  	s24 =	simm.s32 $0xC800  }
0x2e5: {  	[hbm4b:s4+s3] =	stream.indirect_vreg.scatter [tilespmem:s24], [sflag:$0x5], $0x80, v4, vm0, $0xb8;
	[tilespmem:$0x18800] =	vst v63  }
0x2e6: {  	s29 =	simm.s32 $0xD000;
	v3 =	vperm.xlane v3, v2  }
0x2e7: {  	[hbm4b:s8+s3] =	stream.indirect_vreg.scatter [tilespmem:s29], [sflag:$0x5], $0x80, v4, vm0, $0xb8;
	[tilespmem:$0x18800] =	vst v63  }
0x2e8: {  	s16 =	simm.s32 $0xD800;
	v3 =	vadd.s32 v1, v3  }
0x2e9: {  	[hbm4b:s9+s3] =	stream.indirect_vreg.scatter [tilespmem:s16], [sflag:$0x5], $0x80, v4, vm0, $0xb8;
	[tilespmem:$0x18800] =	vst v63  }
0x2ea: {  	s17 =	simm.s32 $0xE000  }
0x2eb: {  	[hbm4b:s10+s3] =	stream.indirect_vreg.scatter [tilespmem:s17], [sflag:$0x5], $0x80, v4, vm0, $0xb8;
	[tilespmem:$0x18800] =	vst v63  }
0x2ec: {  	s18 =	simm.s32 $0xE800  }
0x2ed: {  	[hbm4b:s4+s3] =	stream.indirect_vreg.scatter [tilespmem:s18], [sflag:$0x5], $0x80, v3, vm0, $0xb8;
	[tilespmem:$0x18800] =	vst v63  }
0x2ee: {  	s19 =	simm.s32 $0xF000  }
0x2ef: {  	[hbm4b:s8+s3] =	stream.indirect_vreg.scatter [tilespmem:s19], [sflag:$0x5], $0x80, v3, vm0, $0xb8;
	[tilespmem:$0x18800] =	vst v63  }
0x2f0: {  	s20 =	simm.s32 $0xF800  }
0x2f1: {  	[hbm4b:s9+s3] =	stream.indirect_vreg.scatter [tilespmem:s20], [sflag:$0x5], $0x80, v3, vm0, $0xb8;
	[tilespmem:$0x18800] =	vst v63  }
0x2f2: {  	s30 =	simm.s32 $0x10000  }
0x2f3: {  	[hbm4b:s10+s3] =	stream.indirect_vreg.scatter [tilespmem:s30], [sflag:$0x5], $0x80, v3, vm0, $0xb8;
	[tilespmem:$0x18800] =	vst v63  }
0x2f4: {  	_ =	swait.ge [sflag:s26], $0x8000  }
0x2f5: {  	[sflag:s26] =	ssyncset.done $0x0  }
0x2f6: {  	[sflag:s26] =	ssyncadd.s32 $0xFFFF8000  }
0x2f7: {  	_ =	swait.ge [sflag:s11], $0x8000  }
0x2f8: {  	s31 =	rddreg [dreg:$0x6]  }
0x2f9: {  	p0 =	sne.s32 s31, $0x1  }
.Ltmp0:
0x2fa: {  	[sflag:s11] =	ssyncset.done $0x0;
	(pc) =	sbr.rel @p0 .LBB2_1-.Ltmp0, $4  }
0x2fb: {  	[sflag:s11] =	ssyncadd.s32 $0xFFFF8000  }
0x2fc: {  	_ =	swait.ge [sflag:s1], $0x8000  }
0x2fd: {  	[sflag:s1] =	ssyncset.done $0x0  }
0x2fe: {  	s11 =	sadd.s32 $0xFFFFFFFF, s31;
	[sflag:s1] =	ssyncadd.s32 $0xFFFF8000  }
0x2ff: {  	_ =	sfence.sel $0x180000  }
0x300: {  	[bflag:$0x0] =	sbarrier.arrive $0xFFFF  }
0x301: {  	_ =	strace $0x9000004A  }
0x302: {  	s0 =	stileid.u32;
	[bflag:$0x2] =	sbarrier.arrive $0xFFFF  }
0x303: {  	p0 =	sne.s32 s0, $0x0;
	s0 =	rddreg [dreg:$0x2]  }
0x304: {  	s0 =	sadd.s32 @!p0 $0x100000, s0  }
0x305: {  	[sflag:s0] =	ssyncadd.tile.s32 @!p0 $0x1;
	_ =	shalt  }
.Lfunc_end2:
_tile_overlayer_lowered:
.L_overlay_start_2:
0x306: {  	(tag) =	ssettag $0x2  }
0x307: {  	s0 =	rddreg [dreg:$0x0];
	s2 =	stileid.u32  }
0x308: {  	s1 =	rddreg [dreg:$0x1];
	p0 =	sne.s32 s2, $0x0  }
0x309: {  	s3 =	rddreg [dreg:$0x2];
	[bflag:$0x3] =	sbarrier.arrive $0xFFFF;
	s2 =	simm.s32 @!p0 $0x1C07  }
0x30a: {  	[timem:s3], [sflag:s2] =	dma.local @!p0 [hbm:s0], s1  }
0x30b: {  	s0 =	simm.s32 @!p0 $0x7  }
0x30c: {  	_ =	swait.ge @!p0 [sflag:s0], s1  }
0x30d: {  	s1 =	ssub.s32 @!p0 $0x0, s1;
	[sflag:s0] =	ssyncset.done @!p0 $0x0  }
0x30e: {  	[sflag:s0] =	ssyncadd.s32 @!p0 s1  }
0x30f: {  	[bflag:$0x3] =	sbarrier.arrive $0xFFFF  }
0x310: {  	_ =	shalt  }

// kernel: kernel.13.cloned.1.call-start
scs
__scs_entry_jumppad:
0x0: {  	(pc) =	sbr.rel $0x88, $3  }
0x1: {  	(tag) =	ssettag $0x0;
	lr =	simm.s32 $0x1  }
0x2: {  	[smem:$0x3F9A] =	sst lr;
	_ =	strace $0xD0000000  }
0x3: {  	_ = 	snop  }
0x4: {  	_ = 	snop  }
0x5: {  	_ = 	snop  }
0x6: {  	_ = 	snop  }
0x7: {  	_ = 	snop  }
__scs_overlays_trampoline_lowered:
0x8: {  	[smem:$0x3FA9] =	sst s0  }
0x9: {  	[smem:$0x3FAA] =	sst s1  }
0xa: {  	[smem:$0x3FAB] =	sst s2  }
0xb: {  	[smem:$0x3FAC] =	sst s3  }
0xc: {  	[smem:$0x3FAD] =	sst s4  }
0xd: {  	[smem:$0x3FAE] =	sst s5  }
0xe: {  	[smem:$0x3FAF] =	sst s6  }
0xf: {  	[smem:$0x3FB0] =	sst s7  }
0x10: {  	[smem:$0x3FB1] =	sst s8  }
0x11: {  	[smem:$0x3FB2] =	sst s9;
	s0 =	simm.s32 @!p0 $0x0  }
0x12: {  	s1 =	sld [smem:$0x3F98];
	s0 =	simm.s32 @p0 $0x1  }
0x13: {  	[smem:$0x3FB3] =	sst s0;
	s0 =	simm.s32 @!p1 $0x0  }
0x14: {  	s2 =	sld [smem:$0x3F97];
	s0 =	simm.s32 @p1 $0x1  }
0x15: {  	[smem:$0x3FB4] =	sst s0;
	s0 =	simm.s32 @!p2 $0x0  }
0x16: {  	s3 =	sld [smem:$0x3FDB];
	s0 =	simm.s32 @p2 $0x1  }
0x17: {  	s4 =	simm.s32 $0x1BF5;
	[smem:$0x3FB6] =	sst s0  }
0x18: {  	s0 =	sld [smem:$0x3F99];
	_ =	swait.ge [sflag:s4], $0x0  }
0x19: {  	s7 =	sld [smem:$0x3F9A]  }
0x1a: {  	s8 =	sadd.s32 $0xFFFFE003, lr  }
0x1b: {  	s9 =	sadd.s32 $0xFFFFFEF7, lr;
	s5 =	simm.s32 $0xFFFFFFFF;
	p2 =	slt.u32 s8, $0xFFFFF086  }
0x1c: {  	p1 =	slt.u32 s9, $0xF7A;
	s5 =	simm.s32 @!p2 $0x0  }
0x1d: {  	s5 =	simm.s32 @p1 $0x1;
	p0 =	seq.s32 s7, s2  }
0x1e: {  	s7 =	smul.u32 @!p0 $0xF7A, s2;
	p2 =	seq.s32 @!p0 s5, $0x0  }
0x1f: {  	s9 =	smul.u32 $0xF7A, s1;
	s8 =	simm.s32 @!p0 $0x1BF5;
	p2 =	por !p2, p0  }
0x20: {  	[sflag:s8] =	ssyncset.s32 @!p0 $0xFFFFF086;
	s6 =	sadd.s32 @!p0 s3, s7;
	s7 =	simm.s32 @!p0 $0x108  }
0x21: {  	s3 =	sadd.s32 s3, s9;
	s6 =	sadd.s32 @!p0 $0x88, s6;
	s7 =	simm.s32 @p2 $0x1082  }
0x22: {  	[simem:s7], [sflag:s8] =	dma.local @!p0 [hbm:s6], $0xF7A  }
0x23: {  	s9 =	sor.u32 $0xD0000000, s2;
	s6 =	simm.s32 $0x108;
	_ =	swait.ge @!p0 [sflag:s8], $0x0  }
0x24: {  	s3 =	sadd.s32 $0x88, s3;
	s6 =	simm.s32 @!p1 $0x1082;
	[sflag:s4] =	ssyncset.s32 $0xFFFFF086  }
0x25: {  	[simem:s6], [sflag:s4] =	dma.local [hbm:s3], $0xF7A  }
0x26: {  	[smem:$0x3F9A] =	sst s1;
	(tag) =	ssettag s2;
	_ =	strace s9  }
0x27: {  	s1 =	sld [smem:$0x3FAA]  }
0x28: {  	s2 =	sld [smem:$0x3FAB]  }
0x29: {  	s4 =	sld [smem:$0x3FAD]  }
0x2a: {  	p0 =	seq.s32 s5, $0x0;
	s5 =	sld [smem:$0x3FAE]  }
0x2b: {  	s6 =	sld [smem:$0x3FAF]  }
0x2c: {  	s7 =	sld [smem:$0x3FB0]  }
0x2d: {  	s3 =	simm.s32 $0x108;
	s8 =	sld [smem:$0x3FB1]  }
0x2e: {  	s3 =	simm.s32 @!p0 $0x1082;
	s9 =	sld [smem:$0x3FB2]  }
0x2f: {  	lr =	sadd.s32 s0, s3;
	s0 =	sld [smem:$0x3FA9]  }
0x30: {  	s3 =	sld [smem:$0x3FAC]  }
0x31: {  	[smem:$0x3FB5] =	sst s10  }
0x32: {  	s10 =	sld [smem:$0x3FB3];
	_ =	sdelay $0x3  }
0x33: {  	p0 =	seq.s32 s10, $0x1;
	s10 =	sld [smem:$0x3FB5];
	_ =	sdelay $0x3  }
0x34: {  	[smem:$0x3FB5] =	sst s10  }
0x35: {  	s10 =	sld [smem:$0x3FB4];
	_ =	sdelay $0x3  }
0x36: {  	p1 =	seq.s32 s10, $0x1;
	s10 =	sld [smem:$0x3FB5];
	_ =	sdelay $0x3  }
0x37: {  	[smem:$0x3FB5] =	sst s10  }
0x38: {  	s10 =	sld [smem:$0x3FB6]  }
0x39: {  	_ = 	snop;
	(pc) =	sbr.ind lr, $3  }
0x3a: {  	_ = 	snop  }
0x3b: {  	_ = 	snop  }
0x3c: {  	p2 =	seq.s32 s10, $0x1;
	s10 =	sld [smem:$0x3FB5]  }
0x3d: {  	_ =	shalt  }
0x3e: {  	_ =	shalt  }
0x3f: {  	_ =	shalt  }
0x40: {  	_ =	shalt  }
0x41: {  	_ =	shalt  }
0x42: {  	_ =	shalt  }
0x43: {  	_ =	shalt  }
0x44: {  	_ =	shalt  }
0x45: {  	_ =	shalt  }
0x46: {  	_ =	shalt  }
0x47: {  	_ =	shalt  }
0x48: {  	_ =	shalt  }
0x49: {  	_ =	shalt  }
0x4a: {  	_ =	shalt  }
0x4b: {  	_ =	shalt  }
0x4c: {  	_ =	shalt  }
0x4d: {  	_ =	shalt  }
0x4e: {  	_ =	shalt  }
0x4f: {  	_ =	shalt  }
0x50: {  	_ =	shalt  }
0x51: {  	_ =	shalt  }
0x52: {  	_ =	shalt  }
0x53: {  	_ =	shalt  }
0x54: {  	_ =	shalt  }
0x55: {  	_ =	shalt  }
0x56: {  	_ =	shalt  }
0x57: {  	_ =	shalt  }
0x58: {  	_ =	shalt  }
0x59: {  	_ =	shalt  }
0x5a: {  	_ =	shalt  }
0x5b: {  	_ =	shalt  }
0x5c: {  	_ =	shalt  }
0x5d: {  	_ =	shalt  }
0x5e: {  	_ =	shalt  }
0x5f: {  	_ =	shalt  }
0x60: {  	_ =	shalt  }
0x61: {  	_ =	shalt  }
0x62: {  	_ =	shalt  }
0x63: {  	_ =	shalt  }
0x64: {  	_ =	shalt  }
0x65: {  	_ =	shalt  }
0x66: {  	_ =	shalt  }
0x67: {  	_ =	shalt  }
0x68: {  	_ =	shalt  }
0x69: {  	_ =	shalt  }
0x6a: {  	_ =	shalt  }
0x6b: {  	_ =	shalt  }
0x6c: {  	_ =	shalt  }
0x6d: {  	_ =	shalt  }
0x6e: {  	_ =	shalt  }
0x6f: {  	_ =	shalt  }
0x70: {  	_ =	shalt  }
0x71: {  	_ =	shalt  }
0x72: {  	_ =	shalt  }
0x73: {  	_ =	shalt  }
0x74: {  	_ =	shalt  }
0x75: {  	_ =	shalt  }
0x76: {  	_ =	shalt  }
0x77: {  	_ =	shalt  }
0x78: {  	_ =	shalt  }
0x79: {  	_ =	shalt  }
0x7a: {  	_ =	shalt  }
0x7b: {  	_ =	shalt  }
0x7c: {  	_ =	shalt  }
0x7d: {  	_ =	shalt  }
0x7e: {  	_ =	shalt  }
0x7f: {  	_ =	shalt  }
0x80: {  	_ =	shalt  }
0x81: {  	_ =	shalt  }
0x82: {  	_ =	shalt  }
0x83: {  	_ =	shalt  }
0x84: {  	_ =	shalt  }
0x85: {  	_ =	shalt  }
0x86: {  	_ =	shalt  }
0x87: {  	_ =	shalt  }
.Lfunc_end0:
.L_simem_size_0:
called_computation.2_lowered:
.L_overlay_start_0:
0x88: {  	s2 =	sld [smem:$0x3FD9]  }
0x89: {  	s3 =	sld [smem:$0x3FFE];
	_ =	sdelay $0x1  }
0x8a: {  	s1 =	srdreg.scid  }
0x8b: {  	s0 =	sand.u32 $0x1, s1  }
0x8c: {  	s17 =	sshll.u32 s0, $0xA;
	s2 =	sadd.s32 s3, s2  }
0x8d: {  	s2 =	sadd.s32 s2, s17  }
0x8e: {  	[smem:$0x3FC1] =	sst s2  }
0x8f: {  	_ = 	snop  }
0x90: {  	s2 =	sld [smem:$0x3FD0];
	(tm) =	ssettm $0x1  }
0x91: {  	s18 =	sld [smem:$0x3FFB];
	_ =	sdelay $0x3  }
0x92: {  	_ =	strace s18  }
0x93: {  	s3 =	sld [smem:$0x3FFC];
	_ =	sdelay $0x3  }
0x94: {  	_ =	strace s3  }
0x95: {  	s3 =	sld [smem:$0x3FFD];
	_ =	sdelay $0x3  }
0x96: {  	_ =	strace s3  }
0x97: {  	_ =	strace $0x8FFFFFFF  }
0x98: {  	s19 =	sld [smem:$0x3FDB];
	_ =	sdelay $0x1  }
0x99: {  	s4 =	simm.s32 $_scs_section_size  }
0x9a: {  	s5 =	simm.s32 $_size__tile_overlayer_lowered;
	s6 =	simm.s32 $_tile_overlayer_lowered  }
0x9b: {  	s22 =	simm.s32 $0x1BFF;
	s21 =	sshll.u32 s6, $0x1;
	s3 =	sadd.s32 s4, s19  }
0x9c: {  	s7 =	simm.s32 $0x0;
	s20 =	sshll.u32 s5, $0x1;
	s5 =	sadd.s32 s21, s3  }
0x9d: {  	[timem:s7], [sflag:s22] =	dma.local [hbm:s5], s20  }
0x9e: {  	_ =	swait.ge [sflag:s22], s20  }
0x9f: {  	s4 =	ssub.s32 $0x0, s20;
	[sflag:s22] =	ssyncset.done $0x0  }
0xa0: {  	[sflag:s22] =	ssyncadd.s32 s4;
	_ =	sdelay $0x1  }
0xa1: {  	s23 =	simm.s32 $0x1B8B  }
0xa2: {  	_ =	swait.ge [sflag:s23], $0x1  }
0xa3: {  	[sflag:s23] =	ssyncset.done $0x0  }
0xa4: {  	s25 =	simm.s32 $0x1B8E;
	s24 =	sld [smem:$0x3FFE];
	[sflag:s23] =	ssyncadd.s32 $0xFFFFFFFF  }
0xa5: {  	s26 =	simm.s32 $execute0_lowered;
	[smem:$0x3FD2] =	sst s25  }
0xa6: {  	s5 =	sshll.u32 s26, $0x1;
	_ =	strace $0x8000004C;
	[dreg:$0x1] =	wrdreg $0xFFFFFFFF  }
0xa7: {  	s28 =	simm.s32 $_size_execute0_lowered;
	s3 =	sadd.s32 s3, s5;
	[dreg:$0x0] =	wrdreg $0x0  }
0xa8: {  	s5 =	sshll.u32 s28, $0x1;
	[dreg:$0x2] =	wrdreg s3  }
0xa9: {  	[dreg:$0x3] =	wrdreg s5  }
0xaa: {  	[dreg:$0x4] =	wrdreg $0xC0  }
0xab: {  	_ =	task [dreg:s7], $0x5FFFF  }
0xac: {  	[dreg:$0x1] =	wrdreg $0xFFFFFFFF  }
0xad: {  	[dreg:$0x0] =	wrdreg $0x60  }
0xae: {  	[dreg:$0x2] =	wrdreg s24  }
0xaf: {  	[dreg:$0x3] =	wrdreg s2  }
0xb0: {  	[dreg:$0x4] =	wrdreg $0x9  }
0xb1: {  	_ =	task.clear_ibuf [dreg:s7], $0x5FFFF;
	_ =	strace $0x9000004C  }
0xb2: {  	s29 =	simm.s32 $0x9;
	_ =	strace $0x8000004E  }
0xb3: {  	_ =	swait.ge [sflag:s29], $0x1  }
0xb4: {  	[sflag:s29] =	ssyncadd.s32 $0xFFFFFFFF  }
0xb5: {  	_ =	strace $0x9000004E  }
0xb6: {  	_ =	sfence  }
0xb7: {  	s30 =	sld [smem:$0x0];
	_ =	sdelay $0x2  }
0xb8: {  	s31 =	sshll.u32 s1, $0xD;
	s1 =	sshrl.u32 s1, $0x2  }
0xb9: {  	s3 =	sand.u32 $0x4000, s31;
	s1 =	sadd.s32 s1, s30  }
0xba: {  	s0 =	sor.u32 s3, s0;
	s1 =	sshll.u32 s1, $0x11  }
0xbb: {  	s0 =	sor.u32 s1, s0  }
0xbc: {  	s0 =	sadd.s32 $0x8F2B, s0  }
0xbd: {  	[sflag:s0] =	ssyncadd.remote.s32 $0x1  }
0xbe: {  	_ =	sfence.sel $0xFFFF  }
0xbf: {  	[dreg:$0x0] =	wrdreg $0xFFFFFFFF;
	(pc) =	sbr.abs _section_cstart, $3  }
0xc0: {  	[dreg:$0x1] =	wrdreg $0xFFFFFFFF  }
0xc1: {  	_ =	task.clear_ibuf [dreg:s7], $0x2FFFF;
	_ =	strace $0x9FFFFFFF  }
0xc2: {  	(tm) =	ssettm $0x7FFFFFFF  }
0xc3: {  	_ =	shalt  }
tec
execute0_lowered:
.L_overlay_start_1:
0x0: {  	(tag) =	ssettag $0x1  }
0x1: {  	s4 =	rddreg [dreg:$0x0]  }
0x2: {  	s6 =	rddreg [dreg:$0x1]  }
0x3: {  	s0 =	rddreg [dreg:$0x2]  }
0x4: {  	s2 =	simm.s32 $0x0;
	s1 =	stileid.u32;
	s3 =	srdreg.scid  }
0x5: {  	s12 =	simm.s32 $0x2900;
	s13 =	simm.s32 $0x2A00;
	[smem:$0x7FF] =	sst s2  }
0x6: {  	v0 =	vlaneseq.u32;
	s5 =	sand.u32 $0x1, s3;
	s30 =	sshll.u32 s1, $0x1;
	s7 =	sshll.u32 s1, $0x6  }
0x7: {  	s3 =	sadd.s32 $0x2400, s4;
	v0 =	vmul.u32 $0x2, v0;
	_ =	strace $0x8000004D;
	s8 =	sor.u32 s5, s30  }
0x8: {  	s7 =	sand.u32 $0x300, s7;
	s5 =	ssub.s32 $0x2, s5;
	s9 =	sshll.u32 s8, $0x4  }
0x9: {  	s7 =	sadd.s32 s7, s4;
	s8 =	sshll.u32 s8, $0x5;
	s11 =	sshrl.u32 s5, $0x1;
	v1 =	vor.u32 $0x1, v0;
	v2 =	vor.u32 $0x20, v0;
	v3 =	vor.u32 $0x21, v0  }
0xa: {  	v4 =	vor.u32 $0x40, v0;
	v5 =	vor.u32 $0x41, v0;
	v6 =	vor.u32 $0x60, v0;
	s10 =	sand.u32 $0x70, s9;
	s8 =	sadd.s32 s8, s4;
	s31 =	ssub.s32 s5, s11  }
0xb: {  	v7 =	vor.u32 $0x61, v0;
	v8 =	vor.u32 $0x80, v0;
	v9 =	vor.u32 $0x81, v0;
	s6 =	sadd.s32 s6, s9;
	s9 =	simm.s32 $0x80;
	s11 =	simm.s32 $0x2800  }
0xc: {  	v10 =	vor.u32 $0xA0, v0;
	v11 =	vor.u32 $0xA1, v0;
	v12 =	vor.u32 $0xC0, v0;
	s7 =	sadd.s32 s10, s7;
	s5 =	sadd.s32 $0x144400, s8;
	s8 =	simm.s32 $0x1  }
0xd: {  	v13 =	vor.u32 $0xC1, v0;
	v14 =	vor.u32 $0xE0, v0;
	v15 =	vor.u32 $0xE1, v0;
	s10 =	simm.s32 $0x400;
	s4 =	sadd.s32 $0x2000, s7;
	s7 =	smax.u32 s31, $0x1  }
.LBB2_1:
0xe: {  	[tilespmem:s2], [sflag:$0x1] =	stream.linear.gather [hbm4b:s3+s2], $0x2800, $0x38;
	[tilespmem:$0x2A80] =	vst v63  }
0xf: {  	_ =	swait.ge [sflag:s8], $0x2800  }
0x10: {  	[sflag:s8] =	ssyncset.done $0x0  }
0x11: {  	[sflag:s8] =	ssyncadd.s32 $0xFFFFD800  }
0x12: {  	[tilespmem:s11], [sflag:$0x1] =	stream.strided.gather [hbm4b:s4+s9], $0x100, s10, s9, $0x38;
	[tilespmem:$0x2A80] =	vst v63  }
0x13: {  	_ =	swait.ge [sflag:s8], $0x100  }
0x14: {  	[sflag:s8] =	ssyncset.done $0x0  }
0x15: {  	[sflag:s8] =	ssyncadd.s32 $0xFFFFFF00  }
0x16: {  	[tilespmem:s12], [sflag:$0x1] =	stream.linear.gather [hbm4b:s5+s2], $0x100, $0x38;
	[tilespmem:$0x2A80] =	vst v63  }
0x17: {  	_ =	swait.ge [sflag:s8], $0x100  }
0x18: {  	[sflag:s8] =	ssyncset.done $0x0  }
0x19: {  	[sflag:s8] =	ssyncadd.s32 $0xFFFFFF00  }
0x1a: {  	v16 =	vld.idx.msk [tilespmem:v0+s11+$0x0], $0xffff  }
0x1b: {  	v17 =	vld.idx.msk [tilespmem:v1+s11+$0x0], $0xffff;
	_ =	sdelay $0x4  }
0x1c: {  	v18 =	vld.idx.msk [tilespmem:v0+s12+$0x0], $0xffff  }
0x1d: {  	v19 =	vld.idx.msk [tilespmem:v1+s12+$0x0], $0xffff  }
0x1e: {  	v16 =	vld.idx.msk [tilespmem:v16+s2+$0x0], $0xffff  }
0x1f: {  	v17 =	vld.idx.msk [tilespmem:v17+s2+$0x0], $0xffff;
	_ =	sdelay $0x4  }
0x20: {  	v16 =	vmul.f32 v16, v18;
	v17 =	vmul.f32 v17, v19;
	_ =	sdelay $0x1  }
0x21: {  	v16 =	vadd.f32 v17, v16;
	_ =	sdelay $0x1  }
0x22: {  	[tilespmem:$0x2A00] =	vst v16  }
0x23: {  	v16 =	vld.idx.msk [tilespmem:v2+s11+$0x0], $0xffff  }
0x24: {  	v17 =	vld.idx.msk [tilespmem:v3+s11+$0x0], $0xffff;
	_ =	sdelay $0x4  }
0x25: {  	v50 =	vld.idx.msk [tilespmem:v2+s12+$0x0], $0xffff  }
0x26: {  	v51 =	vld.idx.msk [tilespmem:v3+s12+$0x0], $0xffff  }
0x27: {  	v16 =	vld.idx.msk [tilespmem:v16+s2+$0x0], $0xffff  }
0x28: {  	v17 =	vld.idx.msk [tilespmem:v17+s2+$0x0], $0xffff;
	_ =	sdelay $0x4  }
0x29: {  	v16 =	vmul.f32 v16, v50;
	v17 =	vmul.f32 v17, v51;
	_ =	sdelay $0x1  }
0x2a: {  	v16 =	vadd.f32 v17, v16;
	_ =	sdelay $0x1  }
0x2b: {  	[tilespmem:$0x2A10] =	vst v16  }
0x2c: {  	v16 =	vld.idx.msk [tilespmem:v4+s11+$0x0], $0xffff  }
0x2d: {  	v17 =	vld.idx.msk [tilespmem:v5+s11+$0x0], $0xffff;
	_ =	sdelay $0x4  }
0x2e: {  	v52 =	vld.idx.msk [tilespmem:v4+s12+$0x0], $0xffff  }
0x2f: {  	v53 =	vld.idx.msk [tilespmem:v5+s12+$0x0], $0xffff  }
0x30: {  	v16 =	vld.idx.msk [tilespmem:v16+s2+$0x0], $0xffff  }
0x31: {  	v17 =	vld.idx.msk [tilespmem:v17+s2+$0x0], $0xffff;
	_ =	sdelay $0x4  }
0x32: {  	v16 =	vmul.f32 v16, v52;
	v17 =	vmul.f32 v17, v53;
	_ =	sdelay $0x1  }
0x33: {  	v16 =	vadd.f32 v17, v16;
	_ =	sdelay $0x1  }
0x34: {  	[tilespmem:$0x2A20] =	vst v16  }
0x35: {  	v16 =	vld.idx.msk [tilespmem:v6+s11+$0x0], $0xffff  }
0x36: {  	v17 =	vld.idx.msk [tilespmem:v7+s11+$0x0], $0xffff;
	_ =	sdelay $0x4  }
0x37: {  	v54 =	vld.idx.msk [tilespmem:v6+s12+$0x0], $0xffff  }
0x38: {  	v55 =	vld.idx.msk [tilespmem:v7+s12+$0x0], $0xffff  }
0x39: {  	v16 =	vld.idx.msk [tilespmem:v16+s2+$0x0], $0xffff  }
0x3a: {  	v17 =	vld.idx.msk [tilespmem:v17+s2+$0x0], $0xffff;
	_ =	sdelay $0x4  }
0x3b: {  	v16 =	vmul.f32 v16, v54;
	v17 =	vmul.f32 v17, v55;
	_ =	sdelay $0x1  }
0x3c: {  	v16 =	vadd.f32 v17, v16;
	_ =	sdelay $0x1  }
0x3d: {  	[tilespmem:$0x2A30] =	vst v16  }
0x3e: {  	v16 =	vld.idx.msk [tilespmem:v8+s11+$0x0], $0xffff  }
0x3f: {  	v17 =	vld.idx.msk [tilespmem:v9+s11+$0x0], $0xffff;
	_ =	sdelay $0x4  }
0x40: {  	v56 =	vld.idx.msk [tilespmem:v8+s12+$0x0], $0xffff  }
0x41: {  	v57 =	vld.idx.msk [tilespmem:v9+s12+$0x0], $0xffff  }
0x42: {  	v16 =	vld.idx.msk [tilespmem:v16+s2+$0x0], $0xffff  }
0x43: {  	v17 =	vld.idx.msk [tilespmem:v17+s2+$0x0], $0xffff;
	_ =	sdelay $0x4  }
0x44: {  	v16 =	vmul.f32 v16, v56;
	v17 =	vmul.f32 v17, v57;
	_ =	sdelay $0x1  }
0x45: {  	v16 =	vadd.f32 v17, v16;
	_ =	sdelay $0x1  }
0x46: {  	[tilespmem:$0x2A40] =	vst v16  }
0x47: {  	v16 =	vld.idx.msk [tilespmem:v10+s11+$0x0], $0xffff  }
0x48: {  	v17 =	vld.idx.msk [tilespmem:v11+s11+$0x0], $0xffff;
	_ =	sdelay $0x4  }
0x49: {  	v58 =	vld.idx.msk [tilespmem:v10+s12+$0x0], $0xffff  }
0x4a: {  	v59 =	vld.idx.msk [tilespmem:v11+s12+$0x0], $0xffff  }
0x4b: {  	v16 =	vld.idx.msk [tilespmem:v16+s2+$0x0], $0xffff  }
0x4c: {  	v17 =	vld.idx.msk [tilespmem:v17+s2+$0x0], $0xffff;
	_ =	sdelay $0x4  }
0x4d: {  	v16 =	vmul.f32 v16, v58;
	v17 =	vmul.f32 v17, v59;
	_ =	sdelay $0x1  }
0x4e: {  	v16 =	vadd.f32 v17, v16;
	_ =	sdelay $0x1  }
0x4f: {  	[tilespmem:$0x2A50] =	vst v16  }
0x50: {  	v16 =	vld.idx.msk [tilespmem:v12+s11+$0x0], $0xffff  }
0x51: {  	v17 =	vld.idx.msk [tilespmem:v13+s11+$0x0], $0xffff;
	_ =	sdelay $0x4  }
0x52: {  	v60 =	vld.idx.msk [tilespmem:v12+s12+$0x0], $0xffff  }
0x53: {  	v61 =	vld.idx.msk [tilespmem:v13+s12+$0x0], $0xffff  }
0x54: {  	v16 =	vld.idx.msk [tilespmem:v16+s2+$0x0], $0xffff  }
0x55: {  	v17 =	vld.idx.msk [tilespmem:v17+s2+$0x0], $0xffff;
	_ =	sdelay $0x4  }
0x56: {  	v16 =	vmul.f32 v16, v60;
	v17 =	vmul.f32 v17, v61;
	_ =	sdelay $0x1  }
0x57: {  	v16 =	vadd.f32 v17, v16;
	_ =	sdelay $0x1  }
0x58: {  	[tilespmem:$0x2A60] =	vst v16  }
0x59: {  	v16 =	vld.idx.msk [tilespmem:v14+s11+$0x0], $0xffff  }
0x5a: {  	v17 =	vld.idx.msk [tilespmem:v15+s11+$0x0], $0xffff;
	_ =	sdelay $0x4  }
0x5b: {  	v62 =	vld.idx.msk [tilespmem:v14+s12+$0x0], $0xffff  }
0x5c: {  	v63 =	vld.idx.msk [tilespmem:v15+s12+$0x0], $0xffff  }
0x5d: {  	v16 =	vld.idx.msk [tilespmem:v16+s2+$0x0], $0xffff  }
0x5e: {  	v17 =	vld.idx.msk [tilespmem:v17+s2+$0x0], $0xffff;
	_ =	sdelay $0x4  }
0x5f: {  	v16 =	vmul.f32 v16, v62;
	v17 =	vmul.f32 v17, v63;
	_ =	sdelay $0x1  }
0x60: {  	v16 =	vadd.f32 v17, v16  }
0x61: {  	p0 =	sne.s32 s7, $0x1  }
.Ltmp0:
0x62: {  	[tilespmem:$0x2A70] =	vst v16;
	(pc) =	sbr.rel @p0 .LBB2_1-.Ltmp0, $4  }
0x63: {  	[hbm4b:s6+s2] =	stream.linear.scatter [tilespmem:s13], [sflag:$0x1], $0x80, $0x38;
	[tilespmem:$0x2A80] =	vst v63  }
0x64: {  	_ =	swait.ge [sflag:s8], $0x80  }
0x65: {  	[sflag:s8] =	ssyncset.done $0x0  }
0x66: {  	s7 =	sadd.s32 $0xFFFFFFFF, s7;
	[sflag:s8] =	ssyncadd.s32 $0xFFFFFF80  }
0x67: {  	_ =	sfence.sel $0x180000  }
0x68: {  	[bflag:$0x0] =	sbarrier.arrive $0xFFFF  }
0x69: {  	p0 =	sne.s32 s1, $0x0;
	_ =	strace $0x9000004D  }
0x6a: {  	s0 =	sadd.s32 @!p0 $0x100000, s0;
	[bflag:$0x2] =	sbarrier.arrive $0xFFFF  }
0x6b: {  	[sflag:s0] =	ssyncadd.tile.s32 @!p0 $0x1;
	_ =	shalt  }
.Lfunc_end2:
_tile_overlayer_lowered:
.L_overlay_start_2:
0x6c: {  	(tag) =	ssettag $0x2  }
0x6d: {  	s0 =	rddreg [dreg:$0x0];
	s2 =	stileid.u32  }
0x6e: {  	s1 =	rddreg [dreg:$0x1];
	p0 =	sne.s32 s2, $0x0  }
0x6f: {  	s3 =	rddreg [dreg:$0x2];
	[bflag:$0x3] =	sbarrier.arrive $0xFFFF;
	s2 =	simm.s32 @!p0 $0x1C01  }
0x70: {  	[timem:s3], [sflag:s2] =	dma.local @!p0 [hbm:s0], s1  }
0x71: {  	s0 =	simm.s32 @!p0 $0x1  }
0x72: {  	_ =	swait.ge @!p0 [sflag:s0], s1  }
0x73: {  	s1 =	ssub.s32 @!p0 $0x0, s1;
	[sflag:s0] =	ssyncset.done @!p0 $0x0  }
0x74: {  	[sflag:s0] =	ssyncadd.s32 @!p0 s1  }
0x75: {  	[bflag:$0x3] =	sbarrier.arrive $0xFFFF  }
0x76: {  	_ =	shalt  }

// kernel: kernel.7.cloned.1.call-start
scs
__scs_entry_jumppad:
0x0: {  	(pc) =	sbr.rel $0x88, $3  }
0x1: {  	(tag) =	ssettag $0x0;
	lr =	simm.s32 $0x1  }
0x2: {  	[smem:$0x3F9A] =	sst lr;
	_ =	strace $0xD0000000  }
0x3: {  	_ = 	snop  }
0x4: {  	_ = 	snop  }
0x5: {  	_ = 	snop  }
0x6: {  	_ = 	snop  }
0x7: {  	_ = 	snop  }
__scs_overlays_trampoline_lowered:
0x8: {  	[smem:$0x3FA9] =	sst s0  }
0x9: {  	[smem:$0x3FAA] =	sst s1  }
0xa: {  	[smem:$0x3FAB] =	sst s2  }
0xb: {  	[smem:$0x3FAC] =	sst s3  }
0xc: {  	[smem:$0x3FAD] =	sst s4  }
0xd: {  	[smem:$0x3FAE] =	sst s5  }
0xe: {  	[smem:$0x3FAF] =	sst s6  }
0xf: {  	[smem:$0x3FB0] =	sst s7  }
0x10: {  	[smem:$0x3FB1] =	sst s8  }
0x11: {  	[smem:$0x3FB2] =	sst s9;
	s0 =	simm.s32 @!p0 $0x0  }
0x12: {  	s1 =	sld [smem:$0x3F98];
	s0 =	simm.s32 @p0 $0x1  }
0x13: {  	[smem:$0x3FB3] =	sst s0;
	s0 =	simm.s32 @!p1 $0x0  }
0x14: {  	s2 =	sld [smem:$0x3F97];
	s0 =	simm.s32 @p1 $0x1  }
0x15: {  	[smem:$0x3FB4] =	sst s0;
	s0 =	simm.s32 @!p2 $0x0  }
0x16: {  	s3 =	sld [smem:$0x3FDB];
	s0 =	simm.s32 @p2 $0x1  }
0x17: {  	s4 =	simm.s32 $0x1BF5;
	[smem:$0x3FB6] =	sst s0  }
0x18: {  	s0 =	sld [smem:$0x3F99];
	_ =	swait.ge [sflag:s4], $0x0  }
0x19: {  	s7 =	sld [smem:$0x3F9A]  }
0x1a: {  	s8 =	sadd.s32 $0xFFFFE003, lr  }
0x1b: {  	s9 =	sadd.s32 $0xFFFFFEF7, lr;
	s5 =	simm.s32 $0xFFFFFFFF;
	p2 =	slt.u32 s8, $0xFFFFF086  }
0x1c: {  	p1 =	slt.u32 s9, $0xF7A;
	s5 =	simm.s32 @!p2 $0x0  }
0x1d: {  	s5 =	simm.s32 @p1 $0x1;
	p0 =	seq.s32 s7, s2  }
0x1e: {  	s7 =	smul.u32 @!p0 $0xF7A, s2;
	p2 =	seq.s32 @!p0 s5, $0x0  }
0x1f: {  	s9 =	smul.u32 $0xF7A, s1;
	s8 =	simm.s32 @!p0 $0x1BF5;
	p2 =	por !p2, p0  }
0x20: {  	[sflag:s8] =	ssyncset.s32 @!p0 $0xFFFFF086;
	s6 =	sadd.s32 @!p0 s3, s7;
	s7 =	simm.s32 @!p0 $0x108  }
0x21: {  	s3 =	sadd.s32 s3, s9;
	s6 =	sadd.s32 @!p0 $0x88, s6;
	s7 =	simm.s32 @p2 $0x1082  }
0x22: {  	[simem:s7], [sflag:s8] =	dma.local @!p0 [hbm:s6], $0xF7A  }
0x23: {  	s9 =	sor.u32 $0xD0000000, s2;
	s6 =	simm.s32 $0x108;
	_ =	swait.ge @!p0 [sflag:s8], $0x0  }
0x24: {  	s3 =	sadd.s32 $0x88, s3;
	s6 =	simm.s32 @!p1 $0x1082;
	[sflag:s4] =	ssyncset.s32 $0xFFFFF086  }
0x25: {  	[simem:s6], [sflag:s4] =	dma.local [hbm:s3], $0xF7A  }
0x26: {  	[smem:$0x3F9A] =	sst s1;
	(tag) =	ssettag s2;
	_ =	strace s9  }
0x27: {  	s1 =	sld [smem:$0x3FAA]  }
0x28: {  	s2 =	sld [smem:$0x3FAB]  }
0x29: {  	s4 =	sld [smem:$0x3FAD]  }
0x2a: {  	p0 =	seq.s32 s5, $0x0;
	s5 =	sld [smem:$0x3FAE]  }
0x2b: {  	s6 =	sld [smem:$0x3FAF]  }
0x2c: {  	s7 =	sld [smem:$0x3FB0]  }
0x2d: {  	s3 =	simm.s32 $0x108;
	s8 =	sld [smem:$0x3FB1]  }
0x2e: {  	s3 =	simm.s32 @!p0 $0x1082;
	s9 =	sld [smem:$0x3FB2]  }
0x2f: {  	lr =	sadd.s32 s0, s3;
	s0 =	sld [smem:$0x3FA9]  }
0x30: {  	s3 =	sld [smem:$0x3FAC]  }
0x31: {  	[smem:$0x3FB5] =	sst s10  }
0x32: {  	s10 =	sld [smem:$0x3FB3];
	_ =	sdelay $0x3  }
0x33: {  	p0 =	seq.s32 s10, $0x1;
	s10 =	sld [smem:$0x3FB5];
	_ =	sdelay $0x3  }
0x34: {  	[smem:$0x3FB5] =	sst s10  }
0x35: {  	s10 =	sld [smem:$0x3FB4];
	_ =	sdelay $0x3  }
0x36: {  	p1 =	seq.s32 s10, $0x1;
	s10 =	sld [smem:$0x3FB5];
	_ =	sdelay $0x3  }
0x37: {  	[smem:$0x3FB5] =	sst s10  }
0x38: {  	s10 =	sld [smem:$0x3FB6]  }
0x39: {  	_ = 	snop;
	(pc) =	sbr.ind lr, $3  }
0x3a: {  	_ = 	snop  }
0x3b: {  	_ = 	snop  }
0x3c: {  	p2 =	seq.s32 s10, $0x1;
	s10 =	sld [smem:$0x3FB5]  }
0x3d: {  	_ =	shalt  }
0x3e: {  	_ =	shalt  }
0x3f: {  	_ =	shalt  }
0x40: {  	_ =	shalt  }
0x41: {  	_ =	shalt  }
0x42: {  	_ =	shalt  }
0x43: {  	_ =	shalt  }
0x44: {  	_ =	shalt  }
0x45: {  	_ =	shalt  }
0x46: {  	_ =	shalt  }
0x47: {  	_ =	shalt  }
0x48: {  	_ =	shalt  }
0x49: {  	_ =	shalt  }
0x4a: {  	_ =	shalt  }
0x4b: {  	_ =	shalt  }
0x4c: {  	_ =	shalt  }
0x4d: {  	_ =	shalt  }
0x4e: {  	_ =	shalt  }
0x4f: {  	_ =	shalt  }
0x50: {  	_ =	shalt  }
0x51: {  	_ =	shalt  }
0x52: {  	_ =	shalt  }
0x53: {  	_ =	shalt  }
0x54: {  	_ =	shalt  }
0x55: {  	_ =	shalt  }
0x56: {  	_ =	shalt  }
0x57: {  	_ =	shalt  }
0x58: {  	_ =	shalt  }
0x59: {  	_ =	shalt  }
0x5a: {  	_ =	shalt  }
0x5b: {  	_ =	shalt  }
0x5c: {  	_ =	shalt  }
0x5d: {  	_ =	shalt  }
0x5e: {  	_ =	shalt  }
0x5f: {  	_ =	shalt  }
0x60: {  	_ =	shalt  }
0x61: {  	_ =	shalt  }
0x62: {  	_ =	shalt  }
0x63: {  	_ =	shalt  }
0x64: {  	_ =	shalt  }
0x65: {  	_ =	shalt  }
0x66: {  	_ =	shalt  }
0x67: {  	_ =	shalt  }
0x68: {  	_ =	shalt  }
0x69: {  	_ =	shalt  }
0x6a: {  	_ =	shalt  }
0x6b: {  	_ =	shalt  }
0x6c: {  	_ =	shalt  }
0x6d: {  	_ =	shalt  }
0x6e: {  	_ =	shalt  }
0x6f: {  	_ =	shalt  }
0x70: {  	_ =	shalt  }
0x71: {  	_ =	shalt  }
0x72: {  	_ =	shalt  }
0x73: {  	_ =	shalt  }
0x74: {  	_ =	shalt  }
0x75: {  	_ =	shalt  }
0x76: {  	_ =	shalt  }
0x77: {  	_ =	shalt  }
0x78: {  	_ =	shalt  }
0x79: {  	_ =	shalt  }
0x7a: {  	_ =	shalt  }
0x7b: {  	_ =	shalt  }
0x7c: {  	_ =	shalt  }
0x7d: {  	_ =	shalt  }
0x7e: {  	_ =	shalt  }
0x7f: {  	_ =	shalt  }
0x80: {  	_ =	shalt  }
0x81: {  	_ =	shalt  }
0x82: {  	_ =	shalt  }
0x83: {  	_ =	shalt  }
0x84: {  	_ =	shalt  }
0x85: {  	_ =	shalt  }
0x86: {  	_ =	shalt  }
0x87: {  	_ =	shalt  }
.Lfunc_end0:
.L_simem_size_0:
called_computation_lowered:
.L_overlay_start_0:
0x88: {  	s2 =	sld [smem:$0x3FD9]  }
0x89: {  	s3 =	sld [smem:$0x3FFE];
	_ =	sdelay $0x1  }
0x8a: {  	s1 =	srdreg.scid  }
0x8b: {  	s0 =	sand.u32 $0x1, s1  }
0x8c: {  	s17 =	sshll.u32 s0, $0xA;
	s2 =	sadd.s32 s3, s2  }
0x8d: {  	s2 =	sadd.s32 s2, s17  }
0x8e: {  	[smem:$0x3FC1] =	sst s2  }
0x8f: {  	_ = 	snop  }
0x90: {  	s2 =	sld [smem:$0x3FD0];
	(tm) =	ssettm $0x1  }
0x91: {  	s18 =	sld [smem:$0x3FFB];
	_ =	sdelay $0x3  }
0x92: {  	_ =	strace s18  }
0x93: {  	s3 =	sld [smem:$0x3FFC];
	_ =	sdelay $0x3  }
0x94: {  	_ =	strace s3  }
0x95: {  	s3 =	sld [smem:$0x3FFD];
	_ =	sdelay $0x3  }
0x96: {  	_ =	strace s3  }
0x97: {  	_ =	strace $0x8FFFFFFF  }
0x98: {  	s19 =	sld [smem:$0x3FDB];
	_ =	sdelay $0x1  }
0x99: {  	s4 =	simm.s32 $_scs_section_size  }
0x9a: {  	s5 =	simm.s32 $_size__tile_overlayer_lowered;
	s6 =	simm.s32 $_tile_overlayer_lowered  }
0x9b: {  	s22 =	simm.s32 $0x1BFF;
	s21 =	sshll.u32 s6, $0x1;
	s3 =	sadd.s32 s4, s19  }
0x9c: {  	s7 =	simm.s32 $0x0;
	s20 =	sshll.u32 s5, $0x1;
	s5 =	sadd.s32 s21, s3  }
0x9d: {  	[timem:s7], [sflag:s22] =	dma.local [hbm:s5], s20  }
0x9e: {  	_ =	swait.ge [sflag:s22], s20  }
0x9f: {  	s4 =	ssub.s32 $0x0, s20;
	[sflag:s22] =	ssyncset.done $0x0  }
0xa0: {  	[sflag:s22] =	ssyncadd.s32 s4;
	_ =	sdelay $0x1  }
0xa1: {  	s23 =	simm.s32 $0x1B8B  }
0xa2: {  	_ =	swait.ge [sflag:s23], $0x1  }
0xa3: {  	[sflag:s23] =	ssyncset.done $0x0  }
0xa4: {  	s25 =	simm.s32 $0x1B8E;
	s24 =	sld [smem:$0x3FFE];
	[sflag:s23] =	ssyncadd.s32 $0xFFFFFFFF  }
0xa5: {  	s26 =	simm.s32 $execute0_lowered;
	[smem:$0x3FD2] =	sst s25  }
0xa6: {  	s5 =	sshll.u32 s26, $0x1;
	_ =	strace $0x80000046;
	[dreg:$0x1] =	wrdreg $0xFFFFFFFF  }
0xa7: {  	s28 =	simm.s32 $_size_execute0_lowered;
	s3 =	sadd.s32 s3, s5;
	[dreg:$0x0] =	wrdreg $0x0  }
0xa8: {  	s5 =	sshll.u32 s28, $0x1;
	[dreg:$0x2] =	wrdreg s3  }
0xa9: {  	[dreg:$0x3] =	wrdreg s5  }
0xaa: {  	[dreg:$0x4] =	wrdreg $0xC0  }
0xab: {  	_ =	task [dreg:s7], $0x5FFFF  }
0xac: {  	[dreg:$0x1] =	wrdreg $0xFFFFFFFF  }
0xad: {  	[dreg:$0x0] =	wrdreg $0x60  }
0xae: {  	[dreg:$0x2] =	wrdreg s24  }
0xaf: {  	[dreg:$0x3] =	wrdreg s2  }
0xb0: {  	[dreg:$0x4] =	wrdreg $0x9  }
0xb1: {  	_ =	task.clear_ibuf [dreg:s7], $0x5FFFF;
	_ =	strace $0x90000046  }
0xb2: {  	s29 =	simm.s32 $0x9;
	_ =	strace $0x80000048  }
0xb3: {  	_ =	swait.ge [sflag:s29], $0x1  }
0xb4: {  	[sflag:s29] =	ssyncadd.s32 $0xFFFFFFFF  }
0xb5: {  	_ =	strace $0x90000048  }
0xb6: {  	_ =	sfence  }
0xb7: {  	s30 =	sld [smem:$0x0];
	_ =	sdelay $0x2  }
0xb8: {  	s31 =	sshll.u32 s1, $0xD;
	s1 =	sshrl.u32 s1, $0x2  }
0xb9: {  	s3 =	sand.u32 $0x4000, s31;
	s1 =	sadd.s32 s1, s30  }
0xba: {  	s0 =	sor.u32 s3, s0;
	s1 =	sshll.u32 s1, $0x11  }
0xbb: {  	s0 =	sor.u32 s1, s0  }
0xbc: {  	s0 =	sadd.s32 $0x8F2B, s0  }
0xbd: {  	[sflag:s0] =	ssyncadd.remote.s32 $0x1  }
0xbe: {  	_ =	sfence.sel $0xFFFF  }
0xbf: {  	[dreg:$0x0] =	wrdreg $0xFFFFFFFF;
	(pc) =	sbr.abs _section_cstart, $3  }
0xc0: {  	[dreg:$0x1] =	wrdreg $0xFFFFFFFF  }
0xc1: {  	_ =	task.clear_ibuf [dreg:s7], $0x2FFFF;
	_ =	strace $0x9FFFFFFF  }
0xc2: {  	(tm) =	ssettm $0x7FFFFFFF  }
0xc3: {  	_ =	shalt  }
tec
execute0_lowered:
.L_overlay_start_1:
0x0: {  	(tag) =	ssettag $0x1  }
0x1: {  	s1 =	srdreg.scid;
	s0 =	stileid.u32  }
0x2: {  	s8 =	rddreg [dreg:$0x0];
	s9 =	sand.u32 $0x1, s1;
	s30 =	sshll.u32 s0, $0x1  }
0x3: {  	s2 =	rddreg [dreg:$0x1];
	s10 =	sor.u32 s9, s30  }
0x4: {  	s3 =	simm.s32 $0x0;
	s1 =	rddreg [dreg:$0x2];
	s4 =	sshll.u32 s10, $0x5  }
0x5: {  	[smem:$0x7FF] =	sst s3;
	s4 =	sadd.s32 s4, s8  }
0x6: {  	_ =	strace $0x80000047;
	s5 =	sadd.s32 $0x1C00, s4;
	s4 =	simm.s32 $0x1  }
0x7: {  	[tilespmem:s3], [sflag:$0x1] =	stream.linear.gather [hbm4b:s5+s3], $0x100, $0x38;
	[tilespmem:$0x300] =	vst v63  }
0x8: {  	_ =	swait.ge [sflag:s4], $0x100  }
0x9: {  	[sflag:s4] =	ssyncset.done $0x0  }
0xa: {  	s6 =	simm.s32 $0x100;
	[sflag:s4] =	ssyncadd.s32 $0xFFFFFF00  }
0xb: {  	[tilespmem:s6], [sflag:$0x1] =	stream.linear.gather [hbm4b:s2+s3], $0x80, $0x38;
	[tilespmem:$0x300] =	vst v63  }
0xc: {  	_ =	swait.ge [sflag:s4], $0x80  }
0xd: {  	[sflag:s4] =	ssyncset.done $0x0  }
0xe: {  	[sflag:s4] =	ssyncadd.s32 $0xFFFFFF80  }
0xf: {  	v0 =	vld [tilespmem:$0x100];
	_ =	sdelay $0x4  }
0x10: {  	v0 =	vadd.s32 $0xFF, v0  }
0x11: {  	vm0 =	vmmov $0xff;
	v0 =	vand.u32 $0xFFFFFF00, v0  }
0x12: {  	v1 =	vld [tilespmem:$0x0];
	v0 =	vnsel vm0, $0x0, v0  }
0x13: {  	(xrf0) =	vadd.scan.msk.s32 $0xffff, v0;
	_ =	sdelay $0x3  }
0x14: {  	v2 =	vand.u32 $0x7, v1;
	_ =	sdelay $0x1  }
0x15: {  	v3 =	vld [tilespmem:$0x10];
	v4, _, _ =	vpop (xrf0)  }
0x16: {  	v0 =	vsub.s32 v4, v0  }
0x17: {  	s7 =	simm.s32 $0x180;
	[tilespmem:$0x180] =	vst v0  }
0x18: {  	v0 =	vld.idx.msk [tilespmem:v2+s7+$0x0], $0xffff;
	_ =	sdelay $0x1  }
0x19: {  	v33 =	vand.u32 $0x7, v3;
	_ =	sdelay $0x1  }
0x1a: {  	v34 =	vld [tilespmem:$0x20];
	v1 =	vshra.s32 v1, $0x3  }
0x1b: {  	v0 =	vadd.s32 v1, v0  }
0x1c: {  	[tilespmem:$0x200] =	vst v0  }
0x1d: {  	v0 =	vld.idx.msk [tilespmem:v33+s7+$0x0], $0xffff;
	_ =	sdelay $0x1  }
0x1e: {  	v35 =	vand.u32 $0x7, v34;
	_ =	sdelay $0x1  }
0x1f: {  	v36 =	vld [tilespmem:$0x30];
	v3 =	vshra.s32 v3, $0x3  }
0x20: {  	v0 =	vadd.s32 v3, v0  }
0x21: {  	[tilespmem:$0x210] =	vst v0  }
0x22: {  	v0 =	vld.idx.msk [tilespmem:v35+s7+$0x0], $0xffff;
	_ =	sdelay $0x1  }
0x23: {  	v37 =	vand.u32 $0x7, v36;
	_ =	sdelay $0x1  }
0x24: {  	v38 =	vld [tilespmem:$0x40];
	v4 =	vshra.s32 v34, $0x3  }
0x25: {  	v0 =	vadd.s32 v4, v0  }
0x26: {  	[tilespmem:$0x220] =	vst v0  }
0x27: {  	v0 =	vld.idx.msk [tilespmem:v37+s7+$0x0], $0xffff;
	_ =	sdelay $0x1  }
0x28: {  	v39 =	vand.u32 $0x7, v38;
	_ =	sdelay $0x1  }
0x29: {  	v40 =	vld [tilespmem:$0x50];
	v2 =	vshra.s32 v36, $0x3  }
0x2a: {  	v0 =	vadd.s32 v2, v0  }
0x2b: {  	[tilespmem:$0x230] =	vst v0  }
0x2c: {  	v0 =	vld.idx.msk [tilespmem:v39+s7+$0x0], $0xffff;
	_ =	sdelay $0x1  }
0x2d: {  	v41 =	vand.u32 $0x7, v40;
	_ =	sdelay $0x1  }
0x2e: {  	v42 =	vld [tilespmem:$0x60];
	v3 =	vshra.s32 v38, $0x3  }
0x2f: {  	v0 =	vadd.s32 v3, v0  }
0x30: {  	[tilespmem:$0x240] =	vst v0  }
0x31: {  	v0 =	vld.idx.msk [tilespmem:v41+s7+$0x0], $0xffff;
	_ =	sdelay $0x1  }
0x32: {  	v43 =	vand.u32 $0x7, v42;
	_ =	sdelay $0x1  }
0x33: {  	v44 =	vld [tilespmem:$0x70];
	v4 =	vshra.s32 v40, $0x3  }
0x34: {  	v0 =	vadd.s32 v4, v0  }
0x35: {  	[tilespmem:$0x250] =	vst v0  }
0x36: {  	v0 =	vld.idx.msk [tilespmem:v43+s7+$0x0], $0xffff;
	_ =	sdelay $0x1  }
0x37: {  	v45 =	vand.u32 $0x7, v44;
	_ =	sdelay $0x1  }
0x38: {  	v46 =	vld [tilespmem:$0x80];
	v2 =	vshra.s32 v42, $0x3  }
0x39: {  	v0 =	vadd.s32 v2, v0  }
0x3a: {  	[tilespmem:$0x260] =	vst v0  }
0x3b: {  	v0 =	vld.idx.msk [tilespmem:v45+s7+$0x0], $0xffff;
	_ =	sdelay $0x1  }
0x3c: {  	v47 =	vand.u32 $0x7, v46;
	_ =	sdelay $0x1  }
0x3d: {  	v48 =	vld [tilespmem:$0x90];
	v3 =	vshra.s32 v44, $0x3  }
0x3e: {  	v0 =	vadd.s32 v3, v0  }
0x3f: {  	[tilespmem:$0x270] =	vst v0  }
0x40: {  	v0 =	vld.idx.msk [tilespmem:v47+s7+$0x0], $0xffff;
	_ =	sdelay $0x1  }
0x41: {  	v49 =	vand.u32 $0x7, v48;
	_ =	sdelay $0x1  }
0x42: {  	v50 =	vld [tilespmem:$0xA0];
	v4 =	vshra.s32 v46, $0x3  }
0x43: {  	v0 =	vadd.s32 v4, v0  }
0x44: {  	[tilespmem:$0x280] =	vst v0  }
0x45: {  	v0 =	vld.idx.msk [tilespmem:v49+s7+$0x0], $0xffff;
	_ =	sdelay $0x1  }
0x46: {  	v51 =	vand.u32 $0x7, v50;
	_ =	sdelay $0x1  }
0x47: {  	v52 =	vld [tilespmem:$0xB0];
	v2 =	vshra.s32 v48, $0x3  }
0x48: {  	v0 =	vadd.s32 v2, v0  }
0x49: {  	[tilespmem:$0x290] =	vst v0  }
0x4a: {  	v0 =	vld.idx.msk [tilespmem:v51+s7+$0x0], $0xffff;
	_ =	sdelay $0x1  }
0x4b: {  	v53 =	vand.u32 $0x7, v52;
	_ =	sdelay $0x1  }
0x4c: {  	v54 =	vld [tilespmem:$0xC0];
	v3 =	vshra.s32 v50, $0x3  }
0x4d: {  	v0 =	vadd.s32 v3, v0  }
0x4e: {  	[tilespmem:$0x2A0] =	vst v0  }
0x4f: {  	v0 =	vld.idx.msk [tilespmem:v53+s7+$0x0], $0xffff;
	_ =	sdelay $0x1  }
0x50: {  	v55 =	vand.u32 $0x7, v54;
	_ =	sdelay $0x1  }
0x51: {  	v56 =	vld [tilespmem:$0xD0];
	v4 =	vshra.s32 v52, $0x3  }
0x52: {  	v0 =	vadd.s32 v4, v0  }
0x53: {  	[tilespmem:$0x2B0] =	vst v0  }
0x54: {  	v0 =	vld.idx.msk [tilespmem:v55+s7+$0x0], $0xffff;
	_ =	sdelay $0x1  }
0x55: {  	v57 =	vand.u32 $0x7, v56;
	_ =	sdelay $0x1  }
0x56: {  	v58 =	vld [tilespmem:$0xE0];
	v2 =	vshra.s32 v54, $0x3  }
0x57: {  	v0 =	vadd.s32 v2, v0  }
0x58: {  	[tilespmem:$0x2C0] =	vst v0  }
0x59: {  	v0 =	vld.idx.msk [tilespmem:v57+s7+$0x0], $0xffff;
	_ =	sdelay $0x1  }
0x5a: {  	v59 =	vand.u32 $0x7, v58;
	_ =	sdelay $0x1  }
0x5b: {  	v60 =	vld [tilespmem:$0xF0];
	v3 =	vshra.s32 v56, $0x3  }
0x5c: {  	v0 =	vadd.s32 v3, v0  }
0x5d: {  	[tilespmem:$0x2D0] =	vst v0  }
0x5e: {  	v0 =	vld.idx.msk [tilespmem:v59+s7+$0x0], $0xffff;
	_ =	sdelay $0x1  }
0x5f: {  	v61 =	vand.u32 $0x7, v60;
	_ =	sdelay $0x1  }
0x60: {  	v62 =	vshra.s32 v58, $0x3  }
0x61: {  	v0 =	vadd.s32 v62, v0  }
0x62: {  	[tilespmem:$0x2E0] =	vst v0  }
0x63: {  	s9 =	ssub.s32 $0x2, s9;
	v0 =	vld.idx.msk [tilespmem:v61+s7+$0x0], $0xffff  }
0x64: {  	s31 =	sshrl.u32 s9, $0x1  }
0x65: {  	s11 =	sshll.u32 s0, $0x6;
	s9 =	ssub.s32 s9, s31  }
0x66: {  	s11 =	sand.u32 $0x300, s11;
	s10 =	sshll.u32 s10, $0x4;
	s12 =	smax.u32 s9, $0x1  }
0x67: {  	s8 =	sadd.s32 s11, s8;
	s10 =	sand.u32 $0x70, s10;
	p0 =	sne.s32 s12, $0x1;
	v63 =	vshra.s32 v60, $0x3  }
.Ltmp0:
0x68: {  	s11 =	simm.s32 $0x200;
	s8 =	sadd.s32 s10, s8;
	v0 =	vadd.s32 v63, v0;
	(pc) =	sbr.rel @!p0 .LBB2_2-.Ltmp0, $4  }
0x69: {  	s9 =	simm.s32 $0x80;
	s10 =	simm.s32 $0x400;
	s8 =	sadd.s32 $0x2000, s8;
	[tilespmem:$0x2F0] =	vst v0  }
0x6a: {  	[hbm4b:s8+s9] =	stream.strided.scatter [tilespmem:s11], [sflag:$0x1], $0x100, s10, s9, $0x38;
	[tilespmem:$0x300] =	vst v63  }
0x6b: {  	_ =	swait.ge [sflag:s4], $0x100  }
0x6c: {  	s12 =	sadd.s32 $0xFFFFFFFF, s12;
	[sflag:s4] =	ssyncset.done $0x0  }
.LBB2_1:
0x6d: {  	p0 =	sne.s32 s12, $0x1;
	s12 =	sadd.s32 $0xFFFFFFFF, s12;
	[sflag:s4] =	ssyncadd.s32 $0xFFFFFF00  }
0x6e: {  	[tilespmem:s3], [sflag:$0x1] =	stream.linear.gather [hbm4b:s5+s3], $0x100, $0x38;
	[tilespmem:$0x300] =	vst v63  }
0x6f: {  	_ =	swait.ge [sflag:s4], $0x100  }
0x70: {  	[sflag:s4] =	ssyncset.done $0x0  }
0x71: {  	[sflag:s4] =	ssyncadd.s32 $0xFFFFFF00  }
0x72: {  	[tilespmem:s6], [sflag:$0x1] =	stream.linear.gather [hbm4b:s2+s3], $0x80, $0x38;
	[tilespmem:$0x300] =	vst v63  }
0x73: {  	_ =	swait.ge [sflag:s4], $0x80  }
0x74: {  	[sflag:s4] =	ssyncset.done $0x0  }
0x75: {  	[sflag:s4] =	ssyncadd.s32 $0xFFFFFF80  }
0x76: {  	v0 =	vld [tilespmem:$0x100]  }
0x77: {  	v8 =	vld [tilespmem:$0x0]  }
0x78: {  	v9 =	vld [tilespmem:$0x10]  }
0x79: {  	v10 =	vld [tilespmem:$0x20]  }
0x7a: {  	v11 =	vld [tilespmem:$0x30]  }
0x7b: {  	v0 =	vadd.s32 $0xFF, v0;
	v12 =	vld [tilespmem:$0x40]  }
0x7c: {  	v0 =	vand.u32 $0xFFFFFF00, v0;
	v13 =	vld [tilespmem:$0x50]  }
0x7d: {  	v0 =	vnsel vm0, $0x0, v0;
	v14 =	vld [tilespmem:$0x60]  }
0x7e: {  	v15 =	vld [tilespmem:$0x70];
	(xrf0) =	vadd.scan.msk.s32 $0xffff, v0  }
0x7f: {  	v7 =	vld [tilespmem:$0x80]  }
0x80: {  	v6 =	vld [tilespmem:$0x90]  }
0x81: {  	v5 =	vld [tilespmem:$0xA0]  }
0x82: {  	v16 =	vand.u32 $0x7, v8;
	v4 =	vld [tilespmem:$0xB0]  }
0x83: {  	v3 =	vld [tilespmem:$0xC0]  }
0x84: {  	v2 =	vld [tilespmem:$0xD0];
	v1, _, _ =	vpop (xrf0)  }
0x85: {  	v0 =	vsub.s32 v1, v0;
	v1 =	vld [tilespmem:$0xE0]  }
0x86: {  	[tilespmem:$0x180] =	vst v0;
	v0 =	vld [tilespmem:$0xF0]  }
0x87: {  	v16 =	vld.idx.msk [tilespmem:v16+s7+$0x0], $0xffff;
	_ =	sdelay $0x2  }
0x88: {  	v17 =	vand.u32 $0x7, v9;
	_ =	sdelay $0x1  }
0x89: {  	v8 =	vshra.s32 v8, $0x3  }
0x8a: {  	v8 =	vadd.s32 v8, v16  }
0x8b: {  	[tilespmem:$0x200] =	vst v8  }
0x8c: {  	v8 =	vld.idx.msk [tilespmem:v17+s7+$0x0], $0xffff;
	_ =	sdelay $0x2  }
0x8d: {  	v16 =	vand.u32 $0x7, v10;
	_ =	sdelay $0x1  }
0x8e: {  	v9 =	vshra.s32 v9, $0x3  }
0x8f: {  	v8 =	vadd.s32 v9, v8  }
0x90: {  	[tilespmem:$0x210] =	vst v8  }
0x91: {  	v8 =	vld.idx.msk [tilespmem:v16+s7+$0x0], $0xffff;
	_ =	sdelay $0x2  }
0x92: {  	v9 =	vand.u32 $0x7, v11;
	_ =	sdelay $0x1  }
0x93: {  	v10 =	vshra.s32 v10, $0x3  }
0x94: {  	v8 =	vadd.s32 v10, v8  }
0x95: {  	[tilespmem:$0x220] =	vst v8  }
0x96: {  	v8 =	vld.idx.msk [tilespmem:v9+s7+$0x0], $0xffff;
	_ =	sdelay $0x2  }
0x97: {  	v9 =	vand.u32 $0x7, v12;
	_ =	sdelay $0x1  }
0x98: {  	v10 =	vshra.s32 v11, $0x3  }
0x99: {  	v8 =	vadd.s32 v10, v8  }
0x9a: {  	[tilespmem:$0x230] =	vst v8  }
0x9b: {  	v8 =	vld.idx.msk [tilespmem:v9+s7+$0x0], $0xffff;
	_ =	sdelay $0x2  }
0x9c: {  	v9 =	vand.u32 $0x7, v13;
	_ =	sdelay $0x1  }
0x9d: {  	v10 =	vshra.s32 v12, $0x3  }
0x9e: {  	v8 =	vadd.s32 v10, v8  }
0x9f: {  	[tilespmem:$0x240] =	vst v8  }
0xa0: {  	v8 =	vld.idx.msk [tilespmem:v9+s7+$0x0], $0xffff;
	_ =	sdelay $0x2  }
0xa1: {  	v9 =	vand.u32 $0x7, v14;
	_ =	sdelay $0x1  }
0xa2: {  	v10 =	vshra.s32 v13, $0x3  }
0xa3: {  	v8 =	vadd.s32 v10, v8  }
0xa4: {  	[tilespmem:$0x250] =	vst v8  }
0xa5: {  	v8 =	vld.idx.msk [tilespmem:v9+s7+$0x0], $0xffff;
	_ =	sdelay $0x2  }
0xa6: {  	v9 =	vand.u32 $0x7, v15;
	_ =	sdelay $0x1  }
0xa7: {  	v10 =	vshra.s32 v14, $0x3  }
0xa8: {  	v8 =	vadd.s32 v10, v8  }
0xa9: {  	[tilespmem:$0x260] =	vst v8  }
0xaa: {  	v8 =	vld.idx.msk [tilespmem:v9+s7+$0x0], $0xffff;
	_ =	sdelay $0x2  }
0xab: {  	v9 =	vand.u32 $0x7, v7;
	_ =	sdelay $0x1  }
0xac: {  	v10 =	vshra.s32 v15, $0x3  }
0xad: {  	v8 =	vadd.s32 v10, v8  }
0xae: {  	[tilespmem:$0x270] =	vst v8  }
0xaf: {  	v8 =	vld.idx.msk [tilespmem:v9+s7+$0x0], $0xffff;
	_ =	sdelay $0x2  }
0xb0: {  	v9 =	vand.u32 $0x7, v6;
	_ =	sdelay $0x1  }
0xb1: {  	v7 =	vshra.s32 v7, $0x3  }
0xb2: {  	v7 =	vadd.s32 v7, v8  }
0xb3: {  	[tilespmem:$0x280] =	vst v7  }
0xb4: {  	v7 =	vld.idx.msk [tilespmem:v9+s7+$0x0], $0xffff;
	_ =	sdelay $0x2  }
0xb5: {  	v8 =	vand.u32 $0x7, v5;
	_ =	sdelay $0x1  }
0xb6: {  	v6 =	vshra.s32 v6, $0x3  }
0xb7: {  	v6 =	vadd.s32 v6, v7  }
0xb8: {  	[tilespmem:$0x290] =	vst v6  }
0xb9: {  	v6 =	vld.idx.msk [tilespmem:v8+s7+$0x0], $0xffff;
	_ =	sdelay $0x2  }
0xba: {  	v7 =	vand.u32 $0x7, v4;
	_ =	sdelay $0x1  }
0xbb: {  	v5 =	vshra.s32 v5, $0x3  }
0xbc: {  	v5 =	vadd.s32 v5, v6  }
0xbd: {  	[tilespmem:$0x2A0] =	vst v5  }
0xbe: {  	v5 =	vld.idx.msk [tilespmem:v7+s7+$0x0], $0xffff;
	_ =	sdelay $0x2  }
0xbf: {  	v6 =	vand.u32 $0x7, v3;
	_ =	sdelay $0x1  }
0xc0: {  	v4 =	vshra.s32 v4, $0x3  }
0xc1: {  	v4 =	vadd.s32 v4, v5  }
0xc2: {  	[tilespmem:$0x2B0] =	vst v4  }
0xc3: {  	v4 =	vld.idx.msk [tilespmem:v6+s7+$0x0], $0xffff;
	_ =	sdelay $0x2  }
0xc4: {  	v5 =	vand.u32 $0x7, v2;
	_ =	sdelay $0x1  }
0xc5: {  	v3 =	vshra.s32 v3, $0x3  }
0xc6: {  	v3 =	vadd.s32 v3, v4  }
0xc7: {  	[tilespmem:$0x2C0] =	vst v3  }
0xc8: {  	v3 =	vld.idx.msk [tilespmem:v5+s7+$0x0], $0xffff;
	_ =	sdelay $0x2  }
0xc9: {  	v4 =	vand.u32 $0x7, v1;
	_ =	sdelay $0x1  }
0xca: {  	v2 =	vshra.s32 v2, $0x3  }
0xcb: {  	v2 =	vadd.s32 v2, v3  }
0xcc: {  	[tilespmem:$0x2D0] =	vst v2  }
0xcd: {  	v2 =	vld.idx.msk [tilespmem:v4+s7+$0x0], $0xffff;
	_ =	sdelay $0x2  }
0xce: {  	v3 =	vand.u32 $0x7, v0;
	_ =	sdelay $0x1  }
0xcf: {  	v1 =	vshra.s32 v1, $0x3  }
0xd0: {  	v1 =	vadd.s32 v1, v2  }
0xd1: {  	[tilespmem:$0x2E0] =	vst v1  }
0xd2: {  	v1 =	vld.idx.msk [tilespmem:v3+s7+$0x0], $0xffff;
	_ =	sdelay $0x4  }
0xd3: {  	v0 =	vshra.s32 v0, $0x3  }
.Ltmp1:
0xd4: {  	v0 =	vadd.s32 v0, v1;
	(pc) =	sbr.rel @p0 .LBB2_1-.Ltmp1, $4  }
0xd5: {  	[tilespmem:$0x2F0] =	vst v0  }
0xd6: {  	[hbm4b:s8+s9] =	stream.strided.scatter [tilespmem:s11], [sflag:$0x1], $0x100, s10, s9, $0x38;
	[tilespmem:$0x300] =	vst v63  }
0xd7: {  	_ =	swait.ge [sflag:s4], $0x100  }
0xd8: {  	[sflag:s4] =	ssyncset.done $0x0  }
.LBB2_2:
0xd9: {  	[sflag:s4] =	ssyncadd.s32 $0xFFFFFF00  }
0xda: {  	_ =	sfence.sel $0x180000  }
0xdb: {  	[bflag:$0x0] =	sbarrier.arrive $0xFFFF  }
0xdc: {  	p0 =	sne.s32 s0, $0x0;
	_ =	strace $0x90000047  }
0xdd: {  	s0 =	sadd.s32 @!p0 $0x100000, s1;
	[bflag:$0x2] =	sbarrier.arrive $0xFFFF  }
0xde: {  	[sflag:s0] =	ssyncadd.tile.s32 @!p0 $0x1;
	_ =	shalt  }
.Lfunc_end2:
_tile_overlayer_lowered:
.L_overlay_start_2:
0xdf: {  	(tag) =	ssettag $0x2  }
0xe0: {  	s0 =	rddreg [dreg:$0x0];
	s2 =	stileid.u32  }
0xe1: {  	s1 =	rddreg [dreg:$0x1];
	p0 =	sne.s32 s2, $0x0  }
0xe2: {  	s3 =	rddreg [dreg:$0x2];
	[bflag:$0x3] =	sbarrier.arrive $0xFFFF;
	s2 =	simm.s32 @!p0 $0x1C01  }
0xe3: {  	[timem:s3], [sflag:s2] =	dma.local @!p0 [hbm:s0], s1  }
0xe4: {  	s0 =	simm.s32 @!p0 $0x1  }
0xe5: {  	_ =	swait.ge @!p0 [sflag:s0], s1  }
0xe6: {  	s1 =	ssub.s32 @!p0 $0x0, s1;
	[sflag:s0] =	ssyncset.done @!p0 $0x0  }
0xe7: {  	[sflag:s0] =	ssyncadd.s32 @!p0 s1  }
0xe8: {  	[bflag:$0x3] =	sbarrier.arrive $0xFFFF  }
0xe9: {  	_ =	shalt  }

</sc_bundles>
